<compile_context>
chip_gen: v7x
topology: tpu7x:2x2x1
jax: 0.10.2.dev20260603
libtpu: 0.0.44.dev20260713+nightly
codegen_flags: <defaults>
</compile_context>

<pallas_src>
import functools

import jax
import jax.numpy as jnp
from jax import lax
from jax.experimental import pallas as pl
from jax.experimental.pallas import tpu as pltpu
from jax.experimental.pallas import tpu_sc as plsc

jax.config.update("jax_enable_x64", True)

_EMD_DIM = 32
_NUM_V = 1000000
_MAX_STEPS = 22
_L = 16
_WIN = 128
_N_WROWS = _NUM_V * _EMD_DIM // _WIN


def _log1p_poly(y):
    s = y / (y + 2.0)
    s2 = s * s
    p = jnp.float32(1.0 / 11.0)
    for c in (1.0 / 9.0, 1.0 / 7.0, 1.0 / 5.0, 1.0 / 3.0, 1.0):
        p = p * s2 + jnp.float32(c)
    return 2.0 * s * p


def _sc_body(uv_hbm, vv_hbm, emd_hbm, h_hbm, out_hbm,
             uv_v, vv_v, hidx_v, eidx_v, hrows_v, erows_v, prod_v,
             sem_h, sem_e):
    cid = lax.axis_index("c")
    sid = lax.axis_index("s")

    @pl.when(jnp.logical_and(cid == 0, sid == 0))
    def _():
        pltpu.sync_copy(uv_hbm, uv_v)
        pltpu.sync_copy(vv_hbm, vv_v)
        v = vv_v[...]
        u = uv_v[...]

        e_wrow = jnp.minimum(v >> 2, _N_WROWS - 1)
        o_e = (v << 5) - (e_wrow << 7)
        eidx_v[...] = e_wrow
        e_cp = pltpu.make_async_copy(emd_hbm.at[eidx_v], erows_v, sem_e)
        e_cp.start()

        lane = lax.iota(jnp.int32, _L)
        t = 2 * (_NUM_V - 1 + u)
        n = jnp.zeros((_L,), jnp.int32)
        idx_a = jnp.zeros((_L,), jnp.int32)
        idx_b = jnp.zeros((_L,), jnp.int32)
        off_a = jnp.zeros((_L,), jnp.int32)
        off_b = jnp.zeros((_L,), jnp.int32)
        for k in range(_MAX_STEPS):
            active = t != 0
            n = n + jnp.where(active, jnp.int32(1), jnp.int32(0))
            t_raw = jnp.where((t & 3) == 0, (t >> 1) - 1, t >> 1)
            t = jnp.where(active, t_raw, 0)
            i = t >> 1
            wrow = jnp.minimum(i >> 2, _N_WROWS - 1)
            off = (i << 5) - (wrow << 7)
            if k < _L:
                idx_a = jnp.where(lane == k, wrow, idx_a)
                off_a = jnp.where(lane == k, off, off_a)
            else:
                idx_b = jnp.where(lane == (k - _L), wrow, idx_b)
                off_b = jnp.where(lane == (k - _L), off, off_b)
        hidx_v[pl.ds(0, _L)] = idx_a
        hidx_v[pl.ds(_L, _L)] = idx_b

        h_cp = pltpu.make_async_copy(h_hbm.at[hidx_v], hrows_v, sem_h)
        h_cp.start()
        e_cp.wait()
        h_cp.wait()

        zero16 = jnp.zeros((_L,), jnp.int32)
        acc_a = jnp.zeros((_L,), jnp.float32)
        acc_b = jnp.zeros((_L,), jnp.float32)
        for j in range(_EMD_DIM):
            ej = plsc.load_gather(erows_v, [zero16, o_e + j])
            col_a = plsc.load_gather(hrows_v, [lane, off_a + j])
            col_b = plsc.load_gather(hrows_v, [lane + _L, off_b + j])
            acc_a = acc_a + ej * col_a
            acc_b = acc_b + ej * col_b

        def logsig(d):
            return jnp.minimum(d, 0.0) - _log1p_poly(jnp.exp(-jnp.abs(d)))

        f_a = jnp.where(lane < n, logsig(acc_a), jnp.float32(1.0))
        f_b = jnp.where(lane + _L < n, logsig(acc_b), jnp.float32(1.0))
        f = f_a * f_b
        for half in (8, 4, 2, 1):
            prod_v[...] = f
            g = plsc.load_gather(prod_v, [lane ^ half])
            f = f * g
        prod_v[...] = -f
        pltpu.sync_copy(prod_v, out_hbm)


def _sc_call(uv, vv, e2, h2):
    mesh = plsc.VectorSubcoreMesh(core_axis_name="c", subcore_axis_name="s")
    fn = functools.partial(
        pl.kernel,
        out_type=jax.ShapeDtypeStruct((_L,), jnp.float32),
        mesh=mesh,
        compiler_params=pltpu.CompilerParams(
            use_tc_tiling_on_sc=False, needs_layout_passes=False
        ),
        scratch_types=[
            pltpu.VMEM((_L,), jnp.int32),
            pltpu.VMEM((_L,), jnp.int32),
            pltpu.VMEM((2 * _L,), jnp.int32),
            pltpu.VMEM((_L,), jnp.int32),
            pltpu.VMEM((2 * _L, _WIN), jnp.float32),
            pltpu.VMEM((_L, _WIN), jnp.float32),
            pltpu.VMEM((_L,), jnp.float32),
            pltpu.SemaphoreType.DMA,
            pltpu.SemaphoreType.DMA,
        ],
    )(_sc_body)
    return fn(uv, vv, e2, h2)


def kernel(v_j, u_k, emd_table, h_table):
    e2 = emd_table.astype(jnp.float32).reshape(_N_WROWS, _WIN)
    h_flat = h_table.astype(jnp.float32).reshape(-1)
    h2 = jnp.concatenate([h_flat, jnp.zeros(_EMD_DIM, jnp.float32)]).reshape(
        _N_WROWS, _WIN
    )
    uv = jnp.full((_L,), u_k, jnp.int32)
    vv = jnp.full((_L,), v_j, jnp.int32)
    out = _sc_call(uv, vv, e2, h2)
    return out[0].astype(jnp.float64)

# --- scband reference (transcript-rebuilt; emitter-appended) ---
"""Pipeline reference for scband-deep-walk-31026843747208 (READ-ONLY COPY).

The authoritative reference and input builder live on the scoring server;
editing this copy changes nothing except your own understanding.
"""

import jax, jax.numpy as jnp
import numpy as np

jax.config.update("jax_enable_x64", True)

EMD_DIM = 32
NUM_V = 1000000


def _h_softmax_index(u, num_V):
    # Faithful replication of H_Softmax_index, including Python3 true-division
    # producing floats (e.g. 2.5) which torch.tensor(..., dtype=long) truncates.
    new = num_V - 2 + u + 1
    parents = []
    while new >= 0:
        if new % 2 == 0:
            new = (int(new) - 1) / 2
        else:
            new = int(new) / 2
        parents.append(int(new))  # truncation toward zero, matches torch long cast
        if new == 0:
            break
    return parents


def setup_inputs(seed: int = 0):
    key = jax.random.key(seed)
    k1, k2, k3, k4 = jax.random.split(key, 4)
    v_j = jax.random.randint(k1, (), 0, NUM_V, dtype=jnp.int64)
    u_k = jax.random.randint(k2, (), 0, NUM_V, dtype=jnp.int64)
    # nn.Embedding weights initialized uniform_(0, 0.3), float64
    emd_table = jax.random.uniform(k3, (NUM_V, EMD_DIM), dtype=jnp.float64) * 0.3
    h_table = jax.random.uniform(k4, (NUM_V - 1, EMD_DIM), dtype=jnp.float64) * 0.3
    return {"v_j": v_j, "u_k": u_k, "emd_table": emd_table, "h_table": h_table}


def reference(v_j, u_k, emd_table, h_table):
    emd = emd_table[v_j]  # gather: [EMD_DIM]
    # Track t = 2 * new as an exact int64: new is always a non-negative
    # half-integer in _h_softmax_index, so this replicates its arithmetic
    # exactly: new % 2 == 0  <=>  t % 4 == 0; even branch gives t//2 - 1,
    # both other branches give t//2; int(new_next) == t_next // 2; the
    # break condition new == 0 is t == 0.
    t0 = 2 * (NUM_V - 1 + u_k.astype(jnp.int64))

    def cond(carry):
        t, _ = carry
        return t != 0

    def body(carry):
        t, log_pr = carry
        t_next = jnp.where(t % 4 == 0, t // 2 - 1, t // 2)
        i = t_next // 2
        log_pr = log_pr * jax.nn.log_sigmoid(jnp.dot(emd, h_table[i]))
        return t_next, log_pr

    _, log_pr = jax.lax.while_loop(
        cond, body, (t0, jnp.asarray(1.0, dtype=jnp.float64))
    )
    return -log_pr

if __name__ == "__main__":
    import jax
    _d = setup_inputs()
    print(jax.jit(kernel)(*tuple(_d.values())))

</pallas_src>

<mosaic_0001>
#map = affine_map<(d0, d1) -> (0)>
#map1 = affine_map<(d0, d1) -> (0, 0)>
module attributes {stable_mosaic.version = 14 : i64} {
  func.func @_sc_body(%arg0: i32, %arg1: i32, %arg2: memref<16xi32, #tpu.memory_space<hbm>>, %arg3: memref<16xi32, #tpu.memory_space<hbm>>, %arg4: memref<250000x128xf32, #tpu.memory_space<hbm>>, %arg5: memref<250000x128xf32, #tpu.memory_space<hbm>>, %arg6: memref<16xf32, #tpu.memory_space<hbm>>, %arg7: memref<16xi32, #tpu.memory_space<vmem>>, %arg8: memref<16xi32, #tpu.memory_space<vmem>>, %arg9: memref<32xi32, #tpu.memory_space<vmem>>, %arg10: memref<16xi32, #tpu.memory_space<vmem>>, %arg11: memref<32x128xf32, #tpu.memory_space<vmem>>, %arg12: memref<16x128xf32, #tpu.memory_space<vmem>>, %arg13: memref<16xf32, #tpu.memory_space<vmem>>, %arg14: memref<!tpu.dma_semaphore, #tpu.memory_space<semaphore_mem>>, %arg15: memref<!tpu.dma_semaphore, #tpu.memory_space<semaphore_mem>>) attributes {dimension_semantics = [#tpu.dimension_semantics<core_parallel>, #tpu.dimension_semantics<subcore_parallel>], iteration_bounds = array<i64: 2, 16>, scalar_prefetch = 0 : i64, scratch_operands = 9 : i64, tpu.core_type = #tpu.core_type<sc_vector_subcore>, window_params = [{transform_indices = #map}, {transform_indices = #map}, {transform_indices = #map1}, {transform_indices = #map1}, {transform_indices = #map}]} {
    %eq3A = arith.constant 0 : i32
    %eq3A_0 = arith.cmpi eq, %arg0, %eq3A : i32
    %eq3A_1 = arith.constant 0 : i32
    %eq3A_2 = arith.cmpi eq, %arg1, %eq3A_1 : i32
    %and3A = arith.andi %eq3A_0, %eq3A_2 : i1
    %convert_element_type3A = arith.extui %and3A : i1 to i32
    %cond3A = arith.constant 0 : i32
    %cond3A_3 = arith.cmpi ne, %convert_element_type3A, %cond3A : i32
    scf.if %cond3A_3 {
      "tpu.region"() ({
        %run_scoped3A = tpu.sem_alloc : memref<!tpu.dma_semaphore, #tpu.memory_space<semaphore_mem>>
        tpu.enqueue_dma source(%arg2 : memref<16xi32, #tpu.memory_space<hbm>>) target(%arg7 : memref<16xi32, #tpu.memory_space<vmem>>) target_semaphore(%run_scoped3A : memref<!tpu.dma_semaphore, #tpu.memory_space<semaphore_mem>>)
        tpu.wait_dma2 semaphore(%run_scoped3A : memref<!tpu.dma_semaphore, #tpu.memory_space<semaphore_mem>>) src(%arg2 : memref<16xi32, #tpu.memory_space<hbm>>) dst(%arg7 : memref<16xi32, #tpu.memory_space<vmem>>)
        tpu.yield
      }) : () -> ()
      "tpu.region"() ({
        %run_scoped3A = tpu.sem_alloc : memref<!tpu.dma_semaphore, #tpu.memory_space<semaphore_mem>>
        tpu.enqueue_dma source(%arg3 : memref<16xi32, #tpu.memory_space<hbm>>) target(%arg8 : memref<16xi32, #tpu.memory_space<vmem>>) target_semaphore(%run_scoped3A : memref<!tpu.dma_semaphore, #tpu.memory_space<semaphore_mem>>)
        tpu.wait_dma2 semaphore(%run_scoped3A : memref<!tpu.dma_semaphore, #tpu.memory_space<semaphore_mem>>) src(%arg3 : memref<16xi32, #tpu.memory_space<hbm>>) dst(%arg8 : memref<16xi32, #tpu.memory_space<vmem>>)
        tpu.yield
      }) : () -> ()
      %get3A = arith.constant 0 : index
      %get3A_4 = tpu.vector_load %arg8[%get3A] {strides = array<i32>} : memref<16xi32, #tpu.memory_space<vmem>>, vector<16xi32>,
      %get3A_5 = arith.constant 0 : index
      %get3A_6 = tpu.vector_load %arg7[%get3A_5] {strides = array<i32>} : memref<16xi32, #tpu.memory_space<vmem>>, vector<16xi32>,
      %shift_right_arithmetic3A = arith.constant 2 : i32
      %shift_right_arithmetic3A_7 = vector.broadcast %shift_right_arithmetic3A : i32 to vector<16xi32>
      %shift_right_arithmetic3A_8 = arith.shrsi %get3A_4, %shift_right_arithmetic3A_7 : vector<16xi32>
      %min3A = arith.constant 249999 : i32
      %min3A_9 = vector.broadcast %min3A : i32 to vector<16xi32>
      %min3A_10 = arith.minsi %shift_right_arithmetic3A_8, %min3A_9 : vector<16xi32>
      %shift_left3A = arith.constant 5 : i32
      %shift_left3A_11 = vector.broadcast %shift_left3A : i32 to vector<16xi32>
      %shift_left3A_12 = arith.shli %get3A_4, %shift_left3A_11 : vector<16xi32>
      %shift_left3A_13 = arith.constant 7 : i32
      %shift_left3A_14 = vector.broadcast %shift_left3A_13 : i32 to vector<16xi32>
      %shift_left3A_15 = arith.shli %min3A_10, %shift_left3A_14 : vector<16xi32>
      %sub3A = arith.subi %shift_left3A_12, %shift_left3A_15 : vector<16xi32>
      %swap3A = arith.constant 0 : index
      %swap3A_16 = tpu.vector_load %arg10[%swap3A] {strides = array<i32>} : memref<16xi32, #tpu.memory_space<vmem>>, vector<16xi32>,
      tpu.vector_store %arg10[%swap3A], %min3A_10 {strides = array<i32>} : memref<16xi32, #tpu.memory_space<vmem>>, vector<16xi32>,
      %dma_start3A = arith.constant 0 : i32
      %dma_start3A_17 = arith.constant 0 : i32
      %dma_start3A_18 = tpu.memref_slice %arg4[%dma_start3A, %dma_start3A_17] : memref<250000x128xf32, #tpu.memory_space<hbm>> -> memref<250000x128xf32, #tpu.memory_space<hbm>>
      tpu.enqueue_indirect_dma source(%dma_start3A_18 : memref<250000x128xf32, #tpu.memory_space<hbm>>) target(%arg12 : memref<16x128xf32, #tpu.memory_space<vmem>>) offsets(%arg10 : memref<16xi32, #tpu.memory_space<vmem>>) semaphore(%arg15 : memref<!tpu.dma_semaphore, #tpu.memory_space<semaphore_mem>>)
      %iota3A = tpu.iota {dimensions = array<i32: 0>} : vector<16xi32>
      %add3A = arith.constant 999999 : i32
      %add3A_19 = vector.broadcast %add3A : i32 to vector<16xi32>
      %add3A_20 = arith.addi %add3A_19, %get3A_6 : vector<16xi32>
      %mul3A = arith.constant 2 : i32
      %mul3A_21 = vector.broadcast %mul3A : i32 to vector<16xi32>
      %mul3A_22 = arith.muli %mul3A_21, %add3A_20 : vector<16xi32>
      %broadcast_in_dim3A = arith.constant 0 : i32
      %broadcast_in_dim3A_23 = vector.broadcast %broadcast_in_dim3A : i32 to vector<16xi32>
      %broadcast_in_dim3A_24 = arith.constant 0 : i32
      %broadcast_in_dim3A_25 = vector.broadcast %broadcast_in_dim3A_24 : i32 to vector<16xi32>
      %broadcast_in_dim3A_26 = arith.constant 0 : i32
      %broadcast_in_dim3A_27 = vector.broadcast %broadcast_in_dim3A_26 : i32 to vector<16xi32>
      %broadcast_in_dim3A_28 = arith.constant 0 : i32
      %broadcast_in_dim3A_29 = vector.broadcast %broadcast_in_dim3A_28 : i32 to vector<16xi32>
      %broadcast_in_dim3A_30 = arith.constant 0 : i32
      %broadcast_in_dim3A_31 = vector.broadcast %broadcast_in_dim3A_30 : i32 to vector<16xi32>
      %ne3A = arith.constant 0 : i32
      %ne3A_32 = vector.broadcast %ne3A : i32 to vector<16xi32>
      %ne3A_33 = arith.cmpi ne, %mul3A_22, %ne3A_32 : vector<16xi32>
      %jit3A = arith.constant 1 : i32
      %jit3A_34 = arith.constant 0 : i32
      %broadcast_in_dim3A_35 = vector.broadcast %jit3A : i32 to vector<16xi32>
      %broadcast_in_dim3A_36 = vector.broadcast %jit3A_34 : i32 to vector<16xi32>
      %select_n3A = arith.select %ne3A_33, %broadcast_in_dim3A_35, %broadcast_in_dim3A_36 : vector<16xi1>, vector<16xi32>
      %add3A_37 = arith.addi %broadcast_in_dim3A_23, %select_n3A : vector<16xi32>
      %and3A_38 = arith.constant 3 : i32
      %and3A_39 = vector.broadcast %and3A_38 : i32 to vector<16xi32>
      %and3A_40 = arith.andi %mul3A_22, %and3A_39 : vector<16xi32>
      %eq3A_41 = arith.constant 0 : i32
      %eq3A_42 = vector.broadcast %eq3A_41 : i32 to vector<16xi32>
      %eq3A_43 = arith.cmpi eq, %and3A_40, %eq3A_42 : vector<16xi32>
      %shift_right_arithmetic3A_44 = arith.constant 1 : i32
      %shift_right_arithmetic3A_45 = vector.broadcast %shift_right_arithmetic3A_44 : i32 to vector<16xi32>
      %shift_right_arithmetic3A_46 = arith.shrsi %mul3A_22, %shift_right_arithmetic3A_45 : vector<16xi32>
      %sub3A_47 = arith.constant 1 : i32
      %sub3A_48 = vector.broadcast %sub3A_47 : i32 to vector<16xi32>
      %sub3A_49 = arith.subi %shift_right_arithmetic3A_46, %sub3A_48 : vector<16xi32>
      %shift_right_arithmetic3A_50 = arith.constant 1 : i32
      %shift_right_arithmetic3A_51 = vector.broadcast %shift_right_arithmetic3A_50 : i32 to vector<16xi32>
      %shift_right_arithmetic3A_52 = arith.shrsi %mul3A_22, %shift_right_arithmetic3A_51 : vector<16xi32>
      %select_n3A_53 = arith.select %eq3A_43, %sub3A_49, %shift_right_arithmetic3A_52 : vector<16xi1>, vector<16xi32>
      %jit3A_54 = arith.constant 0 : i64
      %convert_element_type3A_55 = arith.trunci %jit3A_54 : i64 to i32
      %broadcast_in_dim3A_56 = vector.broadcast %convert_element_type3A_55 : i32 to vector<16xi32>
      %select_n3A_57 = arith.select %ne3A_33, %select_n3A_53, %broadcast_in_dim3A_56 : vector<16xi1>, vector<16xi32>
      %shift_right_arithmetic3A_58 = arith.constant 1 : i32
      %shift_right_arithmetic3A_59 = vector.broadcast %shift_right_arithmetic3A_58 : i32 to vector<16xi32>
      %shift_right_arithmetic3A_60 = arith.shrsi %select_n3A_57, %shift_right_arithmetic3A_59 : vector<16xi32>
      %shift_right_arithmetic3A_61 = arith.constant 2 : i32
      %shift_right_arithmetic3A_62 = vector.broadcast %shift_right_arithmetic3A_61 : i32 to vector<16xi32>
      %shift_right_arithmetic3A_63 = arith.shrsi %shift_right_arithmetic3A_60, %shift_right_arithmetic3A_62 : vector<16xi32>
      %min3A_64 = arith.constant 249999 : i32
      %min3A_65 = vector.broadcast %min3A_64 : i32 to vector<16xi32>
      %min3A_66 = arith.minsi %shift_right_arithmetic3A_63, %min3A_65 : vector<16xi32>
      %shift_left3A_67 = arith.constant 5 : i32
      %shift_left3A_68 = vector.broadcast %shift_left3A_67 : i32 to vector<16xi32>
      %shift_left3A_69 = arith.shli %shift_right_arithmetic3A_60, %shift_left3A_68 : vector<16xi32>
      %shift_left3A_70 = arith.constant 7 : i32
      %shift_left3A_71 = vector.broadcast %shift_left3A_70 : i32 to vector<16xi32>
      %shift_left3A_72 = arith.shli %min3A_66, %shift_left3A_71 : vector<16xi32>
      %sub3A_73 = arith.subi %shift_left3A_69, %shift_left3A_72 : vector<16xi32>
      %eq3A_74 = arith.constant 0 : i32
      %eq3A_75 = vector.broadcast %eq3A_74 : i32 to vector<16xi32>
      %eq3A_76 = arith.cmpi eq, %iota3A, %eq3A_75 : vector<16xi32>
      %select_n3A_77 = arith.select %eq3A_76, %min3A_66, %broadcast_in_dim3A_25 : vector<16xi1>, vector<16xi32>
      %eq3A_78 = arith.constant 0 : i32
      %eq3A_79 = vector.broadcast %eq3A_78 : i32 to vector<16xi32>
      %eq3A_80 = arith.cmpi eq, %iota3A, %eq3A_79 : vector<16xi32>
      %select_n3A_81 = arith.select %eq3A_80, %sub3A_73, %broadcast_in_dim3A_29 : vector<16xi1>, vector<16xi32>
      %ne3A_82 = arith.constant 0 : i32
      %ne3A_83 = vector.broadcast %ne3A_82 : i32 to vector<16xi32>
      %ne3A_84 = arith.cmpi ne, %select_n3A_57, %ne3A_83 : vector<16xi32>
      %jit3A_85 = arith.constant 1 : i32
      %jit3A_86 = arith.constant 0 : i32
      %broadcast_in_dim3A_87 = vector.broadcast %jit3A_85 : i32 to vector<16xi32>
      %broadcast_in_dim3A_88 = vector.broadcast %jit3A_86 : i32 to vector<16xi32>
      %select_n3A_89 = arith.select %ne3A_84, %broadcast_in_dim3A_87, %broadcast_in_dim3A_88 : vector<16xi1>, vector<16xi32>
      %add3A_90 = arith.addi %add3A_37, %select_n3A_89 : vector<16xi32>
      %and3A_91 = arith.constant 3 : i32
      %and3A_92 = vector.broadcast %and3A_91 : i32 to vector<16xi32>
      %and3A_93 = arith.andi %select_n3A_57, %and3A_92 : vector<16xi32>
      %eq3A_94 = arith.constant 0 : i32
      %eq3A_95 = vector.broadcast %eq3A_94 : i32 to vector<16xi32>
      %eq3A_96 = arith.cmpi eq, %and3A_93, %eq3A_95 : vector<16xi32>
      %shift_right_arithmetic3A_97 = arith.constant 1 : i32
      %shift_right_arithmetic3A_98 = vector.broadcast %shift_right_arithmetic3A_97 : i32 to vector<16xi32>
      %shift_right_arithmetic3A_99 = arith.shrsi %select_n3A_57, %shift_right_arithmetic3A_98 : vector<16xi32>
      %sub3A_100 = arith.constant 1 : i32
      %sub3A_101 = vector.broadcast %sub3A_100 : i32 to vector<16xi32>
      %sub3A_102 = arith.subi %shift_right_arithmetic3A_99, %sub3A_101 : vector<16xi32>
      %shift_right_arithmetic3A_103 = arith.constant 1 : i32
      %shift_right_arithmetic3A_104 = vector.broadcast %shift_right_arithmetic3A_103 : i32 to vector<16xi32>
      %shift_right_arithmetic3A_105 = arith.shrsi %select_n3A_57, %shift_right_arithmetic3A_104 : vector<16xi32>
      %select_n3A_106 = arith.select %eq3A_96, %sub3A_102, %shift_right_arithmetic3A_105 : vector<16xi1>, vector<16xi32>
      %jit3A_107 = arith.constant 0 : i64
      %convert_element_type3A_108 = arith.trunci %jit3A_107 : i64 to i32
      %broadcast_in_dim3A_109 = vector.broadcast %convert_element_type3A_108 : i32 to vector<16xi32>
      %select_n3A_110 = arith.select %ne3A_84, %select_n3A_106, %broadcast_in_dim3A_109 : vector<16xi1>, vector<16xi32>
      %shift_right_arithmetic3A_111 = arith.constant 1 : i32
      %shift_right_arithmetic3A_112 = vector.broadcast %shift_right_arithmetic3A_111 : i32 to vector<16xi32>
      %shift_right_arithmetic3A_113 = arith.shrsi %select_n3A_110, %shift_right_arithmetic3A_112 : vector<16xi32>
      %shift_right_arithmetic3A_114 = arith.constant 2 : i32
      %shift_right_arithmetic3A_115 = vector.broadcast %shift_right_arithmetic3A_114 : i32 to vector<16xi32>
      %shift_right_arithmetic3A_116 = arith.shrsi %shift_right_arithmetic3A_113, %shift_right_arithmetic3A_115 : vector<16xi32>
      %min3A_117 = arith.constant 249999 : i32
      %min3A_118 = vector.broadcast %min3A_117 : i32 to vector<16xi32>
      %min3A_119 = arith.minsi %shift_right_arithmetic3A_116, %min3A_118 : vector<16xi32>
      %shift_left3A_120 = arith.constant 5 : i32
      %shift_left3A_121 = vector.broadcast %shift_left3A_120 : i32 to vector<16xi32>
      %shift_left3A_122 = arith.shli %shift_right_arithmetic3A_113, %shift_left3A_121 : vector<16xi32>
      %shift_left3A_123 = arith.constant 7 : i32
      %shift_left3A_124 = vector.broadcast %shift_left3A_123 : i32 to vector<16xi32>
      %shift_left3A_125 = arith.shli %min3A_119, %shift_left3A_124 : vector<16xi32>
      %sub3A_126 = arith.subi %shift_left3A_122, %shift_left3A_125 : vector<16xi32>
      %eq3A_127 = arith.constant 1 : i32
      %eq3A_128 = vector.broadcast %eq3A_127 : i32 to vector<16xi32>
      %eq3A_129 = arith.cmpi eq, %iota3A, %eq3A_128 : vector<16xi32>
      %select_n3A_130 = arith.select %eq3A_129, %min3A_119, %select_n3A_77 : vector<16xi1>, vector<16xi32>
      %eq3A_131 = arith.constant 1 : i32
      %eq3A_132 = vector.broadcast %eq3A_131 : i32 to vector<16xi32>
      %eq3A_133 = arith.cmpi eq, %iota3A, %eq3A_132 : vector<16xi32>
      %select_n3A_134 = arith.select %eq3A_133, %sub3A_126, %select_n3A_81 : vector<16xi1>, vector<16xi32>
      %ne3A_135 = arith.constant 0 : i32
      %ne3A_136 = vector.broadcast %ne3A_135 : i32 to vector<16xi32>
      %ne3A_137 = arith.cmpi ne, %select_n3A_110, %ne3A_136 : vector<16xi32>
      %jit3A_138 = arith.constant 1 : i32
      %jit3A_139 = arith.constant 0 : i32
      %broadcast_in_dim3A_140 = vector.broadcast %jit3A_138 : i32 to vector<16xi32>
      %broadcast_in_dim3A_141 = vector.broadcast %jit3A_139 : i32 to vector<16xi32>
      %select_n3A_142 = arith.select %ne3A_137, %broadcast_in_dim3A_140, %broadcast_in_dim3A_141 : vector<16xi1>, vector<16xi32>
      %add3A_143 = arith.addi %add3A_90, %select_n3A_142 : vector<16xi32>
      %and3A_144 = arith.constant 3 : i32
      %and3A_145 = vector.broadcast %and3A_144 : i32 to vector<16xi32>
      %and3A_146 = arith.andi %select_n3A_110, %and3A_145 : vector<16xi32>
      %eq3A_147 = arith.constant 0 : i32
      %eq3A_148 = vector.broadcast %eq3A_147 : i32 to vector<16xi32>
      %eq3A_149 = arith.cmpi eq, %and3A_146, %eq3A_148 : vector<16xi32>
      %shift_right_arithmetic3A_150 = arith.constant 1 : i32
      %shift_right_arithmetic3A_151 = vector.broadcast %shift_right_arithmetic3A_150 : i32 to vector<16xi32>
      %shift_right_arithmetic3A_152 = arith.shrsi %select_n3A_110, %shift_right_arithmetic3A_151 : vector<16xi32>
      %sub3A_153 = arith.constant 1 : i32
      %sub3A_154 = vector.broadcast %sub3A_153 : i32 to vector<16xi32>
      %sub3A_155 = arith.subi %shift_right_arithmetic3A_152, %sub3A_154 : vector<16xi32>
      %shift_right_arithmetic3A_156 = arith.constant 1 : i32
      %shift_right_arithmetic3A_157 = vector.broadcast %shift_right_arithmetic3A_156 : i32 to vector<16xi32>
      %shift_right_arithmetic3A_158 = arith.shrsi %select_n3A_110, %shift_right_arithmetic3A_157 : vector<16xi32>
      %select_n3A_159 = arith.select %eq3A_149, %sub3A_155, %shift_right_arithmetic3A_158 : vector<16xi1>, vector<16xi32>
      %jit3A_160 = arith.constant 0 : i64
      %convert_element_type3A_161 = arith.trunci %jit3A_160 : i64 to i32
      %broadcast_in_dim3A_162 = vector.broadcast %convert_element_type3A_161 : i32 to vector<16xi32>
      %select_n3A_163 = arith.select %ne3A_137, %select_n3A_159, %broadcast_in_dim3A_162 : vector<16xi1>, vector<16xi32>
      %shift_right_arithmetic3A_164 = arith.constant 1 : i32
      %shift_right_arithmetic3A_165 = vector.broadcast %shift_right_arithmetic3A_164 : i32 to vector<16xi32>
      %shift_right_arithmetic3A_166 = arith.shrsi %select_n3A_163, %shift_right_arithmetic3A_165 : vector<16xi32>
      %shift_right_arithmetic3A_167 = arith.constant 2 : i32
      %shift_right_arithmetic3A_168 = vector.broadcast %shift_right_arithmetic3A_167 : i32 to vector<16xi32>
      %shift_right_arithmetic3A_169 = arith.shrsi %shift_right_arithmetic3A_166, %shift_right_arithmetic3A_168 : vector<16xi32>
      %min3A_170 = arith.constant 249999 : i32
      %min3A_171 = vector.broadcast %min3A_170 : i32 to vector<16xi32>
      %min3A_172 = arith.minsi %shift_right_arithmetic3A_169, %min3A_171 : vector<16xi32>
      %shift_left3A_173 = arith.constant 5 : i32
      %shift_left3A_174 = vector.broadcast %shift_left3A_173 : i32 to vector<16xi32>
      %shift_left3A_175 = arith.shli %shift_right_arithmetic3A_166, %shift_left3A_174 : vector<16xi32>
      %shift_left3A_176 = arith.constant 7 : i32
      %shift_left3A_177 = vector.broadcast %shift_left3A_176 : i32 to vector<16xi32>
      %shift_left3A_178 = arith.shli %min3A_172, %shift_left3A_177 : vector<16xi32>
      %sub3A_179 = arith.subi %shift_left3A_175, %shift_left3A_178 : vector<16xi32>
      %eq3A_180 = arith.constant 2 : i32
      %eq3A_181 = vector.broadcast %eq3A_180 : i32 to vector<16xi32>
      %eq3A_182 = arith.cmpi eq, %iota3A, %eq3A_181 : vector<16xi32>
      %select_n3A_183 = arith.select %eq3A_182, %min3A_172, %select_n3A_130 : vector<16xi1>, vector<16xi32>
      %eq3A_184 = arith.constant 2 : i32
      %eq3A_185 = vector.broadcast %eq3A_184 : i32 to vector<16xi32>
      %eq3A_186 = arith.cmpi eq, %iota3A, %eq3A_185 : vector<16xi32>
      %select_n3A_187 = arith.select %eq3A_186, %sub3A_179, %select_n3A_134 : vector<16xi1>, vector<16xi32>
      %ne3A_188 = arith.constant 0 : i32
      %ne3A_189 = vector.broadcast %ne3A_188 : i32 to vector<16xi32>
      %ne3A_190 = arith.cmpi ne, %select_n3A_163, %ne3A_189 : vector<16xi32>
      %jit3A_191 = arith.constant 1 : i32
      %jit3A_192 = arith.constant 0 : i32
      %broadcast_in_dim3A_193 = vector.broadcast %jit3A_191 : i32 to vector<16xi32>
      %broadcast_in_dim3A_194 = vector.broadcast %jit3A_192 : i32 to vector<16xi32>
      %select_n3A_195 = arith.select %ne3A_190, %broadcast_in_dim3A_193, %broadcast_in_dim3A_194 : vector<16xi1>, vector<16xi32>
      %add3A_196 = arith.addi %add3A_143, %select_n3A_195 : vector<16xi32>
      %and3A_197 = arith.constant 3 : i32
      %and3A_198 = vector.broadcast %and3A_197 : i32 to vector<16xi32>
      %and3A_199 = arith.andi %select_n3A_163, %and3A_198 : vector<16xi32>
      %eq3A_200 = arith.constant 0 : i32
      %eq3A_201 = vector.broadcast %eq3A_200 : i32 to vector<16xi32>
      %eq3A_202 = arith.cmpi eq, %and3A_199, %eq3A_201 : vector<16xi32>
      %shift_right_arithmetic3A_203 = arith.constant 1 : i32
      %shift_right_arithmetic3A_204 = vector.broadcast %shift_right_arithmetic3A_203 : i32 to vector<16xi32>
      %shift_right_arithmetic3A_205 = arith.shrsi %select_n3A_163, %shift_right_arithmetic3A_204 : vector<16xi32>
      %sub3A_206 = arith.constant 1 : i32
      %sub3A_207 = vector.broadcast %sub3A_206 : i32 to vector<16xi32>
      %sub3A_208 = arith.subi %shift_right_arithmetic3A_205, %sub3A_207 : vector<16xi32>
      %shift_right_arithmetic3A_209 = arith.constant 1 : i32
      %shift_right_arithmetic3A_210 = vector.broadcast %shift_right_arithmetic3A_209 : i32 to vector<16xi32>
      %shift_right_arithmetic3A_211 = arith.shrsi %select_n3A_163, %shift_right_arithmetic3A_210 : vector<16xi32>
      %select_n3A_212 = arith.select %eq3A_202, %sub3A_208, %shift_right_arithmetic3A_211 : vector<16xi1>, vector<16xi32>
      %jit3A_213 = arith.constant 0 : i64
      %convert_element_type3A_214 = arith.trunci %jit3A_213 : i64 to i32
      %broadcast_in_dim3A_215 = vector.broadcast %convert_element_type3A_214 : i32 to vector<16xi32>
      %select_n3A_216 = arith.select %ne3A_190, %select_n3A_212, %broadcast_in_dim3A_215 : vector<16xi1>, vector<16xi32>
      %shift_right_arithmetic3A_217 = arith.constant 1 : i32
      %shift_right_arithmetic3A_218 = vector.broadcast %shift_right_arithmetic3A_217 : i32 to vector<16xi32>
      %shift_right_arithmetic3A_219 = arith.shrsi %select_n3A_216, %shift_right_arithmetic3A_218 : vector<16xi32>
      %shift_right_arithmetic3A_220 = arith.constant 2 : i32
      %shift_right_arithmetic3A_221 = vector.broadcast %shift_right_arithmetic3A_220 : i32 to vector<16xi32>
      %shift_right_arithmetic3A_222 = arith.shrsi %shift_right_arithmetic3A_219, %shift_right_arithmetic3A_221 : vector<16xi32>
      %min3A_223 = arith.constant 249999 : i32
      %min3A_224 = vector.broadcast %min3A_223 : i32 to vector<16xi32>
      %min3A_225 = arith.minsi %shift_right_arithmetic3A_222, %min3A_224 : vector<16xi32>
      %shift_left3A_226 = arith.constant 5 : i32
      %shift_left3A_227 = vector.broadcast %shift_left3A_226 : i32 to vector<16xi32>
      %shift_left3A_228 = arith.shli %shift_right_arithmetic3A_219, %shift_left3A_227 : vector<16xi32>
      %shift_left3A_229 = arith.constant 7 : i32
      %shift_left3A_230 = vector.broadcast %shift_left3A_229 : i32 to vector<16xi32>
      %shift_left3A_231 = arith.shli %min3A_225, %shift_left3A_230 : vector<16xi32>
      %sub3A_232 = arith.subi %shift_left3A_228, %shift_left3A_231 : vector<16xi32>
      %eq3A_233 = arith.constant 3 : i32
      %eq3A_234 = vector.broadcast %eq3A_233 : i32 to vector<16xi32>
      %eq3A_235 = arith.cmpi eq, %iota3A, %eq3A_234 : vector<16xi32>
      %select_n3A_236 = arith.select %eq3A_235, %min3A_225, %select_n3A_183 : vector<16xi1>, vector<16xi32>
      %eq3A_237 = arith.constant 3 : i32
      %eq3A_238 = vector.broadcast %eq3A_237 : i32 to vector<16xi32>
      %eq3A_239 = arith.cmpi eq, %iota3A, %eq3A_238 : vector<16xi32>
      %select_n3A_240 = arith.select %eq3A_239, %sub3A_232, %select_n3A_187 : vector<16xi1>, vector<16xi32>
      %ne3A_241 = arith.constant 0 : i32
      %ne3A_242 = vector.broadcast %ne3A_241 : i32 to vector<16xi32>
      %ne3A_243 = arith.cmpi ne, %select_n3A_216, %ne3A_242 : vector<16xi32>
      %jit3A_244 = arith.constant 1 : i32
      %jit3A_245 = arith.constant 0 : i32
      %broadcast_in_dim3A_246 = vector.broadcast %jit3A_244 : i32 to vector<16xi32>
      %broadcast_in_dim3A_247 = vector.broadcast %jit3A_245 : i32 to vector<16xi32>
      %select_n3A_248 = arith.select %ne3A_243, %broadcast_in_dim3A_246, %broadcast_in_dim3A_247 : vector<16xi1>, vector<16xi32>
      %add3A_249 = arith.addi %add3A_196, %select_n3A_248 : vector<16xi32>
      %and3A_250 = arith.constant 3 : i32
      %and3A_251 = vector.broadcast %and3A_250 : i32 to vector<16xi32>
      %and3A_252 = arith.andi %select_n3A_216, %and3A_251 : vector<16xi32>
      %eq3A_253 = arith.constant 0 : i32
      %eq3A_254 = vector.broadcast %eq3A_253 : i32 to vector<16xi32>
      %eq3A_255 = arith.cmpi eq, %and3A_252, %eq3A_254 : vector<16xi32>
      %shift_right_arithmetic3A_256 = arith.constant 1 : i32
      %shift_right_arithmetic3A_257 = vector.broadcast %shift_right_arithmetic3A_256 : i32 to vector<16xi32>
      %shift_right_arithmetic3A_258 = arith.shrsi %select_n3A_216, %shift_right_arithmetic3A_257 : vector<16xi32>
      %sub3A_259 = arith.constant 1 : i32
      %sub3A_260 = vector.broadcast %sub3A_259 : i32 to vector<16xi32>
      %sub3A_261 = arith.subi %shift_right_arithmetic3A_258, %sub3A_260 : vector<16xi32>
      %shift_right_arithmetic3A_262 = arith.constant 1 : i32
      %shift_right_arithmetic3A_263 = vector.broadcast %shift_right_arithmetic3A_262 : i32 to vector<16xi32>
      %shift_right_arithmetic3A_264 = arith.shrsi %select_n3A_216, %shift_right_arithmetic3A_263 : vector<16xi32>
      %select_n3A_265 = arith.select %eq3A_255, %sub3A_261, %shift_right_arithmetic3A_264 : vector<16xi1>, vector<16xi32>
      %jit3A_266 = arith.constant 0 : i64
      %convert_element_type3A_267 = arith.trunci %jit3A_266 : i64 to i32
      %broadcast_in_dim3A_268 = vector.broadcast %convert_element_type3A_267 : i32 to vector<16xi32>
      %select_n3A_269 = arith.select %ne3A_243, %select_n3A_265, %broadcast_in_dim3A_268 : vector<16xi1>, vector<16xi32>
      %shift_right_arithmetic3A_270 = arith.constant 1 : i32
      %shift_right_arithmetic3A_271 = vector.broadcast %shift_right_arithmetic3A_270 : i32 to vector<16xi32>
      %shift_right_arithmetic3A_272 = arith.shrsi %select_n3A_269, %shift_right_arithmetic3A_271 : vector<16xi32>
      %shift_right_arithmetic3A_273 = arith.constant 2 : i32
      %shift_right_arithmetic3A_274 = vector.broadcast %shift_right_arithmetic3A_273 : i32 to vector<16xi32>
      %shift_right_arithmetic3A_275 = arith.shrsi %shift_right_arithmetic3A_272, %shift_right_arithmetic3A_274 : vector<16xi32>
      %min3A_276 = arith.constant 249999 : i32
      %min3A_277 = vector.broadcast %min3A_276 : i32 to vector<16xi32>
      %min3A_278 = arith.minsi %shift_right_arithmetic3A_275, %min3A_277 : vector<16xi32>
      %shift_left3A_279 = arith.constant 5 : i32
      %shift_left3A_280 = vector.broadcast %shift_left3A_279 : i32 to vector<16xi32>
      %shift_left3A_281 = arith.shli %shift_right_arithmetic3A_272, %shift_left3A_280 : vector<16xi32>
      %shift_left3A_282 = arith.constant 7 : i32
      %shift_left3A_283 = vector.broadcast %shift_left3A_282 : i32 to vector<16xi32>
      %shift_left3A_284 = arith.shli %min3A_278, %shift_left3A_283 : vector<16xi32>
      %sub3A_285 = arith.subi %shift_left3A_281, %shift_left3A_284 : vector<16xi32>
      %eq3A_286 = arith.constant 4 : i32
      %eq3A_287 = vector.broadcast %eq3A_286 : i32 to vector<16xi32>
      %eq3A_288 = arith.cmpi eq, %iota3A, %eq3A_287 : vector<16xi32>
      %select_n3A_289 = arith.select %eq3A_288, %min3A_278, %select_n3A_236 : vector<16xi1>, vector<16xi32>
      %eq3A_290 = arith.constant 4 : i32
      %eq3A_291 = vector.broadcast %eq3A_290 : i32 to vector<16xi32>
      %eq3A_292 = arith.cmpi eq, %iota3A, %eq3A_291 : vector<16xi32>
      %select_n3A_293 = arith.select %eq3A_292, %sub3A_285, %select_n3A_240 : vector<16xi1>, vector<16xi32>
      %ne3A_294 = arith.constant 0 : i32
      %ne3A_295 = vector.broadcast %ne3A_294 : i32 to vector<16xi32>
      %ne3A_296 = arith.cmpi ne, %select_n3A_269, %ne3A_295 : vector<16xi32>
      %jit3A_297 = arith.constant 1 : i32
      %jit3A_298 = arith.constant 0 : i32
      %broadcast_in_dim3A_299 = vector.broadcast %jit3A_297 : i32 to vector<16xi32>
      %broadcast_in_dim3A_300 = vector.broadcast %jit3A_298 : i32 to vector<16xi32>
      %select_n3A_301 = arith.select %ne3A_296, %broadcast_in_dim3A_299, %broadcast_in_dim3A_300 : vector<16xi1>, vector<16xi32>
      %add3A_302 = arith.addi %add3A_249, %select_n3A_301 : vector<16xi32>
      %and3A_303 = arith.constant 3 : i32
      %and3A_304 = vector.broadcast %and3A_303 : i32 to vector<16xi32>
      %and3A_305 = arith.andi %select_n3A_269, %and3A_304 : vector<16xi32>
      %eq3A_306 = arith.constant 0 : i32
      %eq3A_307 = vector.broadcast %eq3A_306 : i32 to vector<16xi32>
      %eq3A_308 = arith.cmpi eq, %and3A_305, %eq3A_307 : vector<16xi32>
      %shift_right_arithmetic3A_309 = arith.constant 1 : i32
      %shift_right_arithmetic3A_310 = vector.broadcast %shift_right_arithmetic3A_309 : i32 to vector<16xi32>
      %shift_right_arithmetic3A_311 = arith.shrsi %select_n3A_269, %shift_right_arithmetic3A_310 : vector<16xi32>
      %sub3A_312 = arith.constant 1 : i32
      %sub3A_313 = vector.broadcast %sub3A_312 : i32 to vector<16xi32>
      %sub3A_314 = arith.subi %shift_right_arithmetic3A_311, %sub3A_313 : vector<16xi32>
      %shift_right_arithmetic3A_315 = arith.constant 1 : i32
      %shift_right_arithmetic3A_316 = vector.broadcast %shift_right_arithmetic3A_315 : i32 to vector<16xi32>
      %shift_right_arithmetic3A_317 = arith.shrsi %select_n3A_269, %shift_right_arithmetic3A_316 : vector<16xi32>
      %select_n3A_318 = arith.select %eq3A_308, %sub3A_314, %shift_right_arithmetic3A_317 : vector<16xi1>, vector<16xi32>
      %jit3A_319 = arith.constant 0 : i64
      %convert_element_type3A_320 = arith.trunci %jit3A_319 : i64 to i32
      %broadcast_in_dim3A_321 = vector.broadcast %convert_element_type3A_320 : i32 to vector<16xi32>
      %select_n3A_322 = arith.select %ne3A_296, %select_n3A_318, %broadcast_in_dim3A_321 : vector<16xi1>, vector<16xi32>
      %shift_right_arithmetic3A_323 = arith.constant 1 : i32
      %shift_right_arithmetic3A_324 = vector.broadcast %shift_right_arithmetic3A_323 : i32 to vector<16xi32>
      %shift_right_arithmetic3A_325 = arith.shrsi %select_n3A_322, %shift_right_arithmetic3A_324 : vector<16xi32>
      %shift_right_arithmetic3A_326 = arith.constant 2 : i32
      %shift_right_arithmetic3A_327 = vector.broadcast %shift_right_arithmetic3A_326 : i32 to vector<16xi32>
      %shift_right_arithmetic3A_328 = arith.shrsi %shift_right_arithmetic3A_325, %shift_right_arithmetic3A_327 : vector<16xi32>
      %min3A_329 = arith.constant 249999 : i32
      %min3A_330 = vector.broadcast %min3A_329 : i32 to vector<16xi32>
      %min3A_331 = arith.minsi %shift_right_arithmetic3A_328, %min3A_330 : vector<16xi32>
      %shift_left3A_332 = arith.constant 5 : i32
      %shift_left3A_333 = vector.broadcast %shift_left3A_332 : i32 to vector<16xi32>
      %shift_left3A_334 = arith.shli %shift_right_arithmetic3A_325, %shift_left3A_333 : vector<16xi32>
      %shift_left3A_335 = arith.constant 7 : i32
      %shift_left3A_336 = vector.broadcast %shift_left3A_335 : i32 to vector<16xi32>
      %shift_left3A_337 = arith.shli %min3A_331, %shift_left3A_336 : vector<16xi32>
      %sub3A_338 = arith.subi %shift_left3A_334, %shift_left3A_337 : vector<16xi32>
      %eq3A_339 = arith.constant 5 : i32
      %eq3A_340 = vector.broadcast %eq3A_339 : i32 to vector<16xi32>
      %eq3A_341 = arith.cmpi eq, %iota3A, %eq3A_340 : vector<16xi32>
      %select_n3A_342 = arith.select %eq3A_341, %min3A_331, %select_n3A_289 : vector<16xi1>, vector<16xi32>
      %eq3A_343 = arith.constant 5 : i32
      %eq3A_344 = vector.broadcast %eq3A_343 : i32 to vector<16xi32>
      %eq3A_345 = arith.cmpi eq, %iota3A, %eq3A_344 : vector<16xi32>
      %select_n3A_346 = arith.select %eq3A_345, %sub3A_338, %select_n3A_293 : vector<16xi1>, vector<16xi32>
      %ne3A_347 = arith.constant 0 : i32
      %ne3A_348 = vector.broadcast %ne3A_347 : i32 to vector<16xi32>
      %ne3A_349 = arith.cmpi ne, %select_n3A_322, %ne3A_348 : vector<16xi32>
      %jit3A_350 = arith.constant 1 : i32
      %jit3A_351 = arith.constant 0 : i32
      %broadcast_in_dim3A_352 = vector.broadcast %jit3A_350 : i32 to vector<16xi32>
      %broadcast_in_dim3A_353 = vector.broadcast %jit3A_351 : i32 to vector<16xi32>
      %select_n3A_354 = arith.select %ne3A_349, %broadcast_in_dim3A_352, %broadcast_in_dim3A_353 : vector<16xi1>, vector<16xi32>
      %add3A_355 = arith.addi %add3A_302, %select_n3A_354 : vector<16xi32>
      %and3A_356 = arith.constant 3 : i32
      %and3A_357 = vector.broadcast %and3A_356 : i32 to vector<16xi32>
      %and3A_358 = arith.andi %select_n3A_322, %and3A_357 : vector<16xi32>
      %eq3A_359 = arith.constant 0 : i32
      %eq3A_360 = vector.broadcast %eq3A_359 : i32 to vector<16xi32>
      %eq3A_361 = arith.cmpi eq, %and3A_358, %eq3A_360 : vector<16xi32>
      %shift_right_arithmetic3A_362 = arith.constant 1 : i32
      %shift_right_arithmetic3A_363 = vector.broadcast %shift_right_arithmetic3A_362 : i32 to vector<16xi32>
      %shift_right_arithmetic3A_364 = arith.shrsi %select_n3A_322, %shift_right_arithmetic3A_363 : vector<16xi32>
      %sub3A_365 = arith.constant 1 : i32
      %sub3A_366 = vector.broadcast %sub3A_365 : i32 to vector<16xi32>
      %sub3A_367 = arith.subi %shift_right_arithmetic3A_364, %sub3A_366 : vector<16xi32>
      %shift_right_arithmetic3A_368 = arith.constant 1 : i32
      %shift_right_arithmetic3A_369 = vector.broadcast %shift_right_arithmetic3A_368 : i32 to vector<16xi32>
      %shift_right_arithmetic3A_370 = arith.shrsi %select_n3A_322, %shift_right_arithmetic3A_369 : vector<16xi32>
      %select_n3A_371 = arith.select %eq3A_361, %sub3A_367, %shift_right_arithmetic3A_370 : vector<16xi1>, vector<16xi32>
      %jit3A_372 = arith.constant 0 : i64
      %convert_element_type3A_373 = arith.trunci %jit3A_372 : i64 to i32
      %broadcast_in_dim3A_374 = vector.broadcast %convert_element_type3A_373 : i32 to vector<16xi32>
      %select_n3A_375 = arith.select %ne3A_349, %select_n3A_371, %broadcast_in_dim3A_374 : vector<16xi1>, vector<16xi32>
      %shift_right_arithmetic3A_376 = arith.constant 1 : i32
      %shift_right_arithmetic3A_377 = vector.broadcast %shift_right_arithmetic3A_376 : i32 to vector<16xi32>
      %shift_right_arithmetic3A_378 = arith.shrsi %select_n3A_375, %shift_right_arithmetic3A_377 : vector<16xi32>
      %shift_right_arithmetic3A_379 = arith.constant 2 : i32
      %shift_right_arithmetic3A_380 = vector.broadcast %shift_right_arithmetic3A_379 : i32 to vector<16xi32>
      %shift_right_arithmetic3A_381 = arith.shrsi %shift_right_arithmetic3A_378, %shift_right_arithmetic3A_380 : vector<16xi32>
      %min3A_382 = arith.constant 249999 : i32
      %min3A_383 = vector.broadcast %min3A_382 : i32 to vector<16xi32>
      %min3A_384 = arith.minsi %shift_right_arithmetic3A_381, %min3A_383 : vector<16xi32>
      %shift_left3A_385 = arith.constant 5 : i32
      %shift_left3A_386 = vector.broadcast %shift_left3A_385 : i32 to vector<16xi32>
      %shift_left3A_387 = arith.shli %shift_right_arithmetic3A_378, %shift_left3A_386 : vector<16xi32>
      %shift_left3A_388 = arith.constant 7 : i32
      %shift_left3A_389 = vector.broadcast %shift_left3A_388 : i32 to vector<16xi32>
      %shift_left3A_390 = arith.shli %min3A_384, %shift_left3A_389 : vector<16xi32>
      %sub3A_391 = arith.subi %shift_left3A_387, %shift_left3A_390 : vector<16xi32>
      %eq3A_392 = arith.constant 6 : i32
      %eq3A_393 = vector.broadcast %eq3A_392 : i32 to vector<16xi32>
      %eq3A_394 = arith.cmpi eq, %iota3A, %eq3A_393 : vector<16xi32>
      %select_n3A_395 = arith.select %eq3A_394, %min3A_384, %select_n3A_342 : vector<16xi1>, vector<16xi32>
      %eq3A_396 = arith.constant 6 : i32
      %eq3A_397 = vector.broadcast %eq3A_396 : i32 to vector<16xi32>
      %eq3A_398 = arith.cmpi eq, %iota3A, %eq3A_397 : vector<16xi32>
      %select_n3A_399 = arith.select %eq3A_398, %sub3A_391, %select_n3A_346 : vector<16xi1>, vector<16xi32>
      %ne3A_400 = arith.constant 0 : i32
      %ne3A_401 = vector.broadcast %ne3A_400 : i32 to vector<16xi32>
      %ne3A_402 = arith.cmpi ne, %select_n3A_375, %ne3A_401 : vector<16xi32>
      %jit3A_403 = arith.constant 1 : i32
      %jit3A_404 = arith.constant 0 : i32
      %broadcast_in_dim3A_405 = vector.broadcast %jit3A_403 : i32 to vector<16xi32>
      %broadcast_in_dim3A_406 = vector.broadcast %jit3A_404 : i32 to vector<16xi32>
      %select_n3A_407 = arith.select %ne3A_402, %broadcast_in_dim3A_405, %broadcast_in_dim3A_406 : vector<16xi1>, vector<16xi32>
      %add3A_408 = arith.addi %add3A_355, %select_n3A_407 : vector<16xi32>
      %and3A_409 = arith.constant 3 : i32
      %and3A_410 = vector.broadcast %and3A_409 : i32 to vector<16xi32>
      %and3A_411 = arith.andi %select_n3A_375, %and3A_410 : vector<16xi32>
      %eq3A_412 = arith.constant 0 : i32
      %eq3A_413 = vector.broadcast %eq3A_412 : i32 to vector<16xi32>
      %eq3A_414 = arith.cmpi eq, %and3A_411, %eq3A_413 : vector<16xi32>
      %shift_right_arithmetic3A_415 = arith.constant 1 : i32
      %shift_right_arithmetic3A_416 = vector.broadcast %shift_right_arithmetic3A_415 : i32 to vector<16xi32>
      %shift_right_arithmetic3A_417 = arith.shrsi %select_n3A_375, %shift_right_arithmetic3A_416 : vector<16xi32>
      %sub3A_418 = arith.constant 1 : i32
      %sub3A_419 = vector.broadcast %sub3A_418 : i32 to vector<16xi32>
      %sub3A_420 = arith.subi %shift_right_arithmetic3A_417, %sub3A_419 : vector<16xi32>
      %shift_right_arithmetic3A_421 = arith.constant 1 : i32
      %shift_right_arithmetic3A_422 = vector.broadcast %shift_right_arithmetic3A_421 : i32 to vector<16xi32>
      %shift_right_arithmetic3A_423 = arith.shrsi %select_n3A_375, %shift_right_arithmetic3A_422 : vector<16xi32>
      %select_n3A_424 = arith.select %eq3A_414, %sub3A_420, %shift_right_arithmetic3A_423 : vector<16xi1>, vector<16xi32>
      %jit3A_425 = arith.constant 0 : i64
      %convert_element_type3A_426 = arith.trunci %jit3A_425 : i64 to i32
      %broadcast_in_dim3A_427 = vector.broadcast %convert_element_type3A_426 : i32 to vector<16xi32>
      %select_n3A_428 = arith.select %ne3A_402, %select_n3A_424, %broadcast_in_dim3A_427 : vector<16xi1>, vector<16xi32>
      %shift_right_arithmetic3A_429 = arith.constant 1 : i32
      %shift_right_arithmetic3A_430 = vector.broadcast %shift_right_arithmetic3A_429 : i32 to vector<16xi32>
      %shift_right_arithmetic3A_431 = arith.shrsi %select_n3A_428, %shift_right_arithmetic3A_430 : vector<16xi32>
      %shift_right_arithmetic3A_432 = arith.constant 2 : i32
      %shift_right_arithmetic3A_433 = vector.broadcast %shift_right_arithmetic3A_432 : i32 to vector<16xi32>
      %shift_right_arithmetic3A_434 = arith.shrsi %shift_right_arithmetic3A_431, %shift_right_arithmetic3A_433 : vector<16xi32>
      %min3A_435 = arith.constant 249999 : i32
      %min3A_436 = vector.broadcast %min3A_435 : i32 to vector<16xi32>
      %min3A_437 = arith.minsi %shift_right_arithmetic3A_434, %min3A_436 : vector<16xi32>
      %shift_left3A_438 = arith.constant 5 : i32
      %shift_left3A_439 = vector.broadcast %shift_left3A_438 : i32 to vector<16xi32>
      %shift_left3A_440 = arith.shli %shift_right_arithmetic3A_431, %shift_left3A_439 : vector<16xi32>
      %shift_left3A_441 = arith.constant 7 : i32
      %shift_left3A_442 = vector.broadcast %shift_left3A_441 : i32 to vector<16xi32>
      %shift_left3A_443 = arith.shli %min3A_437, %shift_left3A_442 : vector<16xi32>
      %sub3A_444 = arith.subi %shift_left3A_440, %shift_left3A_443 : vector<16xi32>
      %eq3A_445 = arith.constant 7 : i32
      %eq3A_446 = vector.broadcast %eq3A_445 : i32 to vector<16xi32>
      %eq3A_447 = arith.cmpi eq, %iota3A, %eq3A_446 : vector<16xi32>
      %select_n3A_448 = arith.select %eq3A_447, %min3A_437, %select_n3A_395 : vector<16xi1>, vector<16xi32>
      %eq3A_449 = arith.constant 7 : i32
      %eq3A_450 = vector.broadcast %eq3A_449 : i32 to vector<16xi32>
      %eq3A_451 = arith.cmpi eq, %iota3A, %eq3A_450 : vector<16xi32>
      %select_n3A_452 = arith.select %eq3A_451, %sub3A_444, %select_n3A_399 : vector<16xi1>, vector<16xi32>
      %ne3A_453 = arith.constant 0 : i32
      %ne3A_454 = vector.broadcast %ne3A_453 : i32 to vector<16xi32>
      %ne3A_455 = arith.cmpi ne, %select_n3A_428, %ne3A_454 : vector<16xi32>
      %jit3A_456 = arith.constant 1 : i32
      %jit3A_457 = arith.constant 0 : i32
      %broadcast_in_dim3A_458 = vector.broadcast %jit3A_456 : i32 to vector<16xi32>
      %broadcast_in_dim3A_459 = vector.broadcast %jit3A_457 : i32 to vector<16xi32>
      %select_n3A_460 = arith.select %ne3A_455, %broadcast_in_dim3A_458, %broadcast_in_dim3A_459 : vector<16xi1>, vector<16xi32>
      %add3A_461 = arith.addi %add3A_408, %select_n3A_460 : vector<16xi32>
      %and3A_462 = arith.constant 3 : i32
      %and3A_463 = vector.broadcast %and3A_462 : i32 to vector<16xi32>
      %and3A_464 = arith.andi %select_n3A_428, %and3A_463 : vector<16xi32>
      %eq3A_465 = arith.constant 0 : i32
      %eq3A_466 = vector.broadcast %eq3A_465 : i32 to vector<16xi32>
      %eq3A_467 = arith.cmpi eq, %and3A_464, %eq3A_466 : vector<16xi32>
      %shift_right_arithmetic3A_468 = arith.constant 1 : i32
      %shift_right_arithmetic3A_469 = vector.broadcast %shift_right_arithmetic3A_468 : i32 to vector<16xi32>
      %shift_right_arithmetic3A_470 = arith.shrsi %select_n3A_428, %shift_right_arithmetic3A_469 : vector<16xi32>
      %sub3A_471 = arith.constant 1 : i32
      %sub3A_472 = vector.broadcast %sub3A_471 : i32 to vector<16xi32>
      %sub3A_473 = arith.subi %shift_right_arithmetic3A_470, %sub3A_472 : vector<16xi32>
      %shift_right_arithmetic3A_474 = arith.constant 1 : i32
      %shift_right_arithmetic3A_475 = vector.broadcast %shift_right_arithmetic3A_474 : i32 to vector<16xi32>
      %shift_right_arithmetic3A_476 = arith.shrsi %select_n3A_428, %shift_right_arithmetic3A_475 : vector<16xi32>
      %select_n3A_477 = arith.select %eq3A_467, %sub3A_473, %shift_right_arithmetic3A_476 : vector<16xi1>, vector<16xi32>
      %jit3A_478 = arith.constant 0 : i64
      %convert_element_type3A_479 = arith.trunci %jit3A_478 : i64 to i32
      %broadcast_in_dim3A_480 = vector.broadcast %convert_element_type3A_479 : i32 to vector<16xi32>
      %select_n3A_481 = arith.select %ne3A_455, %select_n3A_477, %broadcast_in_dim3A_480 : vector<16xi1>, vector<16xi32>
      %shift_right_arithmetic3A_482 = arith.constant 1 : i32
      %shift_right_arithmetic3A_483 = vector.broadcast %shift_right_arithmetic3A_482 : i32 to vector<16xi32>
      %shift_right_arithmetic3A_484 = arith.shrsi %select_n3A_481, %shift_right_arithmetic3A_483 : vector<16xi32>
      %shift_right_arithmetic3A_485 = arith.constant 2 : i32
      %shift_right_arithmetic3A_486 = vector.broadcast %shift_right_arithmetic3A_485 : i32 to vector<16xi32>
      %shift_right_arithmetic3A_487 = arith.shrsi %shift_right_arithmetic3A_484, %shift_right_arithmetic3A_486 : vector<16xi32>
      %min3A_488 = arith.constant 249999 : i32
      %min3A_489 = vector.broadcast %min3A_488 : i32 to vector<16xi32>
      %min3A_490 = arith.minsi %shift_right_arithmetic3A_487, %min3A_489 : vector<16xi32>
      %shift_left3A_491 = arith.constant 5 : i32
      %shift_left3A_492 = vector.broadcast %shift_left3A_491 : i32 to vector<16xi32>
      %shift_left3A_493 = arith.shli %shift_right_arithmetic3A_484, %shift_left3A_492 : vector<16xi32>
      %shift_left3A_494 = arith.constant 7 : i32
      %shift_left3A_495 = vector.broadcast %shift_left3A_494 : i32 to vector<16xi32>
      %shift_left3A_496 = arith.shli %min3A_490, %shift_left3A_495 : vector<16xi32>
      %sub3A_497 = arith.subi %shift_left3A_493, %shift_left3A_496 : vector<16xi32>
      %eq3A_498 = arith.constant 8 : i32
      %eq3A_499 = vector.broadcast %eq3A_498 : i32 to vector<16xi32>
      %eq3A_500 = arith.cmpi eq, %iota3A, %eq3A_499 : vector<16xi32>
      %select_n3A_501 = arith.select %eq3A_500, %min3A_490, %select_n3A_448 : vector<16xi1>, vector<16xi32>
      %eq3A_502 = arith.constant 8 : i32
      %eq3A_503 = vector.broadcast %eq3A_502 : i32 to vector<16xi32>
      %eq3A_504 = arith.cmpi eq, %iota3A, %eq3A_503 : vector<16xi32>
      %select_n3A_505 = arith.select %eq3A_504, %sub3A_497, %select_n3A_452 : vector<16xi1>, vector<16xi32>
      %ne3A_506 = arith.constant 0 : i32
      %ne3A_507 = vector.broadcast %ne3A_506 : i32 to vector<16xi32>
      %ne3A_508 = arith.cmpi ne, %select_n3A_481, %ne3A_507 : vector<16xi32>
      %jit3A_509 = arith.constant 1 : i32
      %jit3A_510 = arith.constant 0 : i32
      %broadcast_in_dim3A_511 = vector.broadcast %jit3A_509 : i32 to vector<16xi32>
      %broadcast_in_dim3A_512 = vector.broadcast %jit3A_510 : i32 to vector<16xi32>
      %select_n3A_513 = arith.select %ne3A_508, %broadcast_in_dim3A_511, %broadcast_in_dim3A_512 : vector<16xi1>, vector<16xi32>
      %add3A_514 = arith.addi %add3A_461, %select_n3A_513 : vector<16xi32>
      %and3A_515 = arith.constant 3 : i32
      %and3A_516 = vector.broadcast %and3A_515 : i32 to vector<16xi32>
      %and3A_517 = arith.andi %select_n3A_481, %and3A_516 : vector<16xi32>
      %eq3A_518 = arith.constant 0 : i32
      %eq3A_519 = vector.broadcast %eq3A_518 : i32 to vector<16xi32>
      %eq3A_520 = arith.cmpi eq, %and3A_517, %eq3A_519 : vector<16xi32>
      %shift_right_arithmetic3A_521 = arith.constant 1 : i32
      %shift_right_arithmetic3A_522 = vector.broadcast %shift_right_arithmetic3A_521 : i32 to vector<16xi32>
      %shift_right_arithmetic3A_523 = arith.shrsi %select_n3A_481, %shift_right_arithmetic3A_522 : vector<16xi32>
      %sub3A_524 = arith.constant 1 : i32
      %sub3A_525 = vector.broadcast %sub3A_524 : i32 to vector<16xi32>
      %sub3A_526 = arith.subi %shift_right_arithmetic3A_523, %sub3A_525 : vector<16xi32>
      %shift_right_arithmetic3A_527 = arith.constant 1 : i32
      %shift_right_arithmetic3A_528 = vector.broadcast %shift_right_arithmetic3A_527 : i32 to vector<16xi32>
      %shift_right_arithmetic3A_529 = arith.shrsi %select_n3A_481, %shift_right_arithmetic3A_528 : vector<16xi32>
      %select_n3A_530 = arith.select %eq3A_520, %sub3A_526, %shift_right_arithmetic3A_529 : vector<16xi1>, vector<16xi32>
      %jit3A_531 = arith.constant 0 : i64
      %convert_element_type3A_532 = arith.trunci %jit3A_531 : i64 to i32
      %broadcast_in_dim3A_533 = vector.broadcast %convert_element_type3A_532 : i32 to vector<16xi32>
      %select_n3A_534 = arith.select %ne3A_508, %select_n3A_530, %broadcast_in_dim3A_533 : vector<16xi1>, vector<16xi32>
      %shift_right_arithmetic3A_535 = arith.constant 1 : i32
      %shift_right_arithmetic3A_536 = vector.broadcast %shift_right_arithmetic3A_535 : i32 to vector<16xi32>
      %shift_right_arithmetic3A_537 = arith.shrsi %select_n3A_534, %shift_right_arithmetic3A_536 : vector<16xi32>
      %shift_right_arithmetic3A_538 = arith.constant 2 : i32
      %shift_right_arithmetic3A_539 = vector.broadcast %shift_right_arithmetic3A_538 : i32 to vector<16xi32>
      %shift_right_arithmetic3A_540 = arith.shrsi %shift_right_arithmetic3A_537, %shift_right_arithmetic3A_539 : vector<16xi32>
      %min3A_541 = arith.constant 249999 : i32
      %min3A_542 = vector.broadcast %min3A_541 : i32 to vector<16xi32>
      %min3A_543 = arith.minsi %shift_right_arithmetic3A_540, %min3A_542 : vector<16xi32>
      %shift_left3A_544 = arith.constant 5 : i32
      %shift_left3A_545 = vector.broadcast %shift_left3A_544 : i32 to vector<16xi32>
      %shift_left3A_546 = arith.shli %shift_right_arithmetic3A_537, %shift_left3A_545 : vector<16xi32>
      %shift_left3A_547 = arith.constant 7 : i32
      %shift_left3A_548 = vector.broadcast %shift_left3A_547 : i32 to vector<16xi32>
      %shift_left3A_549 = arith.shli %min3A_543, %shift_left3A_548 : vector<16xi32>
      %sub3A_550 = arith.subi %shift_left3A_546, %shift_left3A_549 : vector<16xi32>
      %eq3A_551 = arith.constant 9 : i32
      %eq3A_552 = vector.broadcast %eq3A_551 : i32 to vector<16xi32>
      %eq3A_553 = arith.cmpi eq, %iota3A, %eq3A_552 : vector<16xi32>
      %select_n3A_554 = arith.select %eq3A_553, %min3A_543, %select_n3A_501 : vector<16xi1>, vector<16xi32>
      %eq3A_555 = arith.constant 9 : i32
      %eq3A_556 = vector.broadcast %eq3A_555 : i32 to vector<16xi32>
      %eq3A_557 = arith.cmpi eq, %iota3A, %eq3A_556 : vector<16xi32>
      %select_n3A_558 = arith.select %eq3A_557, %sub3A_550, %select_n3A_505 : vector<16xi1>, vector<16xi32>
      %ne3A_559 = arith.constant 0 : i32
      %ne3A_560 = vector.broadcast %ne3A_559 : i32 to vector<16xi32>
      %ne3A_561 = arith.cmpi ne, %select_n3A_534, %ne3A_560 : vector<16xi32>
      %jit3A_562 = arith.constant 1 : i32
      %jit3A_563 = arith.constant 0 : i32
      %broadcast_in_dim3A_564 = vector.broadcast %jit3A_562 : i32 to vector<16xi32>
      %broadcast_in_dim3A_565 = vector.broadcast %jit3A_563 : i32 to vector<16xi32>
      %select_n3A_566 = arith.select %ne3A_561, %broadcast_in_dim3A_564, %broadcast_in_dim3A_565 : vector<16xi1>, vector<16xi32>
      %add3A_567 = arith.addi %add3A_514, %select_n3A_566 : vector<16xi32>
      %and3A_568 = arith.constant 3 : i32
      %and3A_569 = vector.broadcast %and3A_568 : i32 to vector<16xi32>
      %and3A_570 = arith.andi %select_n3A_534, %and3A_569 : vector<16xi32>
      %eq3A_571 = arith.constant 0 : i32
      %eq3A_572 = vector.broadcast %eq3A_571 : i32 to vector<16xi32>
      %eq3A_573 = arith.cmpi eq, %and3A_570, %eq3A_572 : vector<16xi32>
      %shift_right_arithmetic3A_574 = arith.constant 1 : i32
      %shift_right_arithmetic3A_575 = vector.broadcast %shift_right_arithmetic3A_574 : i32 to vector<16xi32>
      %shift_right_arithmetic3A_576 = arith.shrsi %select_n3A_534, %shift_right_arithmetic3A_575 : vector<16xi32>
      %sub3A_577 = arith.constant 1 : i32
      %sub3A_578 = vector.broadcast %sub3A_577 : i32 to vector<16xi32>
      %sub3A_579 = arith.subi %shift_right_arithmetic3A_576, %sub3A_578 : vector<16xi32>
      %shift_right_arithmetic3A_580 = arith.constant 1 : i32
      %shift_right_arithmetic3A_581 = vector.broadcast %shift_right_arithmetic3A_580 : i32 to vector<16xi32>
      %shift_right_arithmetic3A_582 = arith.shrsi %select_n3A_534, %shift_right_arithmetic3A_581 : vector<16xi32>
      %select_n3A_583 = arith.select %eq3A_573, %sub3A_579, %shift_right_arithmetic3A_582 : vector<16xi1>, vector<16xi32>
      %jit3A_584 = arith.constant 0 : i64
      %convert_element_type3A_585 = arith.trunci %jit3A_584 : i64 to i32
      %broadcast_in_dim3A_586 = vector.broadcast %convert_element_type3A_585 : i32 to vector<16xi32>
      %select_n3A_587 = arith.select %ne3A_561, %select_n3A_583, %broadcast_in_dim3A_586 : vector<16xi1>, vector<16xi32>
      %shift_right_arithmetic3A_588 = arith.constant 1 : i32
      %shift_right_arithmetic3A_589 = vector.broadcast %shift_right_arithmetic3A_588 : i32 to vector<16xi32>
      %shift_right_arithmetic3A_590 = arith.shrsi %select_n3A_587, %shift_right_arithmetic3A_589 : vector<16xi32>
      %shift_right_arithmetic3A_591 = arith.constant 2 : i32
      %shift_right_arithmetic3A_592 = vector.broadcast %shift_right_arithmetic3A_591 : i32 to vector<16xi32>
      %shift_right_arithmetic3A_593 = arith.shrsi %shift_right_arithmetic3A_590, %shift_right_arithmetic3A_592 : vector<16xi32>
      %min3A_594 = arith.constant 249999 : i32
      %min3A_595 = vector.broadcast %min3A_594 : i32 to vector<16xi32>
      %min3A_596 = arith.minsi %shift_right_arithmetic3A_593, %min3A_595 : vector<16xi32>
      %shift_left3A_597 = arith.constant 5 : i32
      %shift_left3A_598 = vector.broadcast %shift_left3A_597 : i32 to vector<16xi32>
      %shift_left3A_599 = arith.shli %shift_right_arithmetic3A_590, %shift_left3A_598 : vector<16xi32>
      %shift_left3A_600 = arith.constant 7 : i32
      %shift_left3A_601 = vector.broadcast %shift_left3A_600 : i32 to vector<16xi32>
      %shift_left3A_602 = arith.shli %min3A_596, %shift_left3A_601 : vector<16xi32>
      %sub3A_603 = arith.subi %shift_left3A_599, %shift_left3A_602 : vector<16xi32>
      %eq3A_604 = arith.constant 10 : i32
      %eq3A_605 = vector.broadcast %eq3A_604 : i32 to vector<16xi32>
      %eq3A_606 = arith.cmpi eq, %iota3A, %eq3A_605 : vector<16xi32>
      %select_n3A_607 = arith.select %eq3A_606, %min3A_596, %select_n3A_554 : vector<16xi1>, vector<16xi32>
      %eq3A_608 = arith.constant 10 : i32
      %eq3A_609 = vector.broadcast %eq3A_608 : i32 to vector<16xi32>
      %eq3A_610 = arith.cmpi eq, %iota3A, %eq3A_609 : vector<16xi32>
      %select_n3A_611 = arith.select %eq3A_610, %sub3A_603, %select_n3A_558 : vector<16xi1>, vector<16xi32>
      %ne3A_612 = arith.constant 0 : i32
      %ne3A_613 = vector.broadcast %ne3A_612 : i32 to vector<16xi32>
      %ne3A_614 = arith.cmpi ne, %select_n3A_587, %ne3A_613 : vector<16xi32>
      %jit3A_615 = arith.constant 1 : i32
      %jit3A_616 = arith.constant 0 : i32
      %broadcast_in_dim3A_617 = vector.broadcast %jit3A_615 : i32 to vector<16xi32>
      %broadcast_in_dim3A_618 = vector.broadcast %jit3A_616 : i32 to vector<16xi32>
      %select_n3A_619 = arith.select %ne3A_614, %broadcast_in_dim3A_617, %broadcast_in_dim3A_618 : vector<16xi1>, vector<16xi32>
      %add3A_620 = arith.addi %add3A_567, %select_n3A_619 : vector<16xi32>
      %and3A_621 = arith.constant 3 : i32
      %and3A_622 = vector.broadcast %and3A_621 : i32 to vector<16xi32>
      %and3A_623 = arith.andi %select_n3A_587, %and3A_622 : vector<16xi32>
      %eq3A_624 = arith.constant 0 : i32
      %eq3A_625 = vector.broadcast %eq3A_624 : i32 to vector<16xi32>
      %eq3A_626 = arith.cmpi eq, %and3A_623, %eq3A_625 : vector<16xi32>
      %shift_right_arithmetic3A_627 = arith.constant 1 : i32
      %shift_right_arithmetic3A_628 = vector.broadcast %shift_right_arithmetic3A_627 : i32 to vector<16xi32>
      %shift_right_arithmetic3A_629 = arith.shrsi %select_n3A_587, %shift_right_arithmetic3A_628 : vector<16xi32>
      %sub3A_630 = arith.constant 1 : i32
      %sub3A_631 = vector.broadcast %sub3A_630 : i32 to vector<16xi32>
      %sub3A_632 = arith.subi %shift_right_arithmetic3A_629, %sub3A_631 : vector<16xi32>
      %shift_right_arithmetic3A_633 = arith.constant 1 : i32
      %shift_right_arithmetic3A_634 = vector.broadcast %shift_right_arithmetic3A_633 : i32 to vector<16xi32>
      %shift_right_arithmetic3A_635 = arith.shrsi %select_n3A_587, %shift_right_arithmetic3A_634 : vector<16xi32>
      %select_n3A_636 = arith.select %eq3A_626, %sub3A_632, %shift_right_arithmetic3A_635 : vector<16xi1>, vector<16xi32>
      %jit3A_637 = arith.constant 0 : i64
      %convert_element_type3A_638 = arith.trunci %jit3A_637 : i64 to i32
      %broadcast_in_dim3A_639 = vector.broadcast %convert_element_type3A_638 : i32 to vector<16xi32>
      %select_n3A_640 = arith.select %ne3A_614, %select_n3A_636, %broadcast_in_dim3A_639 : vector<16xi1>, vector<16xi32>
      %shift_right_arithmetic3A_641 = arith.constant 1 : i32
      %shift_right_arithmetic3A_642 = vector.broadcast %shift_right_arithmetic3A_641 : i32 to vector<16xi32>
      %shift_right_arithmetic3A_643 = arith.shrsi %select_n3A_640, %shift_right_arithmetic3A_642 : vector<16xi32>
      %shift_right_arithmetic3A_644 = arith.constant 2 : i32
      %shift_right_arithmetic3A_645 = vector.broadcast %shift_right_arithmetic3A_644 : i32 to vector<16xi32>
      %shift_right_arithmetic3A_646 = arith.shrsi %shift_right_arithmetic3A_643, %shift_right_arithmetic3A_645 : vector<16xi32>
      %min3A_647 = arith.constant 249999 : i32
      %min3A_648 = vector.broadcast %min3A_647 : i32 to vector<16xi32>
      %min3A_649 = arith.minsi %shift_right_arithmetic3A_646, %min3A_648 : vector<16xi32>
      %shift_left3A_650 = arith.constant 5 : i32
      %shift_left3A_651 = vector.broadcast %shift_left3A_650 : i32 to vector<16xi32>
      %shift_left3A_652 = arith.shli %shift_right_arithmetic3A_643, %shift_left3A_651 : vector<16xi32>
      %shift_left3A_653 = arith.constant 7 : i32
      %shift_left3A_654 = vector.broadcast %shift_left3A_653 : i32 to vector<16xi32>
      %shift_left3A_655 = arith.shli %min3A_649, %shift_left3A_654 : vector<16xi32>
      %sub3A_656 = arith.subi %shift_left3A_652, %shift_left3A_655 : vector<16xi32>
      %eq3A_657 = arith.constant 11 : i32
      %eq3A_658 = vector.broadcast %eq3A_657 : i32 to vector<16xi32>
      %eq3A_659 = arith.cmpi eq, %iota3A, %eq3A_658 : vector<16xi32>
      %select_n3A_660 = arith.select %eq3A_659, %min3A_649, %select_n3A_607 : vector<16xi1>, vector<16xi32>
      %eq3A_661 = arith.constant 11 : i32
      %eq3A_662 = vector.broadcast %eq3A_661 : i32 to vector<16xi32>
      %eq3A_663 = arith.cmpi eq, %iota3A, %eq3A_662 : vector<16xi32>
      %select_n3A_664 = arith.select %eq3A_663, %sub3A_656, %select_n3A_611 : vector<16xi1>, vector<16xi32>
      %ne3A_665 = arith.constant 0 : i32
      %ne3A_666 = vector.broadcast %ne3A_665 : i32 to vector<16xi32>
      %ne3A_667 = arith.cmpi ne, %select_n3A_640, %ne3A_666 : vector<16xi32>
      %jit3A_668 = arith.constant 1 : i32
      %jit3A_669 = arith.constant 0 : i32
      %broadcast_in_dim3A_670 = vector.broadcast %jit3A_668 : i32 to vector<16xi32>
      %broadcast_in_dim3A_671 = vector.broadcast %jit3A_669 : i32 to vector<16xi32>
      %select_n3A_672 = arith.select %ne3A_667, %broadcast_in_dim3A_670, %broadcast_in_dim3A_671 : vector<16xi1>, vector<16xi32>
      %add3A_673 = arith.addi %add3A_620, %select_n3A_672 : vector<16xi32>
      %and3A_674 = arith.constant 3 : i32
      %and3A_675 = vector.broadcast %and3A_674 : i32 to vector<16xi32>
      %and3A_676 = arith.andi %select_n3A_640, %and3A_675 : vector<16xi32>
      %eq3A_677 = arith.constant 0 : i32
      %eq3A_678 = vector.broadcast %eq3A_677 : i32 to vector<16xi32>
      %eq3A_679 = arith.cmpi eq, %and3A_676, %eq3A_678 : vector<16xi32>
      %shift_right_arithmetic3A_680 = arith.constant 1 : i32
      %shift_right_arithmetic3A_681 = vector.broadcast %shift_right_arithmetic3A_680 : i32 to vector<16xi32>
      %shift_right_arithmetic3A_682 = arith.shrsi %select_n3A_640, %shift_right_arithmetic3A_681 : vector<16xi32>
      %sub3A_683 = arith.constant 1 : i32
      %sub3A_684 = vector.broadcast %sub3A_683 : i32 to vector<16xi32>
      %sub3A_685 = arith.subi %shift_right_arithmetic3A_682, %sub3A_684 : vector<16xi32>
      %shift_right_arithmetic3A_686 = arith.constant 1 : i32
      %shift_right_arithmetic3A_687 = vector.broadcast %shift_right_arithmetic3A_686 : i32 to vector<16xi32>
      %shift_right_arithmetic3A_688 = arith.shrsi %select_n3A_640, %shift_right_arithmetic3A_687 : vector<16xi32>
      %select_n3A_689 = arith.select %eq3A_679, %sub3A_685, %shift_right_arithmetic3A_688 : vector<16xi1>, vector<16xi32>
      %jit3A_690 = arith.constant 0 : i64
      %convert_element_type3A_691 = arith.trunci %jit3A_690 : i64 to i32
      %broadcast_in_dim3A_692 = vector.broadcast %convert_element_type3A_691 : i32 to vector<16xi32>
      %select_n3A_693 = arith.select %ne3A_667, %select_n3A_689, %broadcast_in_dim3A_692 : vector<16xi1>, vector<16xi32>
      %shift_right_arithmetic3A_694 = arith.constant 1 : i32
      %shift_right_arithmetic3A_695 = vector.broadcast %shift_right_arithmetic3A_694 : i32 to vector<16xi32>
      %shift_right_arithmetic3A_696 = arith.shrsi %select_n3A_693, %shift_right_arithmetic3A_695 : vector<16xi32>
      %shift_right_arithmetic3A_697 = arith.constant 2 : i32
      %shift_right_arithmetic3A_698 = vector.broadcast %shift_right_arithmetic3A_697 : i32 to vector<16xi32>
      %shift_right_arithmetic3A_699 = arith.shrsi %shift_right_arithmetic3A_696, %shift_right_arithmetic3A_698 : vector<16xi32>
      %min3A_700 = arith.constant 249999 : i32
      %min3A_701 = vector.broadcast %min3A_700 : i32 to vector<16xi32>
      %min3A_702 = arith.minsi %shift_right_arithmetic3A_699, %min3A_701 : vector<16xi32>
      %shift_left3A_703 = arith.constant 5 : i32
      %shift_left3A_704 = vector.broadcast %shift_left3A_703 : i32 to vector<16xi32>
      %shift_left3A_705 = arith.shli %shift_right_arithmetic3A_696, %shift_left3A_704 : vector<16xi32>
      %shift_left3A_706 = arith.constant 7 : i32
      %shift_left3A_707 = vector.broadcast %shift_left3A_706 : i32 to vector<16xi32>
      %shift_left3A_708 = arith.shli %min3A_702, %shift_left3A_707 : vector<16xi32>
      %sub3A_709 = arith.subi %shift_left3A_705, %shift_left3A_708 : vector<16xi32>
      %eq3A_710 = arith.constant 12 : i32
      %eq3A_711 = vector.broadcast %eq3A_710 : i32 to vector<16xi32>
      %eq3A_712 = arith.cmpi eq, %iota3A, %eq3A_711 : vector<16xi32>
      %select_n3A_713 = arith.select %eq3A_712, %min3A_702, %select_n3A_660 : vector<16xi1>, vector<16xi32>
      %eq3A_714 = arith.constant 12 : i32
      %eq3A_715 = vector.broadcast %eq3A_714 : i32 to vector<16xi32>
      %eq3A_716 = arith.cmpi eq, %iota3A, %eq3A_715 : vector<16xi32>
      %select_n3A_717 = arith.select %eq3A_716, %sub3A_709, %select_n3A_664 : vector<16xi1>, vector<16xi32>
      %ne3A_718 = arith.constant 0 : i32
      %ne3A_719 = vector.broadcast %ne3A_718 : i32 to vector<16xi32>
      %ne3A_720 = arith.cmpi ne, %select_n3A_693, %ne3A_719 : vector<16xi32>
      %jit3A_721 = arith.constant 1 : i32
      %jit3A_722 = arith.constant 0 : i32
      %broadcast_in_dim3A_723 = vector.broadcast %jit3A_721 : i32 to vector<16xi32>
      %broadcast_in_dim3A_724 = vector.broadcast %jit3A_722 : i32 to vector<16xi32>
      %select_n3A_725 = arith.select %ne3A_720, %broadcast_in_dim3A_723, %broadcast_in_dim3A_724 : vector<16xi1>, vector<16xi32>
      %add3A_726 = arith.addi %add3A_673, %select_n3A_725 : vector<16xi32>
      %and3A_727 = arith.constant 3 : i32
      %and3A_728 = vector.broadcast %and3A_727 : i32 to vector<16xi32>
      %and3A_729 = arith.andi %select_n3A_693, %and3A_728 : vector<16xi32>
      %eq3A_730 = arith.constant 0 : i32
      %eq3A_731 = vector.broadcast %eq3A_730 : i32 to vector<16xi32>
      %eq3A_732 = arith.cmpi eq, %and3A_729, %eq3A_731 : vector<16xi32>
      %shift_right_arithmetic3A_733 = arith.constant 1 : i32
      %shift_right_arithmetic3A_734 = vector.broadcast %shift_right_arithmetic3A_733 : i32 to vector<16xi32>
      %shift_right_arithmetic3A_735 = arith.shrsi %select_n3A_693, %shift_right_arithmetic3A_734 : vector<16xi32>
      %sub3A_736 = arith.constant 1 : i32
      %sub3A_737 = vector.broadcast %sub3A_736 : i32 to vector<16xi32>
      %sub3A_738 = arith.subi %shift_right_arithmetic3A_735, %sub3A_737 : vector<16xi32>
      %shift_right_arithmetic3A_739 = arith.constant 1 : i32
      %shift_right_arithmetic3A_740 = vector.broadcast %shift_right_arithmetic3A_739 : i32 to vector<16xi32>
      %shift_right_arithmetic3A_741 = arith.shrsi %select_n3A_693, %shift_right_arithmetic3A_740 : vector<16xi32>
      %select_n3A_742 = arith.select %eq3A_732, %sub3A_738, %shift_right_arithmetic3A_741 : vector<16xi1>, vector<16xi32>
      %jit3A_743 = arith.constant 0 : i64
      %convert_element_type3A_744 = arith.trunci %jit3A_743 : i64 to i32
      %broadcast_in_dim3A_745 = vector.broadcast %convert_element_type3A_744 : i32 to vector<16xi32>
      %select_n3A_746 = arith.select %ne3A_720, %select_n3A_742, %broadcast_in_dim3A_745 : vector<16xi1>, vector<16xi32>
      %shift_right_arithmetic3A_747 = arith.constant 1 : i32
      %shift_right_arithmetic3A_748 = vector.broadcast %shift_right_arithmetic3A_747 : i32 to vector<16xi32>
      %shift_right_arithmetic3A_749 = arith.shrsi %select_n3A_746, %shift_right_arithmetic3A_748 : vector<16xi32>
      %shift_right_arithmetic3A_750 = arith.constant 2 : i32
      %shift_right_arithmetic3A_751 = vector.broadcast %shift_right_arithmetic3A_750 : i32 to vector<16xi32>
      %shift_right_arithmetic3A_752 = arith.shrsi %shift_right_arithmetic3A_749, %shift_right_arithmetic3A_751 : vector<16xi32>
      %min3A_753 = arith.constant 249999 : i32
      %min3A_754 = vector.broadcast %min3A_753 : i32 to vector<16xi32>
      %min3A_755 = arith.minsi %shift_right_arithmetic3A_752, %min3A_754 : vector<16xi32>
      %shift_left3A_756 = arith.constant 5 : i32
      %shift_left3A_757 = vector.broadcast %shift_left3A_756 : i32 to vector<16xi32>
      %shift_left3A_758 = arith.shli %shift_right_arithmetic3A_749, %shift_left3A_757 : vector<16xi32>
      %shift_left3A_759 = arith.constant 7 : i32
      %shift_left3A_760 = vector.broadcast %shift_left3A_759 : i32 to vector<16xi32>
      %shift_left3A_761 = arith.shli %min3A_755, %shift_left3A_760 : vector<16xi32>
      %sub3A_762 = arith.subi %shift_left3A_758, %shift_left3A_761 : vector<16xi32>
      %eq3A_763 = arith.constant 13 : i32
      %eq3A_764 = vector.broadcast %eq3A_763 : i32 to vector<16xi32>
      %eq3A_765 = arith.cmpi eq, %iota3A, %eq3A_764 : vector<16xi32>
      %select_n3A_766 = arith.select %eq3A_765, %min3A_755, %select_n3A_713 : vector<16xi1>, vector<16xi32>
      %eq3A_767 = arith.constant 13 : i32
      %eq3A_768 = vector.broadcast %eq3A_767 : i32 to vector<16xi32>
      %eq3A_769 = arith.cmpi eq, %iota3A, %eq3A_768 : vector<16xi32>
      %select_n3A_770 = arith.select %eq3A_769, %sub3A_762, %select_n3A_717 : vector<16xi1>, vector<16xi32>
      %ne3A_771 = arith.constant 0 : i32
      %ne3A_772 = vector.broadcast %ne3A_771 : i32 to vector<16xi32>
      %ne3A_773 = arith.cmpi ne, %select_n3A_746, %ne3A_772 : vector<16xi32>
      %jit3A_774 = arith.constant 1 : i32
      %jit3A_775 = arith.constant 0 : i32
      %broadcast_in_dim3A_776 = vector.broadcast %jit3A_774 : i32 to vector<16xi32>
      %broadcast_in_dim3A_777 = vector.broadcast %jit3A_775 : i32 to vector<16xi32>
      %select_n3A_778 = arith.select %ne3A_773, %broadcast_in_dim3A_776, %broadcast_in_dim3A_777 : vector<16xi1>, vector<16xi32>
      %add3A_779 = arith.addi %add3A_726, %select_n3A_778 : vector<16xi32>
      %and3A_780 = arith.constant 3 : i32
      %and3A_781 = vector.broadcast %and3A_780 : i32 to vector<16xi32>
      %and3A_782 = arith.andi %select_n3A_746, %and3A_781 : vector<16xi32>
      %eq3A_783 = arith.constant 0 : i32
      %eq3A_784 = vector.broadcast %eq3A_783 : i32 to vector<16xi32>
      %eq3A_785 = arith.cmpi eq, %and3A_782, %eq3A_784 : vector<16xi32>
      %shift_right_arithmetic3A_786 = arith.constant 1 : i32
      %shift_right_arithmetic3A_787 = vector.broadcast %shift_right_arithmetic3A_786 : i32 to vector<16xi32>
      %shift_right_arithmetic3A_788 = arith.shrsi %select_n3A_746, %shift_right_arithmetic3A_787 : vector<16xi32>
      %sub3A_789 = arith.constant 1 : i32
      %sub3A_790 = vector.broadcast %sub3A_789 : i32 to vector<16xi32>
      %sub3A_791 = arith.subi %shift_right_arithmetic3A_788, %sub3A_790 : vector<16xi32>
      %shift_right_arithmetic3A_792 = arith.constant 1 : i32
      %shift_right_arithmetic3A_793 = vector.broadcast %shift_right_arithmetic3A_792 : i32 to vector<16xi32>
      %shift_right_arithmetic3A_794 = arith.shrsi %select_n3A_746, %shift_right_arithmetic3A_793 : vector<16xi32>
      %select_n3A_795 = arith.select %eq3A_785, %sub3A_791, %shift_right_arithmetic3A_794 : vector<16xi1>, vector<16xi32>
      %jit3A_796 = arith.constant 0 : i64
      %convert_element_type3A_797 = arith.trunci %jit3A_796 : i64 to i32
      %broadcast_in_dim3A_798 = vector.broadcast %convert_element_type3A_797 : i32 to vector<16xi32>
      %select_n3A_799 = arith.select %ne3A_773, %select_n3A_795, %broadcast_in_dim3A_798 : vector<16xi1>, vector<16xi32>
      %shift_right_arithmetic3A_800 = arith.constant 1 : i32
      %shift_right_arithmetic3A_801 = vector.broadcast %shift_right_arithmetic3A_800 : i32 to vector<16xi32>
      %shift_right_arithmetic3A_802 = arith.shrsi %select_n3A_799, %shift_right_arithmetic3A_801 : vector<16xi32>
      %shift_right_arithmetic3A_803 = arith.constant 2 : i32
      %shift_right_arithmetic3A_804 = vector.broadcast %shift_right_arithmetic3A_803 : i32 to vector<16xi32>
      %shift_right_arithmetic3A_805 = arith.shrsi %shift_right_arithmetic3A_802, %shift_right_arithmetic3A_804 : vector<16xi32>
      %min3A_806 = arith.constant 249999 : i32
      %min3A_807 = vector.broadcast %min3A_806 : i32 to vector<16xi32>
      %min3A_808 = arith.minsi %shift_right_arithmetic3A_805, %min3A_807 : vector<16xi32>
      %shift_left3A_809 = arith.constant 5 : i32
      %shift_left3A_810 = vector.broadcast %shift_left3A_809 : i32 to vector<16xi32>
      %shift_left3A_811 = arith.shli %shift_right_arithmetic3A_802, %shift_left3A_810 : vector<16xi32>
      %shift_left3A_812 = arith.constant 7 : i32
      %shift_left3A_813 = vector.broadcast %shift_left3A_812 : i32 to vector<16xi32>
      %shift_left3A_814 = arith.shli %min3A_808, %shift_left3A_813 : vector<16xi32>
      %sub3A_815 = arith.subi %shift_left3A_811, %shift_left3A_814 : vector<16xi32>
      %eq3A_816 = arith.constant 14 : i32
      %eq3A_817 = vector.broadcast %eq3A_816 : i32 to vector<16xi32>
      %eq3A_818 = arith.cmpi eq, %iota3A, %eq3A_817 : vector<16xi32>
      %select_n3A_819 = arith.select %eq3A_818, %min3A_808, %select_n3A_766 : vector<16xi1>, vector<16xi32>
      %eq3A_820 = arith.constant 14 : i32
      %eq3A_821 = vector.broadcast %eq3A_820 : i32 to vector<16xi32>
      %eq3A_822 = arith.cmpi eq, %iota3A, %eq3A_821 : vector<16xi32>
      %select_n3A_823 = arith.select %eq3A_822, %sub3A_815, %select_n3A_770 : vector<16xi1>, vector<16xi32>
      %ne3A_824 = arith.constant 0 : i32
      %ne3A_825 = vector.broadcast %ne3A_824 : i32 to vector<16xi32>
      %ne3A_826 = arith.cmpi ne, %select_n3A_799, %ne3A_825 : vector<16xi32>
      %jit3A_827 = arith.constant 1 : i32
      %jit3A_828 = arith.constant 0 : i32
      %broadcast_in_dim3A_829 = vector.broadcast %jit3A_827 : i32 to vector<16xi32>
      %broadcast_in_dim3A_830 = vector.broadcast %jit3A_828 : i32 to vector<16xi32>
      %select_n3A_831 = arith.select %ne3A_826, %broadcast_in_dim3A_829, %broadcast_in_dim3A_830 : vector<16xi1>, vector<16xi32>
      %add3A_832 = arith.addi %add3A_779, %select_n3A_831 : vector<16xi32>
      %and3A_833 = arith.constant 3 : i32
      %and3A_834 = vector.broadcast %and3A_833 : i32 to vector<16xi32>
      %and3A_835 = arith.andi %select_n3A_799, %and3A_834 : vector<16xi32>
      %eq3A_836 = arith.constant 0 : i32
      %eq3A_837 = vector.broadcast %eq3A_836 : i32 to vector<16xi32>
      %eq3A_838 = arith.cmpi eq, %and3A_835, %eq3A_837 : vector<16xi32>
      %shift_right_arithmetic3A_839 = arith.constant 1 : i32
      %shift_right_arithmetic3A_840 = vector.broadcast %shift_right_arithmetic3A_839 : i32 to vector<16xi32>
      %shift_right_arithmetic3A_841 = arith.shrsi %select_n3A_799, %shift_right_arithmetic3A_840 : vector<16xi32>
      %sub3A_842 = arith.constant 1 : i32
      %sub3A_843 = vector.broadcast %sub3A_842 : i32 to vector<16xi32>
      %sub3A_844 = arith.subi %shift_right_arithmetic3A_841, %sub3A_843 : vector<16xi32>
      %shift_right_arithmetic3A_845 = arith.constant 1 : i32
      %shift_right_arithmetic3A_846 = vector.broadcast %shift_right_arithmetic3A_845 : i32 to vector<16xi32>
      %shift_right_arithmetic3A_847 = arith.shrsi %select_n3A_799, %shift_right_arithmetic3A_846 : vector<16xi32>
      %select_n3A_848 = arith.select %eq3A_838, %sub3A_844, %shift_right_arithmetic3A_847 : vector<16xi1>, vector<16xi32>
      %jit3A_849 = arith.constant 0 : i64
      %convert_element_type3A_850 = arith.trunci %jit3A_849 : i64 to i32
      %broadcast_in_dim3A_851 = vector.broadcast %convert_element_type3A_850 : i32 to vector<16xi32>
      %select_n3A_852 = arith.select %ne3A_826, %select_n3A_848, %broadcast_in_dim3A_851 : vector<16xi1>, vector<16xi32>
      %shift_right_arithmetic3A_853 = arith.constant 1 : i32
      %shift_right_arithmetic3A_854 = vector.broadcast %shift_right_arithmetic3A_853 : i32 to vector<16xi32>
      %shift_right_arithmetic3A_855 = arith.shrsi %select_n3A_852, %shift_right_arithmetic3A_854 : vector<16xi32>
      %shift_right_arithmetic3A_856 = arith.constant 2 : i32
      %shift_right_arithmetic3A_857 = vector.broadcast %shift_right_arithmetic3A_856 : i32 to vector<16xi32>
      %shift_right_arithmetic3A_858 = arith.shrsi %shift_right_arithmetic3A_855, %shift_right_arithmetic3A_857 : vector<16xi32>
      %min3A_859 = arith.constant 249999 : i32
      %min3A_860 = vector.broadcast %min3A_859 : i32 to vector<16xi32>
      %min3A_861 = arith.minsi %shift_right_arithmetic3A_858, %min3A_860 : vector<16xi32>
      %shift_left3A_862 = arith.constant 5 : i32
      %shift_left3A_863 = vector.broadcast %shift_left3A_862 : i32 to vector<16xi32>
      %shift_left3A_864 = arith.shli %shift_right_arithmetic3A_855, %shift_left3A_863 : vector<16xi32>
      %shift_left3A_865 = arith.constant 7 : i32
      %shift_left3A_866 = vector.broadcast %shift_left3A_865 : i32 to vector<16xi32>
      %shift_left3A_867 = arith.shli %min3A_861, %shift_left3A_866 : vector<16xi32>
      %sub3A_868 = arith.subi %shift_left3A_864, %shift_left3A_867 : vector<16xi32>
      %eq3A_869 = arith.constant 15 : i32
      %eq3A_870 = vector.broadcast %eq3A_869 : i32 to vector<16xi32>
      %eq3A_871 = arith.cmpi eq, %iota3A, %eq3A_870 : vector<16xi32>
      %select_n3A_872 = arith.select %eq3A_871, %min3A_861, %select_n3A_819 : vector<16xi1>, vector<16xi32>
      %eq3A_873 = arith.constant 15 : i32
      %eq3A_874 = vector.broadcast %eq3A_873 : i32 to vector<16xi32>
      %eq3A_875 = arith.cmpi eq, %iota3A, %eq3A_874 : vector<16xi32>
      %select_n3A_876 = arith.select %eq3A_875, %sub3A_868, %select_n3A_823 : vector<16xi1>, vector<16xi32>
      %ne3A_877 = arith.constant 0 : i32
      %ne3A_878 = vector.broadcast %ne3A_877 : i32 to vector<16xi32>
      %ne3A_879 = arith.cmpi ne, %select_n3A_852, %ne3A_878 : vector<16xi32>
      %jit3A_880 = arith.constant 1 : i32
      %jit3A_881 = arith.constant 0 : i32
      %broadcast_in_dim3A_882 = vector.broadcast %jit3A_880 : i32 to vector<16xi32>
      %broadcast_in_dim3A_883 = vector.broadcast %jit3A_881 : i32 to vector<16xi32>
      %select_n3A_884 = arith.select %ne3A_879, %broadcast_in_dim3A_882, %broadcast_in_dim3A_883 : vector<16xi1>, vector<16xi32>
      %add3A_885 = arith.addi %add3A_832, %select_n3A_884 : vector<16xi32>
      %and3A_886 = arith.constant 3 : i32
      %and3A_887 = vector.broadcast %and3A_886 : i32 to vector<16xi32>
      %and3A_888 = arith.andi %select_n3A_852, %and3A_887 : vector<16xi32>
      %eq3A_889 = arith.constant 0 : i32
      %eq3A_890 = vector.broadcast %eq3A_889 : i32 to vector<16xi32>
      %eq3A_891 = arith.cmpi eq, %and3A_888, %eq3A_890 : vector<16xi32>
      %shift_right_arithmetic3A_892 = arith.constant 1 : i32
      %shift_right_arithmetic3A_893 = vector.broadcast %shift_right_arithmetic3A_892 : i32 to vector<16xi32>
      %shift_right_arithmetic3A_894 = arith.shrsi %select_n3A_852, %shift_right_arithmetic3A_893 : vector<16xi32>
      %sub3A_895 = arith.constant 1 : i32
      %sub3A_896 = vector.broadcast %sub3A_895 : i32 to vector<16xi32>
      %sub3A_897 = arith.subi %shift_right_arithmetic3A_894, %sub3A_896 : vector<16xi32>
      %shift_right_arithmetic3A_898 = arith.constant 1 : i32
      %shift_right_arithmetic3A_899 = vector.broadcast %shift_right_arithmetic3A_898 : i32 to vector<16xi32>
      %shift_right_arithmetic3A_900 = arith.shrsi %select_n3A_852, %shift_right_arithmetic3A_899 : vector<16xi32>
      %select_n3A_901 = arith.select %eq3A_891, %sub3A_897, %shift_right_arithmetic3A_900 : vector<16xi1>, vector<16xi32>
      %jit3A_902 = arith.constant 0 : i64
      %convert_element_type3A_903 = arith.trunci %jit3A_902 : i64 to i32
      %broadcast_in_dim3A_904 = vector.broadcast %convert_element_type3A_903 : i32 to vector<16xi32>
      %select_n3A_905 = arith.select %ne3A_879, %select_n3A_901, %broadcast_in_dim3A_904 : vector<16xi1>, vector<16xi32>
      %shift_right_arithmetic3A_906 = arith.constant 1 : i32
      %shift_right_arithmetic3A_907 = vector.broadcast %shift_right_arithmetic3A_906 : i32 to vector<16xi32>
      %shift_right_arithmetic3A_908 = arith.shrsi %select_n3A_905, %shift_right_arithmetic3A_907 : vector<16xi32>
      %shift_right_arithmetic3A_909 = arith.constant 2 : i32
      %shift_right_arithmetic3A_910 = vector.broadcast %shift_right_arithmetic3A_909 : i32 to vector<16xi32>
      %shift_right_arithmetic3A_911 = arith.shrsi %shift_right_arithmetic3A_908, %shift_right_arithmetic3A_910 : vector<16xi32>
      %min3A_912 = arith.constant 249999 : i32
      %min3A_913 = vector.broadcast %min3A_912 : i32 to vector<16xi32>
      %min3A_914 = arith.minsi %shift_right_arithmetic3A_911, %min3A_913 : vector<16xi32>
      %shift_left3A_915 = arith.constant 5 : i32
      %shift_left3A_916 = vector.broadcast %shift_left3A_915 : i32 to vector<16xi32>
      %shift_left3A_917 = arith.shli %shift_right_arithmetic3A_908, %shift_left3A_916 : vector<16xi32>
      %shift_left3A_918 = arith.constant 7 : i32
      %shift_left3A_919 = vector.broadcast %shift_left3A_918 : i32 to vector<16xi32>
      %shift_left3A_920 = arith.shli %min3A_914, %shift_left3A_919 : vector<16xi32>
      %sub3A_921 = arith.subi %shift_left3A_917, %shift_left3A_920 : vector<16xi32>
      %eq3A_922 = arith.constant 0 : i32
      %eq3A_923 = vector.broadcast %eq3A_922 : i32 to vector<16xi32>
      %eq3A_924 = arith.cmpi eq, %iota3A, %eq3A_923 : vector<16xi32>
      %select_n3A_925 = arith.select %eq3A_924, %min3A_914, %broadcast_in_dim3A_27 : vector<16xi1>, vector<16xi32>
      %eq3A_926 = arith.constant 0 : i32
      %eq3A_927 = vector.broadcast %eq3A_926 : i32 to vector<16xi32>
      %eq3A_928 = arith.cmpi eq, %iota3A, %eq3A_927 : vector<16xi32>
      %select_n3A_929 = arith.select %eq3A_928, %sub3A_921, %broadcast_in_dim3A_31 : vector<16xi1>, vector<16xi32>
      %ne3A_930 = arith.constant 0 : i32
      %ne3A_931 = vector.broadcast %ne3A_930 : i32 to vector<16xi32>
      %ne3A_932 = arith.cmpi ne, %select_n3A_905, %ne3A_931 : vector<16xi32>
      %jit3A_933 = arith.constant 1 : i32
      %jit3A_934 = arith.constant 0 : i32
      %broadcast_in_dim3A_935 = vector.broadcast %jit3A_933 : i32 to vector<16xi32>
      %broadcast_in_dim3A_936 = vector.broadcast %jit3A_934 : i32 to vector<16xi32>
      %select_n3A_937 = arith.select %ne3A_932, %broadcast_in_dim3A_935, %broadcast_in_dim3A_936 : vector<16xi1>, vector<16xi32>
      %add3A_938 = arith.addi %add3A_885, %select_n3A_937 : vector<16xi32>
      %and3A_939 = arith.constant 3 : i32
      %and3A_940 = vector.broadcast %and3A_939 : i32 to vector<16xi32>
      %and3A_941 = arith.andi %select_n3A_905, %and3A_940 : vector<16xi32>
      %eq3A_942 = arith.constant 0 : i32
      %eq3A_943 = vector.broadcast %eq3A_942 : i32 to vector<16xi32>
      %eq3A_944 = arith.cmpi eq, %and3A_941, %eq3A_943 : vector<16xi32>
      %shift_right_arithmetic3A_945 = arith.constant 1 : i32
      %shift_right_arithmetic3A_946 = vector.broadcast %shift_right_arithmetic3A_945 : i32 to vector<16xi32>
      %shift_right_arithmetic3A_947 = arith.shrsi %select_n3A_905, %shift_right_arithmetic3A_946 : vector<16xi32>
      %sub3A_948 = arith.constant 1 : i32
      %sub3A_949 = vector.broadcast %sub3A_948 : i32 to vector<16xi32>
      %sub3A_950 = arith.subi %shift_right_arithmetic3A_947, %sub3A_949 : vector<16xi32>
      %shift_right_arithmetic3A_951 = arith.constant 1 : i32
      %shift_right_arithmetic3A_952 = vector.broadcast %shift_right_arithmetic3A_951 : i32 to vector<16xi32>
      %shift_right_arithmetic3A_953 = arith.shrsi %select_n3A_905, %shift_right_arithmetic3A_952 : vector<16xi32>
      %select_n3A_954 = arith.select %eq3A_944, %sub3A_950, %shift_right_arithmetic3A_953 : vector<16xi1>, vector<16xi32>
      %jit3A_955 = arith.constant 0 : i64
      %convert_element_type3A_956 = arith.trunci %jit3A_955 : i64 to i32
      %broadcast_in_dim3A_957 = vector.broadcast %convert_element_type3A_956 : i32 to vector<16xi32>
      %select_n3A_958 = arith.select %ne3A_932, %select_n3A_954, %broadcast_in_dim3A_957 : vector<16xi1>, vector<16xi32>
      %shift_right_arithmetic3A_959 = arith.constant 1 : i32
      %shift_right_arithmetic3A_960 = vector.broadcast %shift_right_arithmetic3A_959 : i32 to vector<16xi32>
      %shift_right_arithmetic3A_961 = arith.shrsi %select_n3A_958, %shift_right_arithmetic3A_960 : vector<16xi32>
      %shift_right_arithmetic3A_962 = arith.constant 2 : i32
      %shift_right_arithmetic3A_963 = vector.broadcast %shift_right_arithmetic3A_962 : i32 to vector<16xi32>
      %shift_right_arithmetic3A_964 = arith.shrsi %shift_right_arithmetic3A_961, %shift_right_arithmetic3A_963 : vector<16xi32>
      %min3A_965 = arith.constant 249999 : i32
      %min3A_966 = vector.broadcast %min3A_965 : i32 to vector<16xi32>
      %min3A_967 = arith.minsi %shift_right_arithmetic3A_964, %min3A_966 : vector<16xi32>
      %shift_left3A_968 = arith.constant 5 : i32
      %shift_left3A_969 = vector.broadcast %shift_left3A_968 : i32 to vector<16xi32>
      %shift_left3A_970 = arith.shli %shift_right_arithmetic3A_961, %shift_left3A_969 : vector<16xi32>
      %shift_left3A_971 = arith.constant 7 : i32
      %shift_left3A_972 = vector.broadcast %shift_left3A_971 : i32 to vector<16xi32>
      %shift_left3A_973 = arith.shli %min3A_967, %shift_left3A_972 : vector<16xi32>
      %sub3A_974 = arith.subi %shift_left3A_970, %shift_left3A_973 : vector<16xi32>
      %eq3A_975 = arith.constant 1 : i32
      %eq3A_976 = vector.broadcast %eq3A_975 : i32 to vector<16xi32>
      %eq3A_977 = arith.cmpi eq, %iota3A, %eq3A_976 : vector<16xi32>
      %select_n3A_978 = arith.select %eq3A_977, %min3A_967, %select_n3A_925 : vector<16xi1>, vector<16xi32>
      %eq3A_979 = arith.constant 1 : i32
      %eq3A_980 = vector.broadcast %eq3A_979 : i32 to vector<16xi32>
      %eq3A_981 = arith.cmpi eq, %iota3A, %eq3A_980 : vector<16xi32>
      %select_n3A_982 = arith.select %eq3A_981, %sub3A_974, %select_n3A_929 : vector<16xi1>, vector<16xi32>
      %ne3A_983 = arith.constant 0 : i32
      %ne3A_984 = vector.broadcast %ne3A_983 : i32 to vector<16xi32>
      %ne3A_985 = arith.cmpi ne, %select_n3A_958, %ne3A_984 : vector<16xi32>
      %jit3A_986 = arith.constant 1 : i32
      %jit3A_987 = arith.constant 0 : i32
      %broadcast_in_dim3A_988 = vector.broadcast %jit3A_986 : i32 to vector<16xi32>
      %broadcast_in_dim3A_989 = vector.broadcast %jit3A_987 : i32 to vector<16xi32>
      %select_n3A_990 = arith.select %ne3A_985, %broadcast_in_dim3A_988, %broadcast_in_dim3A_989 : vector<16xi1>, vector<16xi32>
      %add3A_991 = arith.addi %add3A_938, %select_n3A_990 : vector<16xi32>
      %and3A_992 = arith.constant 3 : i32
      %and3A_993 = vector.broadcast %and3A_992 : i32 to vector<16xi32>
      %and3A_994 = arith.andi %select_n3A_958, %and3A_993 : vector<16xi32>
      %eq3A_995 = arith.constant 0 : i32
      %eq3A_996 = vector.broadcast %eq3A_995 : i32 to vector<16xi32>
      %eq3A_997 = arith.cmpi eq, %and3A_994, %eq3A_996 : vector<16xi32>
      %shift_right_arithmetic3A_998 = arith.constant 1 : i32
      %shift_right_arithmetic3A_999 = vector.broadcast %shift_right_arithmetic3A_998 : i32 to vector<16xi32>
      %shift_right_arithmetic3A_1000 = arith.shrsi %select_n3A_958, %shift_right_arithmetic3A_999 : vector<16xi32>
      %sub3A_1001 = arith.constant 1 : i32
      %sub3A_1002 = vector.broadcast %sub3A_1001 : i32 to vector<16xi32>
      %sub3A_1003 = arith.subi %shift_right_arithmetic3A_1000, %sub3A_1002 : vector<16xi32>
      %shift_right_arithmetic3A_1004 = arith.constant 1 : i32
      %shift_right_arithmetic3A_1005 = vector.broadcast %shift_right_arithmetic3A_1004 : i32 to vector<16xi32>
      %shift_right_arithmetic3A_1006 = arith.shrsi %select_n3A_958, %shift_right_arithmetic3A_1005 : vector<16xi32>
      %select_n3A_1007 = arith.select %eq3A_997, %sub3A_1003, %shift_right_arithmetic3A_1006 : vector<16xi1>, vector<16xi32>
      %jit3A_1008 = arith.constant 0 : i64
      %convert_element_type3A_1009 = arith.trunci %jit3A_1008 : i64 to i32
      %broadcast_in_dim3A_1010 = vector.broadcast %convert_element_type3A_1009 : i32 to vector<16xi32>
      %select_n3A_1011 = arith.select %ne3A_985, %select_n3A_1007, %broadcast_in_dim3A_1010 : vector<16xi1>, vector<16xi32>
      %shift_right_arithmetic3A_1012 = arith.constant 1 : i32
      %shift_right_arithmetic3A_1013 = vector.broadcast %shift_right_arithmetic3A_1012 : i32 to vector<16xi32>
      %shift_right_arithmetic3A_1014 = arith.shrsi %select_n3A_1011, %shift_right_arithmetic3A_1013 : vector<16xi32>
      %shift_right_arithmetic3A_1015 = arith.constant 2 : i32
      %shift_right_arithmetic3A_1016 = vector.broadcast %shift_right_arithmetic3A_1015 : i32 to vector<16xi32>
      %shift_right_arithmetic3A_1017 = arith.shrsi %shift_right_arithmetic3A_1014, %shift_right_arithmetic3A_1016 : vector<16xi32>
      %min3A_1018 = arith.constant 249999 : i32
      %min3A_1019 = vector.broadcast %min3A_1018 : i32 to vector<16xi32>
      %min3A_1020 = arith.minsi %shift_right_arithmetic3A_1017, %min3A_1019 : vector<16xi32>
      %shift_left3A_1021 = arith.constant 5 : i32
      %shift_left3A_1022 = vector.broadcast %shift_left3A_1021 : i32 to vector<16xi32>
      %shift_left3A_1023 = arith.shli %shift_right_arithmetic3A_1014, %shift_left3A_1022 : vector<16xi32>
      %shift_left3A_1024 = arith.constant 7 : i32
      %shift_left3A_1025 = vector.broadcast %shift_left3A_1024 : i32 to vector<16xi32>
      %shift_left3A_1026 = arith.shli %min3A_1020, %shift_left3A_1025 : vector<16xi32>
      %sub3A_1027 = arith.subi %shift_left3A_1023, %shift_left3A_1026 : vector<16xi32>
      %eq3A_1028 = arith.constant 2 : i32
      %eq3A_1029 = vector.broadcast %eq3A_1028 : i32 to vector<16xi32>
      %eq3A_1030 = arith.cmpi eq, %iota3A, %eq3A_1029 : vector<16xi32>
      %select_n3A_1031 = arith.select %eq3A_1030, %min3A_1020, %select_n3A_978 : vector<16xi1>, vector<16xi32>
      %eq3A_1032 = arith.constant 2 : i32
      %eq3A_1033 = vector.broadcast %eq3A_1032 : i32 to vector<16xi32>
      %eq3A_1034 = arith.cmpi eq, %iota3A, %eq3A_1033 : vector<16xi32>
      %select_n3A_1035 = arith.select %eq3A_1034, %sub3A_1027, %select_n3A_982 : vector<16xi1>, vector<16xi32>
      %ne3A_1036 = arith.constant 0 : i32
      %ne3A_1037 = vector.broadcast %ne3A_1036 : i32 to vector<16xi32>
      %ne3A_1038 = arith.cmpi ne, %select_n3A_1011, %ne3A_1037 : vector<16xi32>
      %jit3A_1039 = arith.constant 1 : i32
      %jit3A_1040 = arith.constant 0 : i32
      %broadcast_in_dim3A_1041 = vector.broadcast %jit3A_1039 : i32 to vector<16xi32>
      %broadcast_in_dim3A_1042 = vector.broadcast %jit3A_1040 : i32 to vector<16xi32>
      %select_n3A_1043 = arith.select %ne3A_1038, %broadcast_in_dim3A_1041, %broadcast_in_dim3A_1042 : vector<16xi1>, vector<16xi32>
      %add3A_1044 = arith.addi %add3A_991, %select_n3A_1043 : vector<16xi32>
      %and3A_1045 = arith.constant 3 : i32
      %and3A_1046 = vector.broadcast %and3A_1045 : i32 to vector<16xi32>
      %and3A_1047 = arith.andi %select_n3A_1011, %and3A_1046 : vector<16xi32>
      %eq3A_1048 = arith.constant 0 : i32
      %eq3A_1049 = vector.broadcast %eq3A_1048 : i32 to vector<16xi32>
      %eq3A_1050 = arith.cmpi eq, %and3A_1047, %eq3A_1049 : vector<16xi32>
      %shift_right_arithmetic3A_1051 = arith.constant 1 : i32
      %shift_right_arithmetic3A_1052 = vector.broadcast %shift_right_arithmetic3A_1051 : i32 to vector<16xi32>
      %shift_right_arithmetic3A_1053 = arith.shrsi %select_n3A_1011, %shift_right_arithmetic3A_1052 : vector<16xi32>
      %sub3A_1054 = arith.constant 1 : i32
      %sub3A_1055 = vector.broadcast %sub3A_1054 : i32 to vector<16xi32>
      %sub3A_1056 = arith.subi %shift_right_arithmetic3A_1053, %sub3A_1055 : vector<16xi32>
      %shift_right_arithmetic3A_1057 = arith.constant 1 : i32
      %shift_right_arithmetic3A_1058 = vector.broadcast %shift_right_arithmetic3A_1057 : i32 to vector<16xi32>
      %shift_right_arithmetic3A_1059 = arith.shrsi %select_n3A_1011, %shift_right_arithmetic3A_1058 : vector<16xi32>
      %select_n3A_1060 = arith.select %eq3A_1050, %sub3A_1056, %shift_right_arithmetic3A_1059 : vector<16xi1>, vector<16xi32>
      %jit3A_1061 = arith.constant 0 : i64
      %convert_element_type3A_1062 = arith.trunci %jit3A_1061 : i64 to i32
      %broadcast_in_dim3A_1063 = vector.broadcast %convert_element_type3A_1062 : i32 to vector<16xi32>
      %select_n3A_1064 = arith.select %ne3A_1038, %select_n3A_1060, %broadcast_in_dim3A_1063 : vector<16xi1>, vector<16xi32>
      %shift_right_arithmetic3A_1065 = arith.constant 1 : i32
      %shift_right_arithmetic3A_1066 = vector.broadcast %shift_right_arithmetic3A_1065 : i32 to vector<16xi32>
      %shift_right_arithmetic3A_1067 = arith.shrsi %select_n3A_1064, %shift_right_arithmetic3A_1066 : vector<16xi32>
      %shift_right_arithmetic3A_1068 = arith.constant 2 : i32
      %shift_right_arithmetic3A_1069 = vector.broadcast %shift_right_arithmetic3A_1068 : i32 to vector<16xi32>
      %shift_right_arithmetic3A_1070 = arith.shrsi %shift_right_arithmetic3A_1067, %shift_right_arithmetic3A_1069 : vector<16xi32>
      %min3A_1071 = arith.constant 249999 : i32
      %min3A_1072 = vector.broadcast %min3A_1071 : i32 to vector<16xi32>
      %min3A_1073 = arith.minsi %shift_right_arithmetic3A_1070, %min3A_1072 : vector<16xi32>
      %shift_left3A_1074 = arith.constant 5 : i32
      %shift_left3A_1075 = vector.broadcast %shift_left3A_1074 : i32 to vector<16xi32>
      %shift_left3A_1076 = arith.shli %shift_right_arithmetic3A_1067, %shift_left3A_1075 : vector<16xi32>
      %shift_left3A_1077 = arith.constant 7 : i32
      %shift_left3A_1078 = vector.broadcast %shift_left3A_1077 : i32 to vector<16xi32>
      %shift_left3A_1079 = arith.shli %min3A_1073, %shift_left3A_1078 : vector<16xi32>
      %sub3A_1080 = arith.subi %shift_left3A_1076, %shift_left3A_1079 : vector<16xi32>
      %eq3A_1081 = arith.constant 3 : i32
      %eq3A_1082 = vector.broadcast %eq3A_1081 : i32 to vector<16xi32>
      %eq3A_1083 = arith.cmpi eq, %iota3A, %eq3A_1082 : vector<16xi32>
      %select_n3A_1084 = arith.select %eq3A_1083, %min3A_1073, %select_n3A_1031 : vector<16xi1>, vector<16xi32>
      %eq3A_1085 = arith.constant 3 : i32
      %eq3A_1086 = vector.broadcast %eq3A_1085 : i32 to vector<16xi32>
      %eq3A_1087 = arith.cmpi eq, %iota3A, %eq3A_1086 : vector<16xi32>
      %select_n3A_1088 = arith.select %eq3A_1087, %sub3A_1080, %select_n3A_1035 : vector<16xi1>, vector<16xi32>
      %ne3A_1089 = arith.constant 0 : i32
      %ne3A_1090 = vector.broadcast %ne3A_1089 : i32 to vector<16xi32>
      %ne3A_1091 = arith.cmpi ne, %select_n3A_1064, %ne3A_1090 : vector<16xi32>
      %jit3A_1092 = arith.constant 1 : i32
      %jit3A_1093 = arith.constant 0 : i32
      %broadcast_in_dim3A_1094 = vector.broadcast %jit3A_1092 : i32 to vector<16xi32>
      %broadcast_in_dim3A_1095 = vector.broadcast %jit3A_1093 : i32 to vector<16xi32>
      %select_n3A_1096 = arith.select %ne3A_1091, %broadcast_in_dim3A_1094, %broadcast_in_dim3A_1095 : vector<16xi1>, vector<16xi32>
      %add3A_1097 = arith.addi %add3A_1044, %select_n3A_1096 : vector<16xi32>
      %and3A_1098 = arith.constant 3 : i32
      %and3A_1099 = vector.broadcast %and3A_1098 : i32 to vector<16xi32>
      %and3A_1100 = arith.andi %select_n3A_1064, %and3A_1099 : vector<16xi32>
      %eq3A_1101 = arith.constant 0 : i32
      %eq3A_1102 = vector.broadcast %eq3A_1101 : i32 to vector<16xi32>
      %eq3A_1103 = arith.cmpi eq, %and3A_1100, %eq3A_1102 : vector<16xi32>
      %shift_right_arithmetic3A_1104 = arith.constant 1 : i32
      %shift_right_arithmetic3A_1105 = vector.broadcast %shift_right_arithmetic3A_1104 : i32 to vector<16xi32>
      %shift_right_arithmetic3A_1106 = arith.shrsi %select_n3A_1064, %shift_right_arithmetic3A_1105 : vector<16xi32>
      %sub3A_1107 = arith.constant 1 : i32
      %sub3A_1108 = vector.broadcast %sub3A_1107 : i32 to vector<16xi32>
      %sub3A_1109 = arith.subi %shift_right_arithmetic3A_1106, %sub3A_1108 : vector<16xi32>
      %shift_right_arithmetic3A_1110 = arith.constant 1 : i32
      %shift_right_arithmetic3A_1111 = vector.broadcast %shift_right_arithmetic3A_1110 : i32 to vector<16xi32>
      %shift_right_arithmetic3A_1112 = arith.shrsi %select_n3A_1064, %shift_right_arithmetic3A_1111 : vector<16xi32>
      %select_n3A_1113 = arith.select %eq3A_1103, %sub3A_1109, %shift_right_arithmetic3A_1112 : vector<16xi1>, vector<16xi32>
      %jit3A_1114 = arith.constant 0 : i64
      %convert_element_type3A_1115 = arith.trunci %jit3A_1114 : i64 to i32
      %broadcast_in_dim3A_1116 = vector.broadcast %convert_element_type3A_1115 : i32 to vector<16xi32>
      %select_n3A_1117 = arith.select %ne3A_1091, %select_n3A_1113, %broadcast_in_dim3A_1116 : vector<16xi1>, vector<16xi32>
      %shift_right_arithmetic3A_1118 = arith.constant 1 : i32
      %shift_right_arithmetic3A_1119 = vector.broadcast %shift_right_arithmetic3A_1118 : i32 to vector<16xi32>
      %shift_right_arithmetic3A_1120 = arith.shrsi %select_n3A_1117, %shift_right_arithmetic3A_1119 : vector<16xi32>
      %shift_right_arithmetic3A_1121 = arith.constant 2 : i32
      %shift_right_arithmetic3A_1122 = vector.broadcast %shift_right_arithmetic3A_1121 : i32 to vector<16xi32>
      %shift_right_arithmetic3A_1123 = arith.shrsi %shift_right_arithmetic3A_1120, %shift_right_arithmetic3A_1122 : vector<16xi32>
      %min3A_1124 = arith.constant 249999 : i32
      %min3A_1125 = vector.broadcast %min3A_1124 : i32 to vector<16xi32>
      %min3A_1126 = arith.minsi %shift_right_arithmetic3A_1123, %min3A_1125 : vector<16xi32>
      %shift_left3A_1127 = arith.constant 5 : i32
      %shift_left3A_1128 = vector.broadcast %shift_left3A_1127 : i32 to vector<16xi32>
      %shift_left3A_1129 = arith.shli %shift_right_arithmetic3A_1120, %shift_left3A_1128 : vector<16xi32>
      %shift_left3A_1130 = arith.constant 7 : i32
      %shift_left3A_1131 = vector.broadcast %shift_left3A_1130 : i32 to vector<16xi32>
      %shift_left3A_1132 = arith.shli %min3A_1126, %shift_left3A_1131 : vector<16xi32>
      %sub3A_1133 = arith.subi %shift_left3A_1129, %shift_left3A_1132 : vector<16xi32>
      %eq3A_1134 = arith.constant 4 : i32
      %eq3A_1135 = vector.broadcast %eq3A_1134 : i32 to vector<16xi32>
      %eq3A_1136 = arith.cmpi eq, %iota3A, %eq3A_1135 : vector<16xi32>
      %select_n3A_1137 = arith.select %eq3A_1136, %min3A_1126, %select_n3A_1084 : vector<16xi1>, vector<16xi32>
      %eq3A_1138 = arith.constant 4 : i32
      %eq3A_1139 = vector.broadcast %eq3A_1138 : i32 to vector<16xi32>
      %eq3A_1140 = arith.cmpi eq, %iota3A, %eq3A_1139 : vector<16xi32>
      %select_n3A_1141 = arith.select %eq3A_1140, %sub3A_1133, %select_n3A_1088 : vector<16xi1>, vector<16xi32>
      %ne3A_1142 = arith.constant 0 : i32
      %ne3A_1143 = vector.broadcast %ne3A_1142 : i32 to vector<16xi32>
      %ne3A_1144 = arith.cmpi ne, %select_n3A_1117, %ne3A_1143 : vector<16xi32>
      %jit3A_1145 = arith.constant 1 : i32
      %jit3A_1146 = arith.constant 0 : i32
      %broadcast_in_dim3A_1147 = vector.broadcast %jit3A_1145 : i32 to vector<16xi32>
      %broadcast_in_dim3A_1148 = vector.broadcast %jit3A_1146 : i32 to vector<16xi32>
      %select_n3A_1149 = arith.select %ne3A_1144, %broadcast_in_dim3A_1147, %broadcast_in_dim3A_1148 : vector<16xi1>, vector<16xi32>
      %add3A_1150 = arith.addi %add3A_1097, %select_n3A_1149 : vector<16xi32>
      %and3A_1151 = arith.constant 3 : i32
      %and3A_1152 = vector.broadcast %and3A_1151 : i32 to vector<16xi32>
      %and3A_1153 = arith.andi %select_n3A_1117, %and3A_1152 : vector<16xi32>
      %eq3A_1154 = arith.constant 0 : i32
      %eq3A_1155 = vector.broadcast %eq3A_1154 : i32 to vector<16xi32>
      %eq3A_1156 = arith.cmpi eq, %and3A_1153, %eq3A_1155 : vector<16xi32>
      %shift_right_arithmetic3A_1157 = arith.constant 1 : i32
      %shift_right_arithmetic3A_1158 = vector.broadcast %shift_right_arithmetic3A_1157 : i32 to vector<16xi32>
      %shift_right_arithmetic3A_1159 = arith.shrsi %select_n3A_1117, %shift_right_arithmetic3A_1158 : vector<16xi32>
      %sub3A_1160 = arith.constant 1 : i32
      %sub3A_1161 = vector.broadcast %sub3A_1160 : i32 to vector<16xi32>
      %sub3A_1162 = arith.subi %shift_right_arithmetic3A_1159, %sub3A_1161 : vector<16xi32>
      %shift_right_arithmetic3A_1163 = arith.constant 1 : i32
      %shift_right_arithmetic3A_1164 = vector.broadcast %shift_right_arithmetic3A_1163 : i32 to vector<16xi32>
      %shift_right_arithmetic3A_1165 = arith.shrsi %select_n3A_1117, %shift_right_arithmetic3A_1164 : vector<16xi32>
      %select_n3A_1166 = arith.select %eq3A_1156, %sub3A_1162, %shift_right_arithmetic3A_1165 : vector<16xi1>, vector<16xi32>
      %jit3A_1167 = arith.constant 0 : i64
      %convert_element_type3A_1168 = arith.trunci %jit3A_1167 : i64 to i32
      %broadcast_in_dim3A_1169 = vector.broadcast %convert_element_type3A_1168 : i32 to vector<16xi32>
      %select_n3A_1170 = arith.select %ne3A_1144, %select_n3A_1166, %broadcast_in_dim3A_1169 : vector<16xi1>, vector<16xi32>
      %shift_right_arithmetic3A_1171 = arith.constant 1 : i32
      %shift_right_arithmetic3A_1172 = vector.broadcast %shift_right_arithmetic3A_1171 : i32 to vector<16xi32>
      %shift_right_arithmetic3A_1173 = arith.shrsi %select_n3A_1170, %shift_right_arithmetic3A_1172 : vector<16xi32>
      %shift_right_arithmetic3A_1174 = arith.constant 2 : i32
      %shift_right_arithmetic3A_1175 = vector.broadcast %shift_right_arithmetic3A_1174 : i32 to vector<16xi32>
      %shift_right_arithmetic3A_1176 = arith.shrsi %shift_right_arithmetic3A_1173, %shift_right_arithmetic3A_1175 : vector<16xi32>
      %min3A_1177 = arith.constant 249999 : i32
      %min3A_1178 = vector.broadcast %min3A_1177 : i32 to vector<16xi32>
      %min3A_1179 = arith.minsi %shift_right_arithmetic3A_1176, %min3A_1178 : vector<16xi32>
      %shift_left3A_1180 = arith.constant 5 : i32
      %shift_left3A_1181 = vector.broadcast %shift_left3A_1180 : i32 to vector<16xi32>
      %shift_left3A_1182 = arith.shli %shift_right_arithmetic3A_1173, %shift_left3A_1181 : vector<16xi32>
      %shift_left3A_1183 = arith.constant 7 : i32
      %shift_left3A_1184 = vector.broadcast %shift_left3A_1183 : i32 to vector<16xi32>
      %shift_left3A_1185 = arith.shli %min3A_1179, %shift_left3A_1184 : vector<16xi32>
      %sub3A_1186 = arith.subi %shift_left3A_1182, %shift_left3A_1185 : vector<16xi32>
      %eq3A_1187 = arith.constant 5 : i32
      %eq3A_1188 = vector.broadcast %eq3A_1187 : i32 to vector<16xi32>
      %eq3A_1189 = arith.cmpi eq, %iota3A, %eq3A_1188 : vector<16xi32>
      %select_n3A_1190 = arith.select %eq3A_1189, %min3A_1179, %select_n3A_1137 : vector<16xi1>, vector<16xi32>
      %eq3A_1191 = arith.constant 5 : i32
      %eq3A_1192 = vector.broadcast %eq3A_1191 : i32 to vector<16xi32>
      %eq3A_1193 = arith.cmpi eq, %iota3A, %eq3A_1192 : vector<16xi32>
      %select_n3A_1194 = arith.select %eq3A_1193, %sub3A_1186, %select_n3A_1141 : vector<16xi1>, vector<16xi32>
      %swap3A_1195 = arith.constant 0 : index
      %swap3A_1196 = tpu.vector_load %arg9[%swap3A_1195] {strides = array<i32>} : memref<32xi32, #tpu.memory_space<vmem>>, vector<16xi32>,
      tpu.vector_store %arg9[%swap3A_1195], %select_n3A_872 {strides = array<i32>} : memref<32xi32, #tpu.memory_space<vmem>>, vector<16xi32>,
      %swap3A_1197 = arith.constant 16 : index
      %swap3A_1198 = tpu.vector_load %arg9[%swap3A_1197] {strides = array<i32>} : memref<32xi32, #tpu.memory_space<vmem>>, vector<16xi32>,
      tpu.vector_store %arg9[%swap3A_1197], %select_n3A_1190 {strides = array<i32>} : memref<32xi32, #tpu.memory_space<vmem>>, vector<16xi32>,
      %dma_start3A_1199 = arith.constant 0 : i32
      %dma_start3A_1200 = arith.constant 0 : i32
      %dma_start3A_1201 = tpu.memref_slice %arg5[%dma_start3A_1199, %dma_start3A_1200] : memref<250000x128xf32, #tpu.memory_space<hbm>> -> memref<250000x128xf32, #tpu.memory_space<hbm>>
      tpu.enqueue_indirect_dma source(%dma_start3A_1201 : memref<250000x128xf32, #tpu.memory_space<hbm>>) target(%arg11 : memref<32x128xf32, #tpu.memory_space<vmem>>) offsets(%arg9 : memref<32xi32, #tpu.memory_space<vmem>>) semaphore(%arg14 : memref<!tpu.dma_semaphore, #tpu.memory_space<semaphore_mem>>)
      %dma_wait3A = arith.constant 0 : i32
      %dma_wait3A_1202 = arith.constant 0 : i32
      %dma_wait3A_1203 = tpu.memref_slice %arg4[%dma_wait3A, %dma_wait3A_1202] : memref<250000x128xf32, #tpu.memory_space<hbm>> -> memref<250000x128xf32, #tpu.memory_space<hbm>>
      tpu.wait_indirect_dma semaphore(%arg15 : memref<!tpu.dma_semaphore, #tpu.memory_space<semaphore_mem>>) src(%dma_wait3A_1203 : memref<250000x128xf32, #tpu.memory_space<hbm>>) dst(%arg12 : memref<16x128xf32, #tpu.memory_space<vmem>>)
      %dma_wait3A_1204 = arith.constant 0 : i32
      %dma_wait3A_1205 = arith.constant 0 : i32
      %dma_wait3A_1206 = tpu.memref_slice %arg5[%dma_wait3A_1204, %dma_wait3A_1205] : memref<250000x128xf32, #tpu.memory_space<hbm>> -> memref<250000x128xf32, #tpu.memory_space<hbm>>
      tpu.wait_indirect_dma semaphore(%arg14 : memref<!tpu.dma_semaphore, #tpu.memory_space<semaphore_mem>>) src(%dma_wait3A_1206 : memref<250000x128xf32, #tpu.memory_space<hbm>>) dst(%arg11 : memref<32x128xf32, #tpu.memory_space<vmem>>)
      %broadcast_in_dim3A_1207 = arith.constant 0 : i32
      %broadcast_in_dim3A_1208 = vector.broadcast %broadcast_in_dim3A_1207 : i32 to vector<16xi32>
      %broadcast_in_dim3A_1209 = arith.constant 0.000000e+00 : f32
      %broadcast_in_dim3A_1210 = vector.broadcast %broadcast_in_dim3A_1209 : f32 to vector<16xf32>
      %broadcast_in_dim3A_1211 = arith.constant 0.000000e+00 : f32
      %broadcast_in_dim3A_1212 = vector.broadcast %broadcast_in_dim3A_1211 : f32 to vector<16xf32>
      %add3A_1213 = arith.constant 0 : i32
      %add3A_1214 = vector.broadcast %add3A_1213 : i32 to vector<16xi32>
      %add3A_1215 = arith.addi %sub3A, %add3A_1214 : vector<16xi32>
      %gather3A = tpu.vector_load_idx %arg12[%broadcast_in_dim3A_1208, %add3A_1215] : memref<16x128xf32, #tpu.memory_space<vmem>>[vector<16xi32>, vector<16xi32>], vector<16xf32>,
      %add3A_1216 = arith.constant 0 : i32
      %add3A_1217 = vector.broadcast %add3A_1216 : i32 to vector<16xi32>
      %add3A_1218 = arith.addi %select_n3A_876, %add3A_1217 : vector<16xi32>
      %gather3A_1219 = tpu.vector_load_idx %arg11[%iota3A, %add3A_1218] : memref<32x128xf32, #tpu.memory_space<vmem>>[vector<16xi32>, vector<16xi32>], vector<16xf32>,
      %add3A_1220 = arith.constant 16 : i32
      %add3A_1221 = vector.broadcast %add3A_1220 : i32 to vector<16xi32>
      %add3A_1222 = arith.addi %iota3A, %add3A_1221 : vector<16xi32>
      %add3A_1223 = arith.constant 0 : i32
      %add3A_1224 = vector.broadcast %add3A_1223 : i32 to vector<16xi32>
      %add3A_1225 = arith.addi %select_n3A_1194, %add3A_1224 : vector<16xi32>
      %gather3A_1226 = tpu.vector_load_idx %arg11[%add3A_1222, %add3A_1225] : memref<32x128xf32, #tpu.memory_space<vmem>>[vector<16xi32>, vector<16xi32>], vector<16xf32>,
      %mul3A_1227 = arith.mulf %gather3A, %gather3A_1219 : vector<16xf32>
      %add3A_1228 = arith.addf %broadcast_in_dim3A_1210, %mul3A_1227 : vector<16xf32>
      %mul3A_1229 = arith.mulf %gather3A, %gather3A_1226 : vector<16xf32>
      %add3A_1230 = arith.addf %broadcast_in_dim3A_1212, %mul3A_1229 : vector<16xf32>
      %add3A_1231 = arith.constant 1 : i32
      %add3A_1232 = vector.broadcast %add3A_1231 : i32 to vector<16xi32>
      %add3A_1233 = arith.addi %sub3A, %add3A_1232 : vector<16xi32>
      %gather3A_1234 = tpu.vector_load_idx %arg12[%broadcast_in_dim3A_1208, %add3A_1233] : memref<16x128xf32, #tpu.memory_space<vmem>>[vector<16xi32>, vector<16xi32>], vector<16xf32>,
      %add3A_1235 = arith.constant 1 : i32
      %add3A_1236 = vector.broadcast %add3A_1235 : i32 to vector<16xi32>
      %add3A_1237 = arith.addi %select_n3A_876, %add3A_1236 : vector<16xi32>
      %gather3A_1238 = tpu.vector_load_idx %arg11[%iota3A, %add3A_1237] : memref<32x128xf32, #tpu.memory_space<vmem>>[vector<16xi32>, vector<16xi32>], vector<16xf32>,
      %add3A_1239 = arith.constant 16 : i32
      %add3A_1240 = vector.broadcast %add3A_1239 : i32 to vector<16xi32>
      %add3A_1241 = arith.addi %iota3A, %add3A_1240 : vector<16xi32>
      %add3A_1242 = arith.constant 1 : i32
      %add3A_1243 = vector.broadcast %add3A_1242 : i32 to vector<16xi32>
      %add3A_1244 = arith.addi %select_n3A_1194, %add3A_1243 : vector<16xi32>
      %gather3A_1245 = tpu.vector_load_idx %arg11[%add3A_1241, %add3A_1244] : memref<32x128xf32, #tpu.memory_space<vmem>>[vector<16xi32>, vector<16xi32>], vector<16xf32>,
      %mul3A_1246 = arith.mulf %gather3A_1234, %gather3A_1238 : vector<16xf32>
      %add3A_1247 = arith.addf %add3A_1228, %mul3A_1246 : vector<16xf32>
      %mul3A_1248 = arith.mulf %gather3A_1234, %gather3A_1245 : vector<16xf32>
      %add3A_1249 = arith.addf %add3A_1230, %mul3A_1248 : vector<16xf32>
      %add3A_1250 = arith.constant 2 : i32
      %add3A_1251 = vector.broadcast %add3A_1250 : i32 to vector<16xi32>
      %add3A_1252 = arith.addi %sub3A, %add3A_1251 : vector<16xi32>
      %gather3A_1253 = tpu.vector_load_idx %arg12[%broadcast_in_dim3A_1208, %add3A_1252] : memref<16x128xf32, #tpu.memory_space<vmem>>[vector<16xi32>, vector<16xi32>], vector<16xf32>,
      %add3A_1254 = arith.constant 2 : i32
      %add3A_1255 = vector.broadcast %add3A_1254 : i32 to vector<16xi32>
      %add3A_1256 = arith.addi %select_n3A_876, %add3A_1255 : vector<16xi32>
      %gather3A_1257 = tpu.vector_load_idx %arg11[%iota3A, %add3A_1256] : memref<32x128xf32, #tpu.memory_space<vmem>>[vector<16xi32>, vector<16xi32>], vector<16xf32>,
      %add3A_1258 = arith.constant 16 : i32
      %add3A_1259 = vector.broadcast %add3A_1258 : i32 to vector<16xi32>
      %add3A_1260 = arith.addi %iota3A, %add3A_1259 : vector<16xi32>
      %add3A_1261 = arith.constant 2 : i32
      %add3A_1262 = vector.broadcast %add3A_1261 : i32 to vector<16xi32>
      %add3A_1263 = arith.addi %select_n3A_1194, %add3A_1262 : vector<16xi32>
      %gather3A_1264 = tpu.vector_load_idx %arg11[%add3A_1260, %add3A_1263] : memref<32x128xf32, #tpu.memory_space<vmem>>[vector<16xi32>, vector<16xi32>], vector<16xf32>,
      %mul3A_1265 = arith.mulf %gather3A_1253, %gather3A_1257 : vector<16xf32>
      %add3A_1266 = arith.addf %add3A_1247, %mul3A_1265 : vector<16xf32>
      %mul3A_1267 = arith.mulf %gather3A_1253, %gather3A_1264 : vector<16xf32>
      %add3A_1268 = arith.addf %add3A_1249, %mul3A_1267 : vector<16xf32>
      %add3A_1269 = arith.constant 3 : i32
      %add3A_1270 = vector.broadcast %add3A_1269 : i32 to vector<16xi32>
      %add3A_1271 = arith.addi %sub3A, %add3A_1270 : vector<16xi32>
      %gather3A_1272 = tpu.vector_load_idx %arg12[%broadcast_in_dim3A_1208, %add3A_1271] : memref<16x128xf32, #tpu.memory_space<vmem>>[vector<16xi32>, vector<16xi32>], vector<16xf32>,
      %add3A_1273 = arith.constant 3 : i32
      %add3A_1274 = vector.broadcast %add3A_1273 : i32 to vector<16xi32>
      %add3A_1275 = arith.addi %select_n3A_876, %add3A_1274 : vector<16xi32>
      %gather3A_1276 = tpu.vector_load_idx %arg11[%iota3A, %add3A_1275] : memref<32x128xf32, #tpu.memory_space<vmem>>[vector<16xi32>, vector<16xi32>], vector<16xf32>,
      %add3A_1277 = arith.constant 16 : i32
      %add3A_1278 = vector.broadcast %add3A_1277 : i32 to vector<16xi32>
      %add3A_1279 = arith.addi %iota3A, %add3A_1278 : vector<16xi32>
      %add3A_1280 = arith.constant 3 : i32
      %add3A_1281 = vector.broadcast %add3A_1280 : i32 to vector<16xi32>
      %add3A_1282 = arith.addi %select_n3A_1194, %add3A_1281 : vector<16xi32>
      %gather3A_1283 = tpu.vector_load_idx %arg11[%add3A_1279, %add3A_1282] : memref<32x128xf32, #tpu.memory_space<vmem>>[vector<16xi32>, vector<16xi32>], vector<16xf32>,
      %mul3A_1284 = arith.mulf %gather3A_1272, %gather3A_1276 : vector<16xf32>
      %add3A_1285 = arith.addf %add3A_1266, %mul3A_1284 : vector<16xf32>
      %mul3A_1286 = arith.mulf %gather3A_1272, %gather3A_1283 : vector<16xf32>
      %add3A_1287 = arith.addf %add3A_1268, %mul3A_1286 : vector<16xf32>
      %add3A_1288 = arith.constant 4 : i32
      %add3A_1289 = vector.broadcast %add3A_1288 : i32 to vector<16xi32>
      %add3A_1290 = arith.addi %sub3A, %add3A_1289 : vector<16xi32>
      %gather3A_1291 = tpu.vector_load_idx %arg12[%broadcast_in_dim3A_1208, %add3A_1290] : memref<16x128xf32, #tpu.memory_space<vmem>>[vector<16xi32>, vector<16xi32>], vector<16xf32>,
      %add3A_1292 = arith.constant 4 : i32
      %add3A_1293 = vector.broadcast %add3A_1292 : i32 to vector<16xi32>
      %add3A_1294 = arith.addi %select_n3A_876, %add3A_1293 : vector<16xi32>
      %gather3A_1295 = tpu.vector_load_idx %arg11[%iota3A, %add3A_1294] : memref<32x128xf32, #tpu.memory_space<vmem>>[vector<16xi32>, vector<16xi32>], vector<16xf32>,
      %add3A_1296 = arith.constant 16 : i32
      %add3A_1297 = vector.broadcast %add3A_1296 : i32 to vector<16xi32>
      %add3A_1298 = arith.addi %iota3A, %add3A_1297 : vector<16xi32>
      %add3A_1299 = arith.constant 4 : i32
      %add3A_1300 = vector.broadcast %add3A_1299 : i32 to vector<16xi32>
      %add3A_1301 = arith.addi %select_n3A_1194, %add3A_1300 : vector<16xi32>
      %gather3A_1302 = tpu.vector_load_idx %arg11[%add3A_1298, %add3A_1301] : memref<32x128xf32, #tpu.memory_space<vmem>>[vector<16xi32>, vector<16xi32>], vector<16xf32>,
      %mul3A_1303 = arith.mulf %gather3A_1291, %gather3A_1295 : vector<16xf32>
      %add3A_1304 = arith.addf %add3A_1285, %mul3A_1303 : vector<16xf32>
      %mul3A_1305 = arith.mulf %gather3A_1291, %gather3A_1302 : vector<16xf32>
      %add3A_1306 = arith.addf %add3A_1287, %mul3A_1305 : vector<16xf32>
      %add3A_1307 = arith.constant 5 : i32
      %add3A_1308 = vector.broadcast %add3A_1307 : i32 to vector<16xi32>
      %add3A_1309 = arith.addi %sub3A, %add3A_1308 : vector<16xi32>
      %gather3A_1310 = tpu.vector_load_idx %arg12[%broadcast_in_dim3A_1208, %add3A_1309] : memref<16x128xf32, #tpu.memory_space<vmem>>[vector<16xi32>, vector<16xi32>], vector<16xf32>,
      %add3A_1311 = arith.constant 5 : i32
      %add3A_1312 = vector.broadcast %add3A_1311 : i32 to vector<16xi32>
      %add3A_1313 = arith.addi %select_n3A_876, %add3A_1312 : vector<16xi32>
      %gather3A_1314 = tpu.vector_load_idx %arg11[%iota3A, %add3A_1313] : memref<32x128xf32, #tpu.memory_space<vmem>>[vector<16xi32>, vector<16xi32>], vector<16xf32>,
      %add3A_1315 = arith.constant 16 : i32
      %add3A_1316 = vector.broadcast %add3A_1315 : i32 to vector<16xi32>
      %add3A_1317 = arith.addi %iota3A, %add3A_1316 : vector<16xi32>
      %add3A_1318 = arith.constant 5 : i32
      %add3A_1319 = vector.broadcast %add3A_1318 : i32 to vector<16xi32>
      %add3A_1320 = arith.addi %select_n3A_1194, %add3A_1319 : vector<16xi32>
      %gather3A_1321 = tpu.vector_load_idx %arg11[%add3A_1317, %add3A_1320] : memref<32x128xf32, #tpu.memory_space<vmem>>[vector<16xi32>, vector<16xi32>], vector<16xf32>,
      %mul3A_1322 = arith.mulf %gather3A_1310, %gather3A_1314 : vector<16xf32>
      %add3A_1323 = arith.addf %add3A_1304, %mul3A_1322 : vector<16xf32>
      %mul3A_1324 = arith.mulf %gather3A_1310, %gather3A_1321 : vector<16xf32>
      %add3A_1325 = arith.addf %add3A_1306, %mul3A_1324 : vector<16xf32>
      %add3A_1326 = arith.constant 6 : i32
      %add3A_1327 = vector.broadcast %add3A_1326 : i32 to vector<16xi32>
      %add3A_1328 = arith.addi %sub3A, %add3A_1327 : vector<16xi32>
      %gather3A_1329 = tpu.vector_load_idx %arg12[%broadcast_in_dim3A_1208, %add3A_1328] : memref<16x128xf32, #tpu.memory_space<vmem>>[vector<16xi32>, vector<16xi32>], vector<16xf32>,
      %add3A_1330 = arith.constant 6 : i32
      %add3A_1331 = vector.broadcast %add3A_1330 : i32 to vector<16xi32>
      %add3A_1332 = arith.addi %select_n3A_876, %add3A_1331 : vector<16xi32>
      %gather3A_1333 = tpu.vector_load_idx %arg11[%iota3A, %add3A_1332] : memref<32x128xf32, #tpu.memory_space<vmem>>[vector<16xi32>, vector<16xi32>], vector<16xf32>,
      %add3A_1334 = arith.constant 16 : i32
      %add3A_1335 = vector.broadcast %add3A_1334 : i32 to vector<16xi32>
      %add3A_1336 = arith.addi %iota3A, %add3A_1335 : vector<16xi32>
      %add3A_1337 = arith.constant 6 : i32
      %add3A_1338 = vector.broadcast %add3A_1337 : i32 to vector<16xi32>
      %add3A_1339 = arith.addi %select_n3A_1194, %add3A_1338 : vector<16xi32>
      %gather3A_1340 = tpu.vector_load_idx %arg11[%add3A_1336, %add3A_1339] : memref<32x128xf32, #tpu.memory_space<vmem>>[vector<16xi32>, vector<16xi32>], vector<16xf32>,
      %mul3A_1341 = arith.mulf %gather3A_1329, %gather3A_1333 : vector<16xf32>
      %add3A_1342 = arith.addf %add3A_1323, %mul3A_1341 : vector<16xf32>
      %mul3A_1343 = arith.mulf %gather3A_1329, %gather3A_1340 : vector<16xf32>
      %add3A_1344 = arith.addf %add3A_1325, %mul3A_1343 : vector<16xf32>
      %add3A_1345 = arith.constant 7 : i32
      %add3A_1346 = vector.broadcast %add3A_1345 : i32 to vector<16xi32>
      %add3A_1347 = arith.addi %sub3A, %add3A_1346 : vector<16xi32>
      %gather3A_1348 = tpu.vector_load_idx %arg12[%broadcast_in_dim3A_1208, %add3A_1347] : memref<16x128xf32, #tpu.memory_space<vmem>>[vector<16xi32>, vector<16xi32>], vector<16xf32>,
      %add3A_1349 = arith.constant 7 : i32
      %add3A_1350 = vector.broadcast %add3A_1349 : i32 to vector<16xi32>
      %add3A_1351 = arith.addi %select_n3A_876, %add3A_1350 : vector<16xi32>
      %gather3A_1352 = tpu.vector_load_idx %arg11[%iota3A, %add3A_1351] : memref<32x128xf32, #tpu.memory_space<vmem>>[vector<16xi32>, vector<16xi32>], vector<16xf32>,
      %add3A_1353 = arith.constant 16 : i32
      %add3A_1354 = vector.broadcast %add3A_1353 : i32 to vector<16xi32>
      %add3A_1355 = arith.addi %iota3A, %add3A_1354 : vector<16xi32>
      %add3A_1356 = arith.constant 7 : i32
      %add3A_1357 = vector.broadcast %add3A_1356 : i32 to vector<16xi32>
      %add3A_1358 = arith.addi %select_n3A_1194, %add3A_1357 : vector<16xi32>
      %gather3A_1359 = tpu.vector_load_idx %arg11[%add3A_1355, %add3A_1358] : memref<32x128xf32, #tpu.memory_space<vmem>>[vector<16xi32>, vector<16xi32>], vector<16xf32>,
      %mul3A_1360 = arith.mulf %gather3A_1348, %gather3A_1352 : vector<16xf32>
      %add3A_1361 = arith.addf %add3A_1342, %mul3A_1360 : vector<16xf32>
      %mul3A_1362 = arith.mulf %gather3A_1348, %gather3A_1359 : vector<16xf32>
      %add3A_1363 = arith.addf %add3A_1344, %mul3A_1362 : vector<16xf32>
      %add3A_1364 = arith.constant 8 : i32
      %add3A_1365 = vector.broadcast %add3A_1364 : i32 to vector<16xi32>
      %add3A_1366 = arith.addi %sub3A, %add3A_1365 : vector<16xi32>
      %gather3A_1367 = tpu.vector_load_idx %arg12[%broadcast_in_dim3A_1208, %add3A_1366] : memref<16x128xf32, #tpu.memory_space<vmem>>[vector<16xi32>, vector<16xi32>], vector<16xf32>,
      %add3A_1368 = arith.constant 8 : i32
      %add3A_1369 = vector.broadcast %add3A_1368 : i32 to vector<16xi32>
      %add3A_1370 = arith.addi %select_n3A_876, %add3A_1369 : vector<16xi32>
      %gather3A_1371 = tpu.vector_load_idx %arg11[%iota3A, %add3A_1370] : memref<32x128xf32, #tpu.memory_space<vmem>>[vector<16xi32>, vector<16xi32>], vector<16xf32>,
      %add3A_1372 = arith.constant 16 : i32
      %add3A_1373 = vector.broadcast %add3A_1372 : i32 to vector<16xi32>
      %add3A_1374 = arith.addi %iota3A, %add3A_1373 : vector<16xi32>
      %add3A_1375 = arith.constant 8 : i32
      %add3A_1376 = vector.broadcast %add3A_1375 : i32 to vector<16xi32>
      %add3A_1377 = arith.addi %select_n3A_1194, %add3A_1376 : vector<16xi32>
      %gather3A_1378 = tpu.vector_load_idx %arg11[%add3A_1374, %add3A_1377] : memref<32x128xf32, #tpu.memory_space<vmem>>[vector<16xi32>, vector<16xi32>], vector<16xf32>,
      %mul3A_1379 = arith.mulf %gather3A_1367, %gather3A_1371 : vector<16xf32>
      %add3A_1380 = arith.addf %add3A_1361, %mul3A_1379 : vector<16xf32>
      %mul3A_1381 = arith.mulf %gather3A_1367, %gather3A_1378 : vector<16xf32>
      %add3A_1382 = arith.addf %add3A_1363, %mul3A_1381 : vector<16xf32>
      %add3A_1383 = arith.constant 9 : i32
      %add3A_1384 = vector.broadcast %add3A_1383 : i32 to vector<16xi32>
      %add3A_1385 = arith.addi %sub3A, %add3A_1384 : vector<16xi32>
      %gather3A_1386 = tpu.vector_load_idx %arg12[%broadcast_in_dim3A_1208, %add3A_1385] : memref<16x128xf32, #tpu.memory_space<vmem>>[vector<16xi32>, vector<16xi32>], vector<16xf32>,
      %add3A_1387 = arith.constant 9 : i32
      %add3A_1388 = vector.broadcast %add3A_1387 : i32 to vector<16xi32>
      %add3A_1389 = arith.addi %select_n3A_876, %add3A_1388 : vector<16xi32>
      %gather3A_1390 = tpu.vector_load_idx %arg11[%iota3A, %add3A_1389] : memref<32x128xf32, #tpu.memory_space<vmem>>[vector<16xi32>, vector<16xi32>], vector<16xf32>,
      %add3A_1391 = arith.constant 16 : i32
      %add3A_1392 = vector.broadcast %add3A_1391 : i32 to vector<16xi32>
      %add3A_1393 = arith.addi %iota3A, %add3A_1392 : vector<16xi32>
      %add3A_1394 = arith.constant 9 : i32
      %add3A_1395 = vector.broadcast %add3A_1394 : i32 to vector<16xi32>
      %add3A_1396 = arith.addi %select_n3A_1194, %add3A_1395 : vector<16xi32>
      %gather3A_1397 = tpu.vector_load_idx %arg11[%add3A_1393, %add3A_1396] : memref<32x128xf32, #tpu.memory_space<vmem>>[vector<16xi32>, vector<16xi32>], vector<16xf32>,
      %mul3A_1398 = arith.mulf %gather3A_1386, %gather3A_1390 : vector<16xf32>
      %add3A_1399 = arith.addf %add3A_1380, %mul3A_1398 : vector<16xf32>
      %mul3A_1400 = arith.mulf %gather3A_1386, %gather3A_1397 : vector<16xf32>
      %add3A_1401 = arith.addf %add3A_1382, %mul3A_1400 : vector<16xf32>
      %add3A_1402 = arith.constant 10 : i32
      %add3A_1403 = vector.broadcast %add3A_1402 : i32 to vector<16xi32>
      %add3A_1404 = arith.addi %sub3A, %add3A_1403 : vector<16xi32>
      %gather3A_1405 = tpu.vector_load_idx %arg12[%broadcast_in_dim3A_1208, %add3A_1404] : memref<16x128xf32, #tpu.memory_space<vmem>>[vector<16xi32>, vector<16xi32>], vector<16xf32>,
      %add3A_1406 = arith.constant 10 : i32
      %add3A_1407 = vector.broadcast %add3A_1406 : i32 to vector<16xi32>
      %add3A_1408 = arith.addi %select_n3A_876, %add3A_1407 : vector<16xi32>
      %gather3A_1409 = tpu.vector_load_idx %arg11[%iota3A, %add3A_1408] : memref<32x128xf32, #tpu.memory_space<vmem>>[vector<16xi32>, vector<16xi32>], vector<16xf32>,
      %add3A_1410 = arith.constant 16 : i32
      %add3A_1411 = vector.broadcast %add3A_1410 : i32 to vector<16xi32>
      %add3A_1412 = arith.addi %iota3A, %add3A_1411 : vector<16xi32>
      %add3A_1413 = arith.constant 10 : i32
      %add3A_1414 = vector.broadcast %add3A_1413 : i32 to vector<16xi32>
      %add3A_1415 = arith.addi %select_n3A_1194, %add3A_1414 : vector<16xi32>
      %gather3A_1416 = tpu.vector_load_idx %arg11[%add3A_1412, %add3A_1415] : memref<32x128xf32, #tpu.memory_space<vmem>>[vector<16xi32>, vector<16xi32>], vector<16xf32>,
      %mul3A_1417 = arith.mulf %gather3A_1405, %gather3A_1409 : vector<16xf32>
      %add3A_1418 = arith.addf %add3A_1399, %mul3A_1417 : vector<16xf32>
      %mul3A_1419 = arith.mulf %gather3A_1405, %gather3A_1416 : vector<16xf32>
      %add3A_1420 = arith.addf %add3A_1401, %mul3A_1419 : vector<16xf32>
      %add3A_1421 = arith.constant 11 : i32
      %add3A_1422 = vector.broadcast %add3A_1421 : i32 to vector<16xi32>
      %add3A_1423 = arith.addi %sub3A, %add3A_1422 : vector<16xi32>
      %gather3A_1424 = tpu.vector_load_idx %arg12[%broadcast_in_dim3A_1208, %add3A_1423] : memref<16x128xf32, #tpu.memory_space<vmem>>[vector<16xi32>, vector<16xi32>], vector<16xf32>,
      %add3A_1425 = arith.constant 11 : i32
      %add3A_1426 = vector.broadcast %add3A_1425 : i32 to vector<16xi32>
      %add3A_1427 = arith.addi %select_n3A_876, %add3A_1426 : vector<16xi32>
      %gather3A_1428 = tpu.vector_load_idx %arg11[%iota3A, %add3A_1427] : memref<32x128xf32, #tpu.memory_space<vmem>>[vector<16xi32>, vector<16xi32>], vector<16xf32>,
      %add3A_1429 = arith.constant 16 : i32
      %add3A_1430 = vector.broadcast %add3A_1429 : i32 to vector<16xi32>
      %add3A_1431 = arith.addi %iota3A, %add3A_1430 : vector<16xi32>
      %add3A_1432 = arith.constant 11 : i32
      %add3A_1433 = vector.broadcast %add3A_1432 : i32 to vector<16xi32>
      %add3A_1434 = arith.addi %select_n3A_1194, %add3A_1433 : vector<16xi32>
      %gather3A_1435 = tpu.vector_load_idx %arg11[%add3A_1431, %add3A_1434] : memref<32x128xf32, #tpu.memory_space<vmem>>[vector<16xi32>, vector<16xi32>], vector<16xf32>,
      %mul3A_1436 = arith.mulf %gather3A_1424, %gather3A_1428 : vector<16xf32>
      %add3A_1437 = arith.addf %add3A_1418, %mul3A_1436 : vector<16xf32>
      %mul3A_1438 = arith.mulf %gather3A_1424, %gather3A_1435 : vector<16xf32>
      %add3A_1439 = arith.addf %add3A_1420, %mul3A_1438 : vector<16xf32>
      %add3A_1440 = arith.constant 12 : i32
      %add3A_1441 = vector.broadcast %add3A_1440 : i32 to vector<16xi32>
      %add3A_1442 = arith.addi %sub3A, %add3A_1441 : vector<16xi32>
      %gather3A_1443 = tpu.vector_load_idx %arg12[%broadcast_in_dim3A_1208, %add3A_1442] : memref<16x128xf32, #tpu.memory_space<vmem>>[vector<16xi32>, vector<16xi32>], vector<16xf32>,
      %add3A_1444 = arith.constant 12 : i32
      %add3A_1445 = vector.broadcast %add3A_1444 : i32 to vector<16xi32>
      %add3A_1446 = arith.addi %select_n3A_876, %add3A_1445 : vector<16xi32>
      %gather3A_1447 = tpu.vector_load_idx %arg11[%iota3A, %add3A_1446] : memref<32x128xf32, #tpu.memory_space<vmem>>[vector<16xi32>, vector<16xi32>], vector<16xf32>,
      %add3A_1448 = arith.constant 16 : i32
      %add3A_1449 = vector.broadcast %add3A_1448 : i32 to vector<16xi32>
      %add3A_1450 = arith.addi %iota3A, %add3A_1449 : vector<16xi32>
      %add3A_1451 = arith.constant 12 : i32
      %add3A_1452 = vector.broadcast %add3A_1451 : i32 to vector<16xi32>
      %add3A_1453 = arith.addi %select_n3A_1194, %add3A_1452 : vector<16xi32>
      %gather3A_1454 = tpu.vector_load_idx %arg11[%add3A_1450, %add3A_1453] : memref<32x128xf32, #tpu.memory_space<vmem>>[vector<16xi32>, vector<16xi32>], vector<16xf32>,
      %mul3A_1455 = arith.mulf %gather3A_1443, %gather3A_1447 : vector<16xf32>
      %add3A_1456 = arith.addf %add3A_1437, %mul3A_1455 : vector<16xf32>
      %mul3A_1457 = arith.mulf %gather3A_1443, %gather3A_1454 : vector<16xf32>
      %add3A_1458 = arith.addf %add3A_1439, %mul3A_1457 : vector<16xf32>
      %add3A_1459 = arith.constant 13 : i32
      %add3A_1460 = vector.broadcast %add3A_1459 : i32 to vector<16xi32>
      %add3A_1461 = arith.addi %sub3A, %add3A_1460 : vector<16xi32>
      %gather3A_1462 = tpu.vector_load_idx %arg12[%broadcast_in_dim3A_1208, %add3A_1461] : memref<16x128xf32, #tpu.memory_space<vmem>>[vector<16xi32>, vector<16xi32>], vector<16xf32>,
      %add3A_1463 = arith.constant 13 : i32
      %add3A_1464 = vector.broadcast %add3A_1463 : i32 to vector<16xi32>
      %add3A_1465 = arith.addi %select_n3A_876, %add3A_1464 : vector<16xi32>
      %gather3A_1466 = tpu.vector_load_idx %arg11[%iota3A, %add3A_1465] : memref<32x128xf32, #tpu.memory_space<vmem>>[vector<16xi32>, vector<16xi32>], vector<16xf32>,
      %add3A_1467 = arith.constant 16 : i32
      %add3A_1468 = vector.broadcast %add3A_1467 : i32 to vector<16xi32>
      %add3A_1469 = arith.addi %iota3A, %add3A_1468 : vector<16xi32>
      %add3A_1470 = arith.constant 13 : i32
      %add3A_1471 = vector.broadcast %add3A_1470 : i32 to vector<16xi32>
      %add3A_1472 = arith.addi %select_n3A_1194, %add3A_1471 : vector<16xi32>
      %gather3A_1473 = tpu.vector_load_idx %arg11[%add3A_1469, %add3A_1472] : memref<32x128xf32, #tpu.memory_space<vmem>>[vector<16xi32>, vector<16xi32>], vector<16xf32>,
      %mul3A_1474 = arith.mulf %gather3A_1462, %gather3A_1466 : vector<16xf32>
      %add3A_1475 = arith.addf %add3A_1456, %mul3A_1474 : vector<16xf32>
      %mul3A_1476 = arith.mulf %gather3A_1462, %gather3A_1473 : vector<16xf32>
      %add3A_1477 = arith.addf %add3A_1458, %mul3A_1476 : vector<16xf32>
      %add3A_1478 = arith.constant 14 : i32
      %add3A_1479 = vector.broadcast %add3A_1478 : i32 to vector<16xi32>
      %add3A_1480 = arith.addi %sub3A, %add3A_1479 : vector<16xi32>
      %gather3A_1481 = tpu.vector_load_idx %arg12[%broadcast_in_dim3A_1208, %add3A_1480] : memref<16x128xf32, #tpu.memory_space<vmem>>[vector<16xi32>, vector<16xi32>], vector<16xf32>,
      %add3A_1482 = arith.constant 14 : i32
      %add3A_1483 = vector.broadcast %add3A_1482 : i32 to vector<16xi32>
      %add3A_1484 = arith.addi %select_n3A_876, %add3A_1483 : vector<16xi32>
      %gather3A_1485 = tpu.vector_load_idx %arg11[%iota3A, %add3A_1484] : memref<32x128xf32, #tpu.memory_space<vmem>>[vector<16xi32>, vector<16xi32>], vector<16xf32>,
      %add3A_1486 = arith.constant 16 : i32
      %add3A_1487 = vector.broadcast %add3A_1486 : i32 to vector<16xi32>
      %add3A_1488 = arith.addi %iota3A, %add3A_1487 : vector<16xi32>
      %add3A_1489 = arith.constant 14 : i32
      %add3A_1490 = vector.broadcast %add3A_1489 : i32 to vector<16xi32>
      %add3A_1491 = arith.addi %select_n3A_1194, %add3A_1490 : vector<16xi32>
      %gather3A_1492 = tpu.vector_load_idx %arg11[%add3A_1488, %add3A_1491] : memref<32x128xf32, #tpu.memory_space<vmem>>[vector<16xi32>, vector<16xi32>], vector<16xf32>,
      %mul3A_1493 = arith.mulf %gather3A_1481, %gather3A_1485 : vector<16xf32>
      %add3A_1494 = arith.addf %add3A_1475, %mul3A_1493 : vector<16xf32>
      %mul3A_1495 = arith.mulf %gather3A_1481, %gather3A_1492 : vector<16xf32>
      %add3A_1496 = arith.addf %add3A_1477, %mul3A_1495 : vector<16xf32>
      %add3A_1497 = arith.constant 15 : i32
      %add3A_1498 = vector.broadcast %add3A_1497 : i32 to vector<16xi32>
      %add3A_1499 = arith.addi %sub3A, %add3A_1498 : vector<16xi32>
      %gather3A_1500 = tpu.vector_load_idx %arg12[%broadcast_in_dim3A_1208, %add3A_1499] : memref<16x128xf32, #tpu.memory_space<vmem>>[vector<16xi32>, vector<16xi32>], vector<16xf32>,
      %add3A_1501 = arith.constant 15 : i32
      %add3A_1502 = vector.broadcast %add3A_1501 : i32 to vector<16xi32>
      %add3A_1503 = arith.addi %select_n3A_876, %add3A_1502 : vector<16xi32>
      %gather3A_1504 = tpu.vector_load_idx %arg11[%iota3A, %add3A_1503] : memref<32x128xf32, #tpu.memory_space<vmem>>[vector<16xi32>, vector<16xi32>], vector<16xf32>,
      %add3A_1505 = arith.constant 16 : i32
      %add3A_1506 = vector.broadcast %add3A_1505 : i32 to vector<16xi32>
      %add3A_1507 = arith.addi %iota3A, %add3A_1506 : vector<16xi32>
      %add3A_1508 = arith.constant 15 : i32
      %add3A_1509 = vector.broadcast %add3A_1508 : i32 to vector<16xi32>
      %add3A_1510 = arith.addi %select_n3A_1194, %add3A_1509 : vector<16xi32>
      %gather3A_1511 = tpu.vector_load_idx %arg11[%add3A_1507, %add3A_1510] : memref<32x128xf32, #tpu.memory_space<vmem>>[vector<16xi32>, vector<16xi32>], vector<16xf32>,
      %mul3A_1512 = arith.mulf %gather3A_1500, %gather3A_1504 : vector<16xf32>
      %add3A_1513 = arith.addf %add3A_1494, %mul3A_1512 : vector<16xf32>
      %mul3A_1514 = arith.mulf %gather3A_1500, %gather3A_1511 : vector<16xf32>
      %add3A_1515 = arith.addf %add3A_1496, %mul3A_1514 : vector<16xf32>
      %add3A_1516 = arith.constant 16 : i32
      %add3A_1517 = vector.broadcast %add3A_1516 : i32 to vector<16xi32>
      %add3A_1518 = arith.addi %sub3A, %add3A_1517 : vector<16xi32>
      %gather3A_1519 = tpu.vector_load_idx %arg12[%broadcast_in_dim3A_1208, %add3A_1518] : memref<16x128xf32, #tpu.memory_space<vmem>>[vector<16xi32>, vector<16xi32>], vector<16xf32>,
      %add3A_1520 = arith.constant 16 : i32
      %add3A_1521 = vector.broadcast %add3A_1520 : i32 to vector<16xi32>
      %add3A_1522 = arith.addi %select_n3A_876, %add3A_1521 : vector<16xi32>
      %gather3A_1523 = tpu.vector_load_idx %arg11[%iota3A, %add3A_1522] : memref<32x128xf32, #tpu.memory_space<vmem>>[vector<16xi32>, vector<16xi32>], vector<16xf32>,
      %add3A_1524 = arith.constant 16 : i32
      %add3A_1525 = vector.broadcast %add3A_1524 : i32 to vector<16xi32>
      %add3A_1526 = arith.addi %iota3A, %add3A_1525 : vector<16xi32>
      %add3A_1527 = arith.constant 16 : i32
      %add3A_1528 = vector.broadcast %add3A_1527 : i32 to vector<16xi32>
      %add3A_1529 = arith.addi %select_n3A_1194, %add3A_1528 : vector<16xi32>
      %gather3A_1530 = tpu.vector_load_idx %arg11[%add3A_1526, %add3A_1529] : memref<32x128xf32, #tpu.memory_space<vmem>>[vector<16xi32>, vector<16xi32>], vector<16xf32>,
      %mul3A_1531 = arith.mulf %gather3A_1519, %gather3A_1523 : vector<16xf32>
      %add3A_1532 = arith.addf %add3A_1513, %mul3A_1531 : vector<16xf32>
      %mul3A_1533 = arith.mulf %gather3A_1519, %gather3A_1530 : vector<16xf32>
      %add3A_1534 = arith.addf %add3A_1515, %mul3A_1533 : vector<16xf32>
      %add3A_1535 = arith.constant 17 : i32
      %add3A_1536 = vector.broadcast %add3A_1535 : i32 to vector<16xi32>
      %add3A_1537 = arith.addi %sub3A, %add3A_1536 : vector<16xi32>
      %gather3A_1538 = tpu.vector_load_idx %arg12[%broadcast_in_dim3A_1208, %add3A_1537] : memref<16x128xf32, #tpu.memory_space<vmem>>[vector<16xi32>, vector<16xi32>], vector<16xf32>,
      %add3A_1539 = arith.constant 17 : i32
      %add3A_1540 = vector.broadcast %add3A_1539 : i32 to vector<16xi32>
      %add3A_1541 = arith.addi %select_n3A_876, %add3A_1540 : vector<16xi32>
      %gather3A_1542 = tpu.vector_load_idx %arg11[%iota3A, %add3A_1541] : memref<32x128xf32, #tpu.memory_space<vmem>>[vector<16xi32>, vector<16xi32>], vector<16xf32>,
      %add3A_1543 = arith.constant 16 : i32
      %add3A_1544 = vector.broadcast %add3A_1543 : i32 to vector<16xi32>
      %add3A_1545 = arith.addi %iota3A, %add3A_1544 : vector<16xi32>
      %add3A_1546 = arith.constant 17 : i32
      %add3A_1547 = vector.broadcast %add3A_1546 : i32 to vector<16xi32>
      %add3A_1548 = arith.addi %select_n3A_1194, %add3A_1547 : vector<16xi32>
      %gather3A_1549 = tpu.vector_load_idx %arg11[%add3A_1545, %add3A_1548] : memref<32x128xf32, #tpu.memory_space<vmem>>[vector<16xi32>, vector<16xi32>], vector<16xf32>,
      %mul3A_1550 = arith.mulf %gather3A_1538, %gather3A_1542 : vector<16xf32>
      %add3A_1551 = arith.addf %add3A_1532, %mul3A_1550 : vector<16xf32>
      %mul3A_1552 = arith.mulf %gather3A_1538, %gather3A_1549 : vector<16xf32>
      %add3A_1553 = arith.addf %add3A_1534, %mul3A_1552 : vector<16xf32>
      %add3A_1554 = arith.constant 18 : i32
      %add3A_1555 = vector.broadcast %add3A_1554 : i32 to vector<16xi32>
      %add3A_1556 = arith.addi %sub3A, %add3A_1555 : vector<16xi32>
      %gather3A_1557 = tpu.vector_load_idx %arg12[%broadcast_in_dim3A_1208, %add3A_1556] : memref<16x128xf32, #tpu.memory_space<vmem>>[vector<16xi32>, vector<16xi32>], vector<16xf32>,
      %add3A_1558 = arith.constant 18 : i32
      %add3A_1559 = vector.broadcast %add3A_1558 : i32 to vector<16xi32>
      %add3A_1560 = arith.addi %select_n3A_876, %add3A_1559 : vector<16xi32>
      %gather3A_1561 = tpu.vector_load_idx %arg11[%iota3A, %add3A_1560] : memref<32x128xf32, #tpu.memory_space<vmem>>[vector<16xi32>, vector<16xi32>], vector<16xf32>,
      %add3A_1562 = arith.constant 16 : i32
      %add3A_1563 = vector.broadcast %add3A_1562 : i32 to vector<16xi32>
      %add3A_1564 = arith.addi %iota3A, %add3A_1563 : vector<16xi32>
      %add3A_1565 = arith.constant 18 : i32
      %add3A_1566 = vector.broadcast %add3A_1565 : i32 to vector<16xi32>
      %add3A_1567 = arith.addi %select_n3A_1194, %add3A_1566 : vector<16xi32>
      %gather3A_1568 = tpu.vector_load_idx %arg11[%add3A_1564, %add3A_1567] : memref<32x128xf32, #tpu.memory_space<vmem>>[vector<16xi32>, vector<16xi32>], vector<16xf32>,
      %mul3A_1569 = arith.mulf %gather3A_1557, %gather3A_1561 : vector<16xf32>
      %add3A_1570 = arith.addf %add3A_1551, %mul3A_1569 : vector<16xf32>
      %mul3A_1571 = arith.mulf %gather3A_1557, %gather3A_1568 : vector<16xf32>
      %add3A_1572 = arith.addf %add3A_1553, %mul3A_1571 : vector<16xf32>
      %add3A_1573 = arith.constant 19 : i32
      %add3A_1574 = vector.broadcast %add3A_1573 : i32 to vector<16xi32>
      %add3A_1575 = arith.addi %sub3A, %add3A_1574 : vector<16xi32>
      %gather3A_1576 = tpu.vector_load_idx %arg12[%broadcast_in_dim3A_1208, %add3A_1575] : memref<16x128xf32, #tpu.memory_space<vmem>>[vector<16xi32>, vector<16xi32>], vector<16xf32>,
      %add3A_1577 = arith.constant 19 : i32
      %add3A_1578 = vector.broadcast %add3A_1577 : i32 to vector<16xi32>
      %add3A_1579 = arith.addi %select_n3A_876, %add3A_1578 : vector<16xi32>
      %gather3A_1580 = tpu.vector_load_idx %arg11[%iota3A, %add3A_1579] : memref<32x128xf32, #tpu.memory_space<vmem>>[vector<16xi32>, vector<16xi32>], vector<16xf32>,
      %add3A_1581 = arith.constant 16 : i32
      %add3A_1582 = vector.broadcast %add3A_1581 : i32 to vector<16xi32>
      %add3A_1583 = arith.addi %iota3A, %add3A_1582 : vector<16xi32>
      %add3A_1584 = arith.constant 19 : i32
      %add3A_1585 = vector.broadcast %add3A_1584 : i32 to vector<16xi32>
      %add3A_1586 = arith.addi %select_n3A_1194, %add3A_1585 : vector<16xi32>
      %gather3A_1587 = tpu.vector_load_idx %arg11[%add3A_1583, %add3A_1586] : memref<32x128xf32, #tpu.memory_space<vmem>>[vector<16xi32>, vector<16xi32>], vector<16xf32>,
      %mul3A_1588 = arith.mulf %gather3A_1576, %gather3A_1580 : vector<16xf32>
      %add3A_1589 = arith.addf %add3A_1570, %mul3A_1588 : vector<16xf32>
      %mul3A_1590 = arith.mulf %gather3A_1576, %gather3A_1587 : vector<16xf32>
      %add3A_1591 = arith.addf %add3A_1572, %mul3A_1590 : vector<16xf32>
      %add3A_1592 = arith.constant 20 : i32
      %add3A_1593 = vector.broadcast %add3A_1592 : i32 to vector<16xi32>
      %add3A_1594 = arith.addi %sub3A, %add3A_1593 : vector<16xi32>
      %gather3A_1595 = tpu.vector_load_idx %arg12[%broadcast_in_dim3A_1208, %add3A_1594] : memref<16x128xf32, #tpu.memory_space<vmem>>[vector<16xi32>, vector<16xi32>], vector<16xf32>,
      %add3A_1596 = arith.constant 20 : i32
      %add3A_1597 = vector.broadcast %add3A_1596 : i32 to vector<16xi32>
      %add3A_1598 = arith.addi %select_n3A_876, %add3A_1597 : vector<16xi32>
      %gather3A_1599 = tpu.vector_load_idx %arg11[%iota3A, %add3A_1598] : memref<32x128xf32, #tpu.memory_space<vmem>>[vector<16xi32>, vector<16xi32>], vector<16xf32>,
      %add3A_1600 = arith.constant 16 : i32
      %add3A_1601 = vector.broadcast %add3A_1600 : i32 to vector<16xi32>
      %add3A_1602 = arith.addi %iota3A, %add3A_1601 : vector<16xi32>
      %add3A_1603 = arith.constant 20 : i32
      %add3A_1604 = vector.broadcast %add3A_1603 : i32 to vector<16xi32>
      %add3A_1605 = arith.addi %select_n3A_1194, %add3A_1604 : vector<16xi32>
      %gather3A_1606 = tpu.vector_load_idx %arg11[%add3A_1602, %add3A_1605] : memref<32x128xf32, #tpu.memory_space<vmem>>[vector<16xi32>, vector<16xi32>], vector<16xf32>,
      %mul3A_1607 = arith.mulf %gather3A_1595, %gather3A_1599 : vector<16xf32>
      %add3A_1608 = arith.addf %add3A_1589, %mul3A_1607 : vector<16xf32>
      %mul3A_1609 = arith.mulf %gather3A_1595, %gather3A_1606 : vector<16xf32>
      %add3A_1610 = arith.addf %add3A_1591, %mul3A_1609 : vector<16xf32>
      %add3A_1611 = arith.constant 21 : i32
      %add3A_1612 = vector.broadcast %add3A_1611 : i32 to vector<16xi32>
      %add3A_1613 = arith.addi %sub3A, %add3A_1612 : vector<16xi32>
      %gather3A_1614 = tpu.vector_load_idx %arg12[%broadcast_in_dim3A_1208, %add3A_1613] : memref<16x128xf32, #tpu.memory_space<vmem>>[vector<16xi32>, vector<16xi32>], vector<16xf32>,
      %add3A_1615 = arith.constant 21 : i32
      %add3A_1616 = vector.broadcast %add3A_1615 : i32 to vector<16xi32>
      %add3A_1617 = arith.addi %select_n3A_876, %add3A_1616 : vector<16xi32>
      %gather3A_1618 = tpu.vector_load_idx %arg11[%iota3A, %add3A_1617] : memref<32x128xf32, #tpu.memory_space<vmem>>[vector<16xi32>, vector<16xi32>], vector<16xf32>,
      %add3A_1619 = arith.constant 16 : i32
      %add3A_1620 = vector.broadcast %add3A_1619 : i32 to vector<16xi32>
      %add3A_1621 = arith.addi %iota3A, %add3A_1620 : vector<16xi32>
      %add3A_1622 = arith.constant 21 : i32
      %add3A_1623 = vector.broadcast %add3A_1622 : i32 to vector<16xi32>
      %add3A_1624 = arith.addi %select_n3A_1194, %add3A_1623 : vector<16xi32>
      %gather3A_1625 = tpu.vector_load_idx %arg11[%add3A_1621, %add3A_1624] : memref<32x128xf32, #tpu.memory_space<vmem>>[vector<16xi32>, vector<16xi32>], vector<16xf32>,
      %mul3A_1626 = arith.mulf %gather3A_1614, %gather3A_1618 : vector<16xf32>
      %add3A_1627 = arith.addf %add3A_1608, %mul3A_1626 : vector<16xf32>
      %mul3A_1628 = arith.mulf %gather3A_1614, %gather3A_1625 : vector<16xf32>
      %add3A_1629 = arith.addf %add3A_1610, %mul3A_1628 : vector<16xf32>
      %add3A_1630 = arith.constant 22 : i32
      %add3A_1631 = vector.broadcast %add3A_1630 : i32 to vector<16xi32>
      %add3A_1632 = arith.addi %sub3A, %add3A_1631 : vector<16xi32>
      %gather3A_1633 = tpu.vector_load_idx %arg12[%broadcast_in_dim3A_1208, %add3A_1632] : memref<16x128xf32, #tpu.memory_space<vmem>>[vector<16xi32>, vector<16xi32>], vector<16xf32>,
      %add3A_1634 = arith.constant 22 : i32
      %add3A_1635 = vector.broadcast %add3A_1634 : i32 to vector<16xi32>
      %add3A_1636 = arith.addi %select_n3A_876, %add3A_1635 : vector<16xi32>
      %gather3A_1637 = tpu.vector_load_idx %arg11[%iota3A, %add3A_1636] : memref<32x128xf32, #tpu.memory_space<vmem>>[vector<16xi32>, vector<16xi32>], vector<16xf32>,
      %add3A_1638 = arith.constant 16 : i32
      %add3A_1639 = vector.broadcast %add3A_1638 : i32 to vector<16xi32>
      %add3A_1640 = arith.addi %iota3A, %add3A_1639 : vector<16xi32>
      %add3A_1641 = arith.constant 22 : i32
      %add3A_1642 = vector.broadcast %add3A_1641 : i32 to vector<16xi32>
      %add3A_1643 = arith.addi %select_n3A_1194, %add3A_1642 : vector<16xi32>
      %gather3A_1644 = tpu.vector_load_idx %arg11[%add3A_1640, %add3A_1643] : memref<32x128xf32, #tpu.memory_space<vmem>>[vector<16xi32>, vector<16xi32>], vector<16xf32>,
      %mul3A_1645 = arith.mulf %gather3A_1633, %gather3A_1637 : vector<16xf32>
      %add3A_1646 = arith.addf %add3A_1627, %mul3A_1645 : vector<16xf32>
      %mul3A_1647 = arith.mulf %gather3A_1633, %gather3A_1644 : vector<16xf32>
      %add3A_1648 = arith.addf %add3A_1629, %mul3A_1647 : vector<16xf32>
      %add3A_1649 = arith.constant 23 : i32
      %add3A_1650 = vector.broadcast %add3A_1649 : i32 to vector<16xi32>
      %add3A_1651 = arith.addi %sub3A, %add3A_1650 : vector<16xi32>
      %gather3A_1652 = tpu.vector_load_idx %arg12[%broadcast_in_dim3A_1208, %add3A_1651] : memref<16x128xf32, #tpu.memory_space<vmem>>[vector<16xi32>, vector<16xi32>], vector<16xf32>,
      %add3A_1653 = arith.constant 23 : i32
      %add3A_1654 = vector.broadcast %add3A_1653 : i32 to vector<16xi32>
      %add3A_1655 = arith.addi %select_n3A_876, %add3A_1654 : vector<16xi32>
      %gather3A_1656 = tpu.vector_load_idx %arg11[%iota3A, %add3A_1655] : memref<32x128xf32, #tpu.memory_space<vmem>>[vector<16xi32>, vector<16xi32>], vector<16xf32>,
      %add3A_1657 = arith.constant 16 : i32
      %add3A_1658 = vector.broadcast %add3A_1657 : i32 to vector<16xi32>
      %add3A_1659 = arith.addi %iota3A, %add3A_1658 : vector<16xi32>
      %add3A_1660 = arith.constant 23 : i32
      %add3A_1661 = vector.broadcast %add3A_1660 : i32 to vector<16xi32>
      %add3A_1662 = arith.addi %select_n3A_1194, %add3A_1661 : vector<16xi32>
      %gather3A_1663 = tpu.vector_load_idx %arg11[%add3A_1659, %add3A_1662] : memref<32x128xf32, #tpu.memory_space<vmem>>[vector<16xi32>, vector<16xi32>], vector<16xf32>,
      %mul3A_1664 = arith.mulf %gather3A_1652, %gather3A_1656 : vector<16xf32>
      %add3A_1665 = arith.addf %add3A_1646, %mul3A_1664 : vector<16xf32>
      %mul3A_1666 = arith.mulf %gather3A_1652, %gather3A_1663 : vector<16xf32>
      %add3A_1667 = arith.addf %add3A_1648, %mul3A_1666 : vector<16xf32>
      %add3A_1668 = arith.constant 24 : i32
      %add3A_1669 = vector.broadcast %add3A_1668 : i32 to vector<16xi32>
      %add3A_1670 = arith.addi %sub3A, %add3A_1669 : vector<16xi32>
      %gather3A_1671 = tpu.vector_load_idx %arg12[%broadcast_in_dim3A_1208, %add3A_1670] : memref<16x128xf32, #tpu.memory_space<vmem>>[vector<16xi32>, vector<16xi32>], vector<16xf32>,
      %add3A_1672 = arith.constant 24 : i32
      %add3A_1673 = vector.broadcast %add3A_1672 : i32 to vector<16xi32>
      %add3A_1674 = arith.addi %select_n3A_876, %add3A_1673 : vector<16xi32>
      %gather3A_1675 = tpu.vector_load_idx %arg11[%iota3A, %add3A_1674] : memref<32x128xf32, #tpu.memory_space<vmem>>[vector<16xi32>, vector<16xi32>], vector<16xf32>,
      %add3A_1676 = arith.constant 16 : i32
      %add3A_1677 = vector.broadcast %add3A_1676 : i32 to vector<16xi32>
      %add3A_1678 = arith.addi %iota3A, %add3A_1677 : vector<16xi32>
      %add3A_1679 = arith.constant 24 : i32
      %add3A_1680 = vector.broadcast %add3A_1679 : i32 to vector<16xi32>
      %add3A_1681 = arith.addi %select_n3A_1194, %add3A_1680 : vector<16xi32>
      %gather3A_1682 = tpu.vector_load_idx %arg11[%add3A_1678, %add3A_1681] : memref<32x128xf32, #tpu.memory_space<vmem>>[vector<16xi32>, vector<16xi32>], vector<16xf32>,
      %mul3A_1683 = arith.mulf %gather3A_1671, %gather3A_1675 : vector<16xf32>
      %add3A_1684 = arith.addf %add3A_1665, %mul3A_1683 : vector<16xf32>
      %mul3A_1685 = arith.mulf %gather3A_1671, %gather3A_1682 : vector<16xf32>
      %add3A_1686 = arith.addf %add3A_1667, %mul3A_1685 : vector<16xf32>
      %add3A_1687 = arith.constant 25 : i32
      %add3A_1688 = vector.broadcast %add3A_1687 : i32 to vector<16xi32>
      %add3A_1689 = arith.addi %sub3A, %add3A_1688 : vector<16xi32>
      %gather3A_1690 = tpu.vector_load_idx %arg12[%broadcast_in_dim3A_1208, %add3A_1689] : memref<16x128xf32, #tpu.memory_space<vmem>>[vector<16xi32>, vector<16xi32>], vector<16xf32>,
      %add3A_1691 = arith.constant 25 : i32
      %add3A_1692 = vector.broadcast %add3A_1691 : i32 to vector<16xi32>
      %add3A_1693 = arith.addi %select_n3A_876, %add3A_1692 : vector<16xi32>
      %gather3A_1694 = tpu.vector_load_idx %arg11[%iota3A, %add3A_1693] : memref<32x128xf32, #tpu.memory_space<vmem>>[vector<16xi32>, vector<16xi32>], vector<16xf32>,
      %add3A_1695 = arith.constant 16 : i32
      %add3A_1696 = vector.broadcast %add3A_1695 : i32 to vector<16xi32>
      %add3A_1697 = arith.addi %iota3A, %add3A_1696 : vector<16xi32>
      %add3A_1698 = arith.constant 25 : i32
      %add3A_1699 = vector.broadcast %add3A_1698 : i32 to vector<16xi32>
      %add3A_1700 = arith.addi %select_n3A_1194, %add3A_1699 : vector<16xi32>
      %gather3A_1701 = tpu.vector_load_idx %arg11[%add3A_1697, %add3A_1700] : memref<32x128xf32, #tpu.memory_space<vmem>>[vector<16xi32>, vector<16xi32>], vector<16xf32>,
      %mul3A_1702 = arith.mulf %gather3A_1690, %gather3A_1694 : vector<16xf32>
      %add3A_1703 = arith.addf %add3A_1684, %mul3A_1702 : vector<16xf32>
      %mul3A_1704 = arith.mulf %gather3A_1690, %gather3A_1701 : vector<16xf32>
      %add3A_1705 = arith.addf %add3A_1686, %mul3A_1704 : vector<16xf32>
      %add3A_1706 = arith.constant 26 : i32
      %add3A_1707 = vector.broadcast %add3A_1706 : i32 to vector<16xi32>
      %add3A_1708 = arith.addi %sub3A, %add3A_1707 : vector<16xi32>
      %gather3A_1709 = tpu.vector_load_idx %arg12[%broadcast_in_dim3A_1208, %add3A_1708] : memref<16x128xf32, #tpu.memory_space<vmem>>[vector<16xi32>, vector<16xi32>], vector<16xf32>,
      %add3A_1710 = arith.constant 26 : i32
      %add3A_1711 = vector.broadcast %add3A_1710 : i32 to vector<16xi32>
      %add3A_1712 = arith.addi %select_n3A_876, %add3A_1711 : vector<16xi32>
      %gather3A_1713 = tpu.vector_load_idx %arg11[%iota3A, %add3A_1712] : memref<32x128xf32, #tpu.memory_space<vmem>>[vector<16xi32>, vector<16xi32>], vector<16xf32>,
      %add3A_1714 = arith.constant 16 : i32
      %add3A_1715 = vector.broadcast %add3A_1714 : i32 to vector<16xi32>
      %add3A_1716 = arith.addi %iota3A, %add3A_1715 : vector<16xi32>
      %add3A_1717 = arith.constant 26 : i32
      %add3A_1718 = vector.broadcast %add3A_1717 : i32 to vector<16xi32>
      %add3A_1719 = arith.addi %select_n3A_1194, %add3A_1718 : vector<16xi32>
      %gather3A_1720 = tpu.vector_load_idx %arg11[%add3A_1716, %add3A_1719] : memref<32x128xf32, #tpu.memory_space<vmem>>[vector<16xi32>, vector<16xi32>], vector<16xf32>,
      %mul3A_1721 = arith.mulf %gather3A_1709, %gather3A_1713 : vector<16xf32>
      %add3A_1722 = arith.addf %add3A_1703, %mul3A_1721 : vector<16xf32>
      %mul3A_1723 = arith.mulf %gather3A_1709, %gather3A_1720 : vector<16xf32>
      %add3A_1724 = arith.addf %add3A_1705, %mul3A_1723 : vector<16xf32>
      %add3A_1725 = arith.constant 27 : i32
      %add3A_1726 = vector.broadcast %add3A_1725 : i32 to vector<16xi32>
      %add3A_1727 = arith.addi %sub3A, %add3A_1726 : vector<16xi32>
      %gather3A_1728 = tpu.vector_load_idx %arg12[%broadcast_in_dim3A_1208, %add3A_1727] : memref<16x128xf32, #tpu.memory_space<vmem>>[vector<16xi32>, vector<16xi32>], vector<16xf32>,
      %add3A_1729 = arith.constant 27 : i32
      %add3A_1730 = vector.broadcast %add3A_1729 : i32 to vector<16xi32>
      %add3A_1731 = arith.addi %select_n3A_876, %add3A_1730 : vector<16xi32>
      %gather3A_1732 = tpu.vector_load_idx %arg11[%iota3A, %add3A_1731] : memref<32x128xf32, #tpu.memory_space<vmem>>[vector<16xi32>, vector<16xi32>], vector<16xf32>,
      %add3A_1733 = arith.constant 16 : i32
      %add3A_1734 = vector.broadcast %add3A_1733 : i32 to vector<16xi32>
      %add3A_1735 = arith.addi %iota3A, %add3A_1734 : vector<16xi32>
      %add3A_1736 = arith.constant 27 : i32
      %add3A_1737 = vector.broadcast %add3A_1736 : i32 to vector<16xi32>
      %add3A_1738 = arith.addi %select_n3A_1194, %add3A_1737 : vector<16xi32>
      %gather3A_1739 = tpu.vector_load_idx %arg11[%add3A_1735, %add3A_1738] : memref<32x128xf32, #tpu.memory_space<vmem>>[vector<16xi32>, vector<16xi32>], vector<16xf32>,
      %mul3A_1740 = arith.mulf %gather3A_1728, %gather3A_1732 : vector<16xf32>
      %add3A_1741 = arith.addf %add3A_1722, %mul3A_1740 : vector<16xf32>
      %mul3A_1742 = arith.mulf %gather3A_1728, %gather3A_1739 : vector<16xf32>
      %add3A_1743 = arith.addf %add3A_1724, %mul3A_1742 : vector<16xf32>
      %add3A_1744 = arith.constant 28 : i32
      %add3A_1745 = vector.broadcast %add3A_1744 : i32 to vector<16xi32>
      %add3A_1746 = arith.addi %sub3A, %add3A_1745 : vector<16xi32>
      %gather3A_1747 = tpu.vector_load_idx %arg12[%broadcast_in_dim3A_1208, %add3A_1746] : memref<16x128xf32, #tpu.memory_space<vmem>>[vector<16xi32>, vector<16xi32>], vector<16xf32>,
      %add3A_1748 = arith.constant 28 : i32
      %add3A_1749 = vector.broadcast %add3A_1748 : i32 to vector<16xi32>
      %add3A_1750 = arith.addi %select_n3A_876, %add3A_1749 : vector<16xi32>
      %gather3A_1751 = tpu.vector_load_idx %arg11[%iota3A, %add3A_1750] : memref<32x128xf32, #tpu.memory_space<vmem>>[vector<16xi32>, vector<16xi32>], vector<16xf32>,
      %add3A_1752 = arith.constant 16 : i32
      %add3A_1753 = vector.broadcast %add3A_1752 : i32 to vector<16xi32>
      %add3A_1754 = arith.addi %iota3A, %add3A_1753 : vector<16xi32>
      %add3A_1755 = arith.constant 28 : i32
      %add3A_1756 = vector.broadcast %add3A_1755 : i32 to vector<16xi32>
      %add3A_1757 = arith.addi %select_n3A_1194, %add3A_1756 : vector<16xi32>
      %gather3A_1758 = tpu.vector_load_idx %arg11[%add3A_1754, %add3A_1757] : memref<32x128xf32, #tpu.memory_space<vmem>>[vector<16xi32>, vector<16xi32>], vector<16xf32>,
      %mul3A_1759 = arith.mulf %gather3A_1747, %gather3A_1751 : vector<16xf32>
      %add3A_1760 = arith.addf %add3A_1741, %mul3A_1759 : vector<16xf32>
      %mul3A_1761 = arith.mulf %gather3A_1747, %gather3A_1758 : vector<16xf32>
      %add3A_1762 = arith.addf %add3A_1743, %mul3A_1761 : vector<16xf32>
      %add3A_1763 = arith.constant 29 : i32
      %add3A_1764 = vector.broadcast %add3A_1763 : i32 to vector<16xi32>
      %add3A_1765 = arith.addi %sub3A, %add3A_1764 : vector<16xi32>
      %gather3A_1766 = tpu.vector_load_idx %arg12[%broadcast_in_dim3A_1208, %add3A_1765] : memref<16x128xf32, #tpu.memory_space<vmem>>[vector<16xi32>, vector<16xi32>], vector<16xf32>,
      %add3A_1767 = arith.constant 29 : i32
      %add3A_1768 = vector.broadcast %add3A_1767 : i32 to vector<16xi32>
      %add3A_1769 = arith.addi %select_n3A_876, %add3A_1768 : vector<16xi32>
      %gather3A_1770 = tpu.vector_load_idx %arg11[%iota3A, %add3A_1769] : memref<32x128xf32, #tpu.memory_space<vmem>>[vector<16xi32>, vector<16xi32>], vector<16xf32>,
      %add3A_1771 = arith.constant 16 : i32
      %add3A_1772 = vector.broadcast %add3A_1771 : i32 to vector<16xi32>
      %add3A_1773 = arith.addi %iota3A, %add3A_1772 : vector<16xi32>
      %add3A_1774 = arith.constant 29 : i32
      %add3A_1775 = vector.broadcast %add3A_1774 : i32 to vector<16xi32>
      %add3A_1776 = arith.addi %select_n3A_1194, %add3A_1775 : vector<16xi32>
      %gather3A_1777 = tpu.vector_load_idx %arg11[%add3A_1773, %add3A_1776] : memref<32x128xf32, #tpu.memory_space<vmem>>[vector<16xi32>, vector<16xi32>], vector<16xf32>,
      %mul3A_1778 = arith.mulf %gather3A_1766, %gather3A_1770 : vector<16xf32>
      %add3A_1779 = arith.addf %add3A_1760, %mul3A_1778 : vector<16xf32>
      %mul3A_1780 = arith.mulf %gather3A_1766, %gather3A_1777 : vector<16xf32>
      %add3A_1781 = arith.addf %add3A_1762, %mul3A_1780 : vector<16xf32>
      %add3A_1782 = arith.constant 30 : i32
      %add3A_1783 = vector.broadcast %add3A_1782 : i32 to vector<16xi32>
      %add3A_1784 = arith.addi %sub3A, %add3A_1783 : vector<16xi32>
      %gather3A_1785 = tpu.vector_load_idx %arg12[%broadcast_in_dim3A_1208, %add3A_1784] : memref<16x128xf32, #tpu.memory_space<vmem>>[vector<16xi32>, vector<16xi32>], vector<16xf32>,
      %add3A_1786 = arith.constant 30 : i32
      %add3A_1787 = vector.broadcast %add3A_1786 : i32 to vector<16xi32>
      %add3A_1788 = arith.addi %select_n3A_876, %add3A_1787 : vector<16xi32>
      %gather3A_1789 = tpu.vector_load_idx %arg11[%iota3A, %add3A_1788] : memref<32x128xf32, #tpu.memory_space<vmem>>[vector<16xi32>, vector<16xi32>], vector<16xf32>,
      %add3A_1790 = arith.constant 16 : i32
      %add3A_1791 = vector.broadcast %add3A_1790 : i32 to vector<16xi32>
      %add3A_1792 = arith.addi %iota3A, %add3A_1791 : vector<16xi32>
      %add3A_1793 = arith.constant 30 : i32
      %add3A_1794 = vector.broadcast %add3A_1793 : i32 to vector<16xi32>
      %add3A_1795 = arith.addi %select_n3A_1194, %add3A_1794 : vector<16xi32>
      %gather3A_1796 = tpu.vector_load_idx %arg11[%add3A_1792, %add3A_1795] : memref<32x128xf32, #tpu.memory_space<vmem>>[vector<16xi32>, vector<16xi32>], vector<16xf32>,
      %mul3A_1797 = arith.mulf %gather3A_1785, %gather3A_1789 : vector<16xf32>
      %add3A_1798 = arith.addf %add3A_1779, %mul3A_1797 : vector<16xf32>
      %mul3A_1799 = arith.mulf %gather3A_1785, %gather3A_1796 : vector<16xf32>
      %add3A_1800 = arith.addf %add3A_1781, %mul3A_1799 : vector<16xf32>
      %add3A_1801 = arith.constant 31 : i32
      %add3A_1802 = vector.broadcast %add3A_1801 : i32 to vector<16xi32>
      %add3A_1803 = arith.addi %sub3A, %add3A_1802 : vector<16xi32>
      %gather3A_1804 = tpu.vector_load_idx %arg12[%broadcast_in_dim3A_1208, %add3A_1803] : memref<16x128xf32, #tpu.memory_space<vmem>>[vector<16xi32>, vector<16xi32>], vector<16xf32>,
      %add3A_1805 = arith.constant 31 : i32
      %add3A_1806 = vector.broadcast %add3A_1805 : i32 to vector<16xi32>
      %add3A_1807 = arith.addi %select_n3A_876, %add3A_1806 : vector<16xi32>
      %gather3A_1808 = tpu.vector_load_idx %arg11[%iota3A, %add3A_1807] : memref<32x128xf32, #tpu.memory_space<vmem>>[vector<16xi32>, vector<16xi32>], vector<16xf32>,
      %add3A_1809 = arith.constant 16 : i32
      %add3A_1810 = vector.broadcast %add3A_1809 : i32 to vector<16xi32>
      %add3A_1811 = arith.addi %iota3A, %add3A_1810 : vector<16xi32>
      %add3A_1812 = arith.constant 31 : i32
      %add3A_1813 = vector.broadcast %add3A_1812 : i32 to vector<16xi32>
      %add3A_1814 = arith.addi %select_n3A_1194, %add3A_1813 : vector<16xi32>
      %gather3A_1815 = tpu.vector_load_idx %arg11[%add3A_1811, %add3A_1814] : memref<32x128xf32, #tpu.memory_space<vmem>>[vector<16xi32>, vector<16xi32>], vector<16xf32>,
      %mul3A_1816 = arith.mulf %gather3A_1804, %gather3A_1808 : vector<16xf32>
      %add3A_1817 = arith.addf %add3A_1798, %mul3A_1816 : vector<16xf32>
      %mul3A_1818 = arith.mulf %gather3A_1804, %gather3A_1815 : vector<16xf32>
      %add3A_1819 = arith.addf %add3A_1800, %mul3A_1818 : vector<16xf32>
      %lt3A = arith.cmpi slt, %iota3A, %add3A_1150 : vector<16xi32>
      %min3A_1820 = arith.constant 0.000000e+00 : f32
      %min3A_1821 = vector.broadcast %min3A_1820 : f32 to vector<16xf32>
      %min3A_1822 = arith.minimumf %add3A_1817, %min3A_1821 : vector<16xf32>
      %abs3A = math.absf %add3A_1817 : vector<16xf32>
      %neg3A = arith.constant 0.000000e+00 : f32
      %neg3A_1823 = vector.broadcast %neg3A : f32 to vector<16xf32>
      %neg3A_1824 = arith.subf %neg3A_1823, %abs3A : vector<16xf32>
      %exp3A = math.exp %neg3A_1824 : vector<16xf32>
      %add3A_1825 = arith.constant 2.000000e+00 : f32
      %add3A_1826 = vector.broadcast %add3A_1825 : f32 to vector<16xf32>
      %add3A_1827 = arith.addf %exp3A, %add3A_1826 : vector<16xf32>
      %div3A = arith.divf %exp3A, %add3A_1827 : vector<16xf32>
      %mul3A_1828 = arith.mulf %div3A, %div3A : vector<16xf32>
      %mul3A_1829 = arith.constant 0.0909090936 : f32
      %mul3A_1830 = vector.broadcast %mul3A_1829 : f32 to vector<16xf32>
      %mul3A_1831 = arith.mulf %mul3A_1830, %mul3A_1828 : vector<16xf32>
      %add3A_1832 = arith.constant 0.111111112 : f32
      %add3A_1833 = vector.broadcast %add3A_1832 : f32 to vector<16xf32>
      %add3A_1834 = arith.addf %mul3A_1831, %add3A_1833 : vector<16xf32>
      %mul3A_1835 = arith.mulf %add3A_1834, %mul3A_1828 : vector<16xf32>
      %add3A_1836 = arith.constant 0.142857149 : f32
      %add3A_1837 = vector.broadcast %add3A_1836 : f32 to vector<16xf32>
      %add3A_1838 = arith.addf %mul3A_1835, %add3A_1837 : vector<16xf32>
      %mul3A_1839 = arith.mulf %add3A_1838, %mul3A_1828 : vector<16xf32>
      %add3A_1840 = arith.constant 2.000000e-01 : f32
      %add3A_1841 = vector.broadcast %add3A_1840 : f32 to vector<16xf32>
      %add3A_1842 = arith.addf %mul3A_1839, %add3A_1841 : vector<16xf32>
      %mul3A_1843 = arith.mulf %add3A_1842, %mul3A_1828 : vector<16xf32>
      %add3A_1844 = arith.constant 0.333333343 : f32
      %add3A_1845 = vector.broadcast %add3A_1844 : f32 to vector<16xf32>
      %add3A_1846 = arith.addf %mul3A_1843, %add3A_1845 : vector<16xf32>
      %mul3A_1847 = arith.mulf %add3A_1846, %mul3A_1828 : vector<16xf32>
      %add3A_1848 = arith.constant 1.000000e+00 : f32
      %add3A_1849 = vector.broadcast %add3A_1848 : f32 to vector<16xf32>
      %add3A_1850 = arith.addf %mul3A_1847, %add3A_1849 : vector<16xf32>
      %mul3A_1851 = arith.constant 2.000000e+00 : f32
      %mul3A_1852 = vector.broadcast %mul3A_1851 : f32 to vector<16xf32>
      %mul3A_1853 = arith.mulf %mul3A_1852, %div3A : vector<16xf32>
      %mul3A_1854 = arith.mulf %mul3A_1853, %add3A_1850 : vector<16xf32>
      %sub3A_1855 = arith.subf %min3A_1822, %mul3A_1854 : vector<16xf32>
      %jit3A_1856 = arith.constant 1.000000e+00 : f32
      %broadcast_in_dim3A_1857 = vector.broadcast %jit3A_1856 : f32 to vector<16xf32>
      %select_n3A_1858 = arith.select %lt3A, %sub3A_1855, %broadcast_in_dim3A_1857 : vector<16xi1>, vector<16xf32>
      %add3A_1859 = arith.constant 16 : i32
      %add3A_1860 = vector.broadcast %add3A_1859 : i32 to vector<16xi32>
      %add3A_1861 = arith.addi %iota3A, %add3A_1860 : vector<16xi32>
      %lt3A_1862 = arith.cmpi slt, %add3A_1861, %add3A_1150 : vector<16xi32>
      %min3A_1863 = arith.constant 0.000000e+00 : f32
      %min3A_1864 = vector.broadcast %min3A_1863 : f32 to vector<16xf32>
      %min3A_1865 = arith.minimumf %add3A_1819, %min3A_1864 : vector<16xf32>
      %abs3A_1866 = math.absf %add3A_1819 : vector<16xf32>
      %neg3A_1867 = arith.constant 0.000000e+00 : f32
      %neg3A_1868 = vector.broadcast %neg3A_1867 : f32 to vector<16xf32>
      %neg3A_1869 = arith.subf %neg3A_1868, %abs3A_1866 : vector<16xf32>
      %exp3A_1870 = math.exp %neg3A_1869 : vector<16xf32>
      %add3A_1871 = arith.constant 2.000000e+00 : f32
      %add3A_1872 = vector.broadcast %add3A_1871 : f32 to vector<16xf32>
      %add3A_1873 = arith.addf %exp3A_1870, %add3A_1872 : vector<16xf32>
      %div3A_1874 = arith.divf %exp3A_1870, %add3A_1873 : vector<16xf32>
      %mul3A_1875 = arith.mulf %div3A_1874, %div3A_1874 : vector<16xf32>
      %mul3A_1876 = arith.constant 0.0909090936 : f32
      %mul3A_1877 = vector.broadcast %mul3A_1876 : f32 to vector<16xf32>
      %mul3A_1878 = arith.mulf %mul3A_1877, %mul3A_1875 : vector<16xf32>
      %add3A_1879 = arith.constant 0.111111112 : f32
      %add3A_1880 = vector.broadcast %add3A_1879 : f32 to vector<16xf32>
      %add3A_1881 = arith.addf %mul3A_1878, %add3A_1880 : vector<16xf32>
      %mul3A_1882 = arith.mulf %add3A_1881, %mul3A_1875 : vector<16xf32>
      %add3A_1883 = arith.constant 0.142857149 : f32
      %add3A_1884 = vector.broadcast %add3A_1883 : f32 to vector<16xf32>
      %add3A_1885 = arith.addf %mul3A_1882, %add3A_1884 : vector<16xf32>
      %mul3A_1886 = arith.mulf %add3A_1885, %mul3A_1875 : vector<16xf32>
      %add3A_1887 = arith.constant 2.000000e-01 : f32
      %add3A_1888 = vector.broadcast %add3A_1887 : f32 to vector<16xf32>
      %add3A_1889 = arith.addf %mul3A_1886, %add3A_1888 : vector<16xf32>
      %mul3A_1890 = arith.mulf %add3A_1889, %mul3A_1875 : vector<16xf32>
      %add3A_1891 = arith.constant 0.333333343 : f32
      %add3A_1892 = vector.broadcast %add3A_1891 : f32 to vector<16xf32>
      %add3A_1893 = arith.addf %mul3A_1890, %add3A_1892 : vector<16xf32>
      %mul3A_1894 = arith.mulf %add3A_1893, %mul3A_1875 : vector<16xf32>
      %add3A_1895 = arith.constant 1.000000e+00 : f32
      %add3A_1896 = vector.broadcast %add3A_1895 : f32 to vector<16xf32>
      %add3A_1897 = arith.addf %mul3A_1894, %add3A_1896 : vector<16xf32>
      %mul3A_1898 = arith.constant 2.000000e+00 : f32
      %mul3A_1899 = vector.broadcast %mul3A_1898 : f32 to vector<16xf32>
      %mul3A_1900 = arith.mulf %mul3A_1899, %div3A_1874 : vector<16xf32>
      %mul3A_1901 = arith.mulf %mul3A_1900, %add3A_1897 : vector<16xf32>
      %sub3A_1902 = arith.subf %min3A_1865, %mul3A_1901 : vector<16xf32>
      %jit3A_1903 = arith.constant 1.000000e+00 : f32
      %broadcast_in_dim3A_1904 = vector.broadcast %jit3A_1903 : f32 to vector<16xf32>
      %select_n3A_1905 = arith.select %lt3A_1862, %sub3A_1902, %broadcast_in_dim3A_1904 : vector<16xi1>, vector<16xf32>
      %mul3A_1906 = arith.mulf %select_n3A_1858, %select_n3A_1905 : vector<16xf32>
      %swap3A_1907 = arith.constant 0 : index
      %swap3A_1908 = tpu.vector_load %arg13[%swap3A_1907] {strides = array<i32>} : memref<16xf32, #tpu.memory_space<vmem>>, vector<16xf32>,
      tpu.vector_store %arg13[%swap3A_1907], %mul3A_1906 {strides = array<i32>} : memref<16xf32, #tpu.memory_space<vmem>>, vector<16xf32>,
      %xor3A = arith.constant 8 : i32
      %xor3A_1909 = vector.broadcast %xor3A : i32 to vector<16xi32>
      %xor3A_1910 = arith.xori %iota3A, %xor3A_1909 : vector<16xi32>
      %gather3A_1911 = tpu.vector_load_idx %arg13[%xor3A_1910] : memref<16xf32, #tpu.memory_space<vmem>>[vector<16xi32>], vector<16xf32>,
      %mul3A_1912 = arith.mulf %mul3A_1906, %gather3A_1911 : vector<16xf32>
      %swap3A_1913 = arith.constant 0 : index
      %swap3A_1914 = tpu.vector_load %arg13[%swap3A_1913] {strides = array<i32>} : memref<16xf32, #tpu.memory_space<vmem>>, vector<16xf32>,
      tpu.vector_store %arg13[%swap3A_1913], %mul3A_1912 {strides = array<i32>} : memref<16xf32, #tpu.memory_space<vmem>>, vector<16xf32>,
      %xor3A_1915 = arith.constant 4 : i32
      %xor3A_1916 = vector.broadcast %xor3A_1915 : i32 to vector<16xi32>
      %xor3A_1917 = arith.xori %iota3A, %xor3A_1916 : vector<16xi32>
      %gather3A_1918 = tpu.vector_load_idx %arg13[%xor3A_1917] : memref<16xf32, #tpu.memory_space<vmem>>[vector<16xi32>], vector<16xf32>,
      %mul3A_1919 = arith.mulf %mul3A_1912, %gather3A_1918 : vector<16xf32>
      %swap3A_1920 = arith.constant 0 : index
      %swap3A_1921 = tpu.vector_load %arg13[%swap3A_1920] {strides = array<i32>} : memref<16xf32, #tpu.memory_space<vmem>>, vector<16xf32>,
      tpu.vector_store %arg13[%swap3A_1920], %mul3A_1919 {strides = array<i32>} : memref<16xf32, #tpu.memory_space<vmem>>, vector<16xf32>,
      %xor3A_1922 = arith.constant 2 : i32
      %xor3A_1923 = vector.broadcast %xor3A_1922 : i32 to vector<16xi32>
      %xor3A_1924 = arith.xori %iota3A, %xor3A_1923 : vector<16xi32>
      %gather3A_1925 = tpu.vector_load_idx %arg13[%xor3A_1924] : memref<16xf32, #tpu.memory_space<vmem>>[vector<16xi32>], vector<16xf32>,
      %mul3A_1926 = arith.mulf %mul3A_1919, %gather3A_1925 : vector<16xf32>
      %swap3A_1927 = arith.constant 0 : index
      %swap3A_1928 = tpu.vector_load %arg13[%swap3A_1927] {strides = array<i32>} : memref<16xf32, #tpu.memory_space<vmem>>, vector<16xf32>,
      tpu.vector_store %arg13[%swap3A_1927], %mul3A_1926 {strides = array<i32>} : memref<16xf32, #tpu.memory_space<vmem>>, vector<16xf32>,
      %xor3A_1929 = arith.constant 1 : i32
      %xor3A_1930 = vector.broadcast %xor3A_1929 : i32 to vector<16xi32>
      %xor3A_1931 = arith.xori %iota3A, %xor3A_1930 : vector<16xi32>
      %gather3A_1932 = tpu.vector_load_idx %arg13[%xor3A_1931] : memref<16xf32, #tpu.memory_space<vmem>>[vector<16xi32>], vector<16xf32>,
      %mul3A_1933 = arith.mulf %mul3A_1926, %gather3A_1932 : vector<16xf32>
      %neg3A_1934 = arith.constant 0.000000e+00 : f32
      %neg3A_1935 = vector.broadcast %neg3A_1934 : f32 to vector<16xf32>
      %neg3A_1936 = arith.subf %neg3A_1935, %mul3A_1933 : vector<16xf32>
      %swap3A_1937 = arith.constant 0 : index
      %swap3A_1938 = tpu.vector_load %arg13[%swap3A_1937] {strides = array<i32>} : memref<16xf32, #tpu.memory_space<vmem>>, vector<16xf32>,
      tpu.vector_store %arg13[%swap3A_1937], %neg3A_1936 {strides = array<i32>} : memref<16xf32, #tpu.memory_space<vmem>>, vector<16xf32>,
      "tpu.region"() ({
        %run_scoped3A = tpu.sem_alloc : memref<!tpu.dma_semaphore, #tpu.memory_space<semaphore_mem>>
        tpu.enqueue_dma source(%arg13 : memref<16xf32, #tpu.memory_space<vmem>>) target(%arg6 : memref<16xf32, #tpu.memory_space<hbm>>) target_semaphore(%run_scoped3A : memref<!tpu.dma_semaphore, #tpu.memory_space<semaphore_mem>>)
        tpu.wait_dma2 semaphore(%run_scoped3A : memref<!tpu.dma_semaphore, #tpu.memory_space<semaphore_mem>>) src(%arg13 : memref<16xf32, #tpu.memory_space<vmem>>) dst(%arg6 : memref<16xf32, #tpu.memory_space<hbm>>)
        tpu.yield
      }) : () -> ()
    } else {
    }
    return
  }
}

</mosaic_0001>

<sc_bundles>
// kernel: kernel.3.cloned.1.call-start
scs
__scs_entry_jumppad:
0x0: {  	(pc) =	sbr.rel $0x88, $3  }
0x1: {  	(tag) =	ssettag $0x0;
	lr =	simm.s32 $0x1  }
0x2: {  	[smem:$0x3F9D] =	sst lr;
	_ =	strace $0xD0000000  }
0x3: {  	_ = 	snop  }
0x4: {  	_ = 	snop  }
0x5: {  	_ = 	snop  }
0x6: {  	_ = 	snop  }
0x7: {  	_ = 	snop  }
__scs_overlays_trampoline_lowered:
0x8: {  	[smem:$0x3FAC] =	sst s0  }
0x9: {  	[smem:$0x3FAD] =	sst s1  }
0xa: {  	[smem:$0x3FAE] =	sst s2  }
0xb: {  	[smem:$0x3FAF] =	sst s3  }
0xc: {  	[smem:$0x3FB0] =	sst s4  }
0xd: {  	[smem:$0x3FB1] =	sst s5  }
0xe: {  	[smem:$0x3FB2] =	sst s6  }
0xf: {  	[smem:$0x3FB3] =	sst s7  }
0x10: {  	[smem:$0x3FB4] =	sst s8  }
0x11: {  	[smem:$0x3FB5] =	sst s9;
	s0 =	simm.s32 @!p0 $0x0  }
0x12: {  	s1 =	sld [smem:$0x3F9B];
	s0 =	simm.s32 @p0 $0x1  }
0x13: {  	[smem:$0x3FB6] =	sst s0;
	s0 =	simm.s32 @!p1 $0x0  }
0x14: {  	s2 =	sld [smem:$0x3F9A];
	s0 =	simm.s32 @p1 $0x1  }
0x15: {  	[smem:$0x3FB7] =	sst s0;
	s0 =	simm.s32 @!p2 $0x0  }
0x16: {  	s3 =	sld [smem:$0x3FDB];
	s0 =	simm.s32 @p2 $0x1  }
0x17: {  	s4 =	simm.s32 $0x1BF5;
	[smem:$0x3FB9] =	sst s0  }
0x18: {  	s0 =	sld [smem:$0x3F9C];
	_ =	swait.ge [sflag:s4], $0x0  }
0x19: {  	s7 =	sld [smem:$0x3F9D]  }
0x1a: {  	s8 =	sadd.s32 $0xFFFFE003, lr  }
0x1b: {  	s9 =	sadd.s32 $0xFFFFFEF7, lr;
	s5 =	simm.s32 $0xFFFFFFFF;
	p2 =	slt.u32 s8, $0xFFFFF086  }
0x1c: {  	p1 =	slt.u32 s9, $0xF7A;
	s5 =	simm.s32 @!p2 $0x0  }
0x1d: {  	s5 =	simm.s32 @p1 $0x1;
	p0 =	seq.s32 s7, s2  }
0x1e: {  	s7 =	smul.u32 @!p0 $0xF7A, s2;
	p2 =	seq.s32 @!p0 s5, $0x0  }
0x1f: {  	s9 =	smul.u32 $0xF7A, s1;
	s8 =	simm.s32 @!p0 $0x1BF5;
	p2 =	por !p2, p0  }
0x20: {  	[sflag:s8] =	ssyncset.s32 @!p0 $0xFFFFF086;
	s6 =	sadd.s32 @!p0 s3, s7;
	s7 =	simm.s32 @!p0 $0x108  }
0x21: {  	s3 =	sadd.s32 s3, s9;
	s6 =	sadd.s32 @!p0 $0x88, s6;
	s7 =	simm.s32 @p2 $0x1082  }
0x22: {  	[simem:s7], [sflag:s8] =	dma.local @!p0 [hbm:s6], $0xF7A  }
0x23: {  	s9 =	sor.u32 $0xD0000000, s2;
	s6 =	simm.s32 $0x108;
	_ =	swait.ge @!p0 [sflag:s8], $0x0  }
0x24: {  	s3 =	sadd.s32 $0x88, s3;
	s6 =	simm.s32 @!p1 $0x1082;
	[sflag:s4] =	ssyncset.s32 $0xFFFFF086  }
0x25: {  	[simem:s6], [sflag:s4] =	dma.local [hbm:s3], $0xF7A  }
0x26: {  	[smem:$0x3F9D] =	sst s1;
	(tag) =	ssettag s2;
	_ =	strace s9  }
0x27: {  	s1 =	sld [smem:$0x3FAD]  }
0x28: {  	s2 =	sld [smem:$0x3FAE]  }
0x29: {  	s4 =	sld [smem:$0x3FB0]  }
0x2a: {  	p0 =	seq.s32 s5, $0x0;
	s5 =	sld [smem:$0x3FB1]  }
0x2b: {  	s6 =	sld [smem:$0x3FB2]  }
0x2c: {  	s7 =	sld [smem:$0x3FB3]  }
0x2d: {  	s3 =	simm.s32 $0x108;
	s8 =	sld [smem:$0x3FB4]  }
0x2e: {  	s3 =	simm.s32 @!p0 $0x1082;
	s9 =	sld [smem:$0x3FB5]  }
0x2f: {  	lr =	sadd.s32 s0, s3;
	s0 =	sld [smem:$0x3FAC]  }
0x30: {  	s3 =	sld [smem:$0x3FAF]  }
0x31: {  	[smem:$0x3FB8] =	sst s10  }
0x32: {  	s10 =	sld [smem:$0x3FB6];
	_ =	sdelay $0x3  }
0x33: {  	p0 =	seq.s32 s10, $0x1;
	s10 =	sld [smem:$0x3FB8];
	_ =	sdelay $0x3  }
0x34: {  	[smem:$0x3FB8] =	sst s10  }
0x35: {  	s10 =	sld [smem:$0x3FB7];
	_ =	sdelay $0x3  }
0x36: {  	p1 =	seq.s32 s10, $0x1;
	s10 =	sld [smem:$0x3FB8];
	_ =	sdelay $0x3  }
0x37: {  	[smem:$0x3FB8] =	sst s10  }
0x38: {  	s10 =	sld [smem:$0x3FB9]  }
0x39: {  	_ = 	snop;
	(pc) =	sbr.ind lr, $3  }
0x3a: {  	_ = 	snop  }
0x3b: {  	_ = 	snop  }
0x3c: {  	p2 =	seq.s32 s10, $0x1;
	s10 =	sld [smem:$0x3FB8]  }
0x3d: {  	_ =	shalt  }
0x3e: {  	_ =	shalt  }
0x3f: {  	_ =	shalt  }
0x40: {  	_ =	shalt  }
0x41: {  	_ =	shalt  }
0x42: {  	_ =	shalt  }
0x43: {  	_ =	shalt  }
0x44: {  	_ =	shalt  }
0x45: {  	_ =	shalt  }
0x46: {  	_ =	shalt  }
0x47: {  	_ =	shalt  }
0x48: {  	_ =	shalt  }
0x49: {  	_ =	shalt  }
0x4a: {  	_ =	shalt  }
0x4b: {  	_ =	shalt  }
0x4c: {  	_ =	shalt  }
0x4d: {  	_ =	shalt  }
0x4e: {  	_ =	shalt  }
0x4f: {  	_ =	shalt  }
0x50: {  	_ =	shalt  }
0x51: {  	_ =	shalt  }
0x52: {  	_ =	shalt  }
0x53: {  	_ =	shalt  }
0x54: {  	_ =	shalt  }
0x55: {  	_ =	shalt  }
0x56: {  	_ =	shalt  }
0x57: {  	_ =	shalt  }
0x58: {  	_ =	shalt  }
0x59: {  	_ =	shalt  }
0x5a: {  	_ =	shalt  }
0x5b: {  	_ =	shalt  }
0x5c: {  	_ =	shalt  }
0x5d: {  	_ =	shalt  }
0x5e: {  	_ =	shalt  }
0x5f: {  	_ =	shalt  }
0x60: {  	_ =	shalt  }
0x61: {  	_ =	shalt  }
0x62: {  	_ =	shalt  }
0x63: {  	_ =	shalt  }
0x64: {  	_ =	shalt  }
0x65: {  	_ =	shalt  }
0x66: {  	_ =	shalt  }
0x67: {  	_ =	shalt  }
0x68: {  	_ =	shalt  }
0x69: {  	_ =	shalt  }
0x6a: {  	_ =	shalt  }
0x6b: {  	_ =	shalt  }
0x6c: {  	_ =	shalt  }
0x6d: {  	_ =	shalt  }
0x6e: {  	_ =	shalt  }
0x6f: {  	_ =	shalt  }
0x70: {  	_ =	shalt  }
0x71: {  	_ =	shalt  }
0x72: {  	_ =	shalt  }
0x73: {  	_ =	shalt  }
0x74: {  	_ =	shalt  }
0x75: {  	_ =	shalt  }
0x76: {  	_ =	shalt  }
0x77: {  	_ =	shalt  }
0x78: {  	_ =	shalt  }
0x79: {  	_ =	shalt  }
0x7a: {  	_ =	shalt  }
0x7b: {  	_ =	shalt  }
0x7c: {  	_ =	shalt  }
0x7d: {  	_ =	shalt  }
0x7e: {  	_ =	shalt  }
0x7f: {  	_ =	shalt  }
0x80: {  	_ =	shalt  }
0x81: {  	_ =	shalt  }
0x82: {  	_ =	shalt  }
0x83: {  	_ =	shalt  }
0x84: {  	_ =	shalt  }
0x85: {  	_ =	shalt  }
0x86: {  	_ =	shalt  }
0x87: {  	_ =	shalt  }
.Lfunc_end0:
.L_simem_size_0:
called_computation_lowered:
.L_overlay_start_0:
0x88: {  	s2 =	sld [smem:$0x3FD9]  }
0x89: {  	s3 =	sld [smem:$0x3FFE];
	_ =	sdelay $0x1  }
0x8a: {  	s1 =	srdreg.scid  }
0x8b: {  	s0 =	sand.u32 $0x1, s1  }
0x8c: {  	s17 =	sshll.u32 s0, $0xA;
	s2 =	sadd.s32 s3, s2  }
0x8d: {  	s2 =	sadd.s32 s2, s17  }
0x8e: {  	[smem:$0x3FC4] =	sst s2  }
0x8f: {  	_ = 	snop  }
0x90: {  	s2 =	sld [smem:$0x3FD0];
	(tm) =	ssettm $0x1  }
0x91: {  	s18 =	sld [smem:$0x3FFB];
	_ =	sdelay $0x3  }
0x92: {  	_ =	strace s18  }
0x93: {  	s3 =	sld [smem:$0x3FFC];
	_ =	sdelay $0x3  }
0x94: {  	_ =	strace s3  }
0x95: {  	s3 =	sld [smem:$0x3FFD];
	_ =	sdelay $0x3  }
0x96: {  	_ =	strace s3  }
0x97: {  	_ =	strace $0x8FFFFFFF  }
0x98: {  	s19 =	sld [smem:$0x3FDB];
	_ =	sdelay $0x1  }
0x99: {  	s4 =	simm.s32 $_scs_section_size  }
0x9a: {  	s5 =	simm.s32 $_size__tile_overlayer_lowered;
	s6 =	simm.s32 $_tile_overlayer_lowered  }
0x9b: {  	s22 =	simm.s32 $0x1BFF;
	s21 =	sshll.u32 s6, $0x1;
	s3 =	sadd.s32 s4, s19  }
0x9c: {  	s7 =	simm.s32 $0x0;
	s20 =	sshll.u32 s5, $0x1;
	s5 =	sadd.s32 s21, s3  }
0x9d: {  	[timem:s7], [sflag:s22] =	dma.local [hbm:s5], s20  }
0x9e: {  	_ =	swait.ge [sflag:s22], s20  }
0x9f: {  	s4 =	ssub.s32 $0x0, s20;
	[sflag:s22] =	ssyncset.done $0x0  }
0xa0: {  	[sflag:s22] =	ssyncadd.s32 s4;
	_ =	sdelay $0x1  }
0xa1: {  	s23 =	simm.s32 $0x1B8B  }
0xa2: {  	_ =	swait.ge [sflag:s23], $0x1  }
0xa3: {  	[sflag:s23] =	ssyncset.done $0x0  }
0xa4: {  	s25 =	simm.s32 $0x1B8E;
	s24 =	sld [smem:$0x3FFE];
	[sflag:s23] =	ssyncadd.s32 $0xFFFFFFFF  }
0xa5: {  	s26 =	simm.s32 $execute0_lowered;
	[smem:$0x3FD2] =	sst s25  }
0xa6: {  	s5 =	sshll.u32 s26, $0x1;
	_ =	strace $0x80000046;
	[dreg:$0x1] =	wrdreg $0xFFFFFFFF  }
0xa7: {  	s28 =	simm.s32 $_size_execute0_lowered;
	s3 =	sadd.s32 s3, s5;
	[dreg:$0x0] =	wrdreg $0x0  }
0xa8: {  	s5 =	sshll.u32 s28, $0x1;
	[dreg:$0x2] =	wrdreg s3  }
0xa9: {  	[dreg:$0x3] =	wrdreg s5  }
0xaa: {  	[dreg:$0x4] =	wrdreg $0xC0  }
0xab: {  	_ =	task [dreg:s7], $0x5FFFF  }
0xac: {  	[dreg:$0x1] =	wrdreg $0xFFFFFFFF  }
0xad: {  	[dreg:$0x0] =	wrdreg $0x60  }
0xae: {  	[dreg:$0x2] =	wrdreg s2  }
0xaf: {  	[dreg:$0x3] =	wrdreg s24  }
0xb0: {  	[dreg:$0x4] =	wrdreg $0x9  }
0xb1: {  	_ =	task.clear_ibuf [dreg:s7], $0x5FFFF;
	_ =	strace $0x90000046  }
0xb2: {  	s29 =	simm.s32 $0x9;
	_ =	strace $0x80000048  }
0xb3: {  	_ =	swait.ge [sflag:s29], $0x1  }
0xb4: {  	[sflag:s29] =	ssyncadd.s32 $0xFFFFFFFF  }
0xb5: {  	_ =	strace $0x90000048  }
0xb6: {  	_ =	sfence  }
0xb7: {  	s30 =	sld [smem:$0x0];
	_ =	sdelay $0x2  }
0xb8: {  	s31 =	sshll.u32 s1, $0xD;
	s1 =	sshrl.u32 s1, $0x2  }
0xb9: {  	s3 =	sand.u32 $0x4000, s31;
	s1 =	sadd.s32 s1, s30  }
0xba: {  	s0 =	sor.u32 s3, s0;
	s1 =	sshll.u32 s1, $0x11  }
0xbb: {  	s0 =	sor.u32 s1, s0  }
0xbc: {  	s0 =	sadd.s32 $0x8F2B, s0  }
0xbd: {  	[sflag:s0] =	ssyncadd.remote.s32 $0x1  }
0xbe: {  	_ =	sfence.sel $0xFFFF  }
0xbf: {  	[dreg:$0x0] =	wrdreg $0xFFFFFFFF;
	(pc) =	sbr.abs _section_cstart, $3  }
0xc0: {  	[dreg:$0x1] =	wrdreg $0xFFFFFFFF  }
0xc1: {  	_ =	task.clear_ibuf [dreg:s7], $0x2FFFF;
	_ =	strace $0x9FFFFFFF  }
0xc2: {  	(tm) =	ssettm $0x7FFFFFFF  }
0xc3: {  	_ =	shalt  }
tec
execute0_lowered:
.L_overlay_start_1:
0x0: {  	(tag) =	ssettag $0x1  }
0x1: {  	s0 =	srdreg.scid  }
0x2: {  	s4 =	sand.u32 $0x1, s0;
	s0 =	stileid.u32  }
0x3: {  	s3 =	sor.u32 s0, s4  }
0x4: {  	p0 =	sne.s32 s3, $0x0  }
.Ltmp0:
0x5: {  	_ = 	snop;
	(pc) =	sbr.rel @p0 .LBB2_3-.Ltmp0, $4  }
0x6: {  	_ = 	snop  }
0x7: {  	s2 =	rddreg [dreg:$0x0]  }
0x8: {  	s6 =	rddreg [dreg:$0x1]  }
0x9: {  	s1 =	rddreg [dreg:$0x2];
	_ =	strace $0x80000047  }
0xa: {  	vm0 =	vmmov $0x1;
	v1 =	vimm.s32 $0x0  }
0xb: {  	v1 =	vsel vm0, $0xFFFFFFFF, v1  }
0xc: {  	vm6 =	vmmov $0x3;
	[tilespmem:$0x1FC00] =	vst v1;
	v1 =	vimm.s32 $0x0  }
0xd: {  	v1 =	vsel vm6, $0xFFFFFFFF, v1  }
0xe: {  	vm7 =	vmmov $0x7;
	[tilespmem:$0x1FC10] =	vst v1;
	v1 =	vimm.s32 $0x0  }
0xf: {  	v1 =	vsel vm7, $0xFFFFFFFF, v1  }
0x10: {  	vm4 =	vmmov $0xf;
	[tilespmem:$0x1FC20] =	vst v1;
	v1 =	vimm.s32 $0x0  }
0x11: {  	v1 =	vsel vm4, $0xFFFFFFFF, v1  }
0x12: {  	vm5 =	vmmov $0x1f;
	[tilespmem:$0x1FC30] =	vst v1;
	v1 =	vimm.s32 $0x0  }
0x13: {  	v1 =	vsel vm5, $0xFFFFFFFF, v1  }
0x14: {  	vm6 =	vmmov $0x3f;
	[tilespmem:$0x1FC40] =	vst v1;
	v1 =	vimm.s32 $0x0  }
0x15: {  	v1 =	vsel vm6, $0xFFFFFFFF, v1  }
0x16: {  	vm7 =	vmmov $0x7f;
	[tilespmem:$0x1FC50] =	vst v1;
	v1 =	vimm.s32 $0x0  }
0x17: {  	v1 =	vsel vm7, $0xFFFFFFFF, v1  }
0x18: {  	vm4 =	vmmov $0xff;
	[tilespmem:$0x1FC60] =	vst v1;
	v1 =	vimm.s32 $0x0  }
0x19: {  	v2 =	vimm.s32 $0x0;
	vm6 =	vmmov $0x3ff;
	v1 =	vsel vm4, $0xFFFFFFFF, v1  }
0x1a: {  	vm5 =	vmmov $0x1ff;
	v2 =	vsel vm6, $0xFFFFFFFF, v2;
	[tilespmem:$0x1FC70] =	vst v1;
	v1 =	vimm.s32 $0x0  }
0x1b: {  	[tilespmem:$0x1FC90] =	vst v2;
	vm7 =	vmmov $0x7ff;
	v2 =	vimm.s32 $0x0;
	v1 =	vsel vm5, $0xFFFFFFFF, v1  }
0x1c: {  	v2 =	vsel vm7, $0xFFFFFFFF, v2;
	[tilespmem:$0x1FC80] =	vst v1;
	v1 =	vlaneseq.u32  }
0x1d: {  	[tilespmem:$0x1FCA0] =	vst v2;
	vm4 =	vmmov $0xfff;
	v2 =	vmul.u32 $0x80, v1;
	v1 =	vimm.s32 $0x0  }
0x1e: {  	v1 =	vsel vm4, $0xFFFFFFFF, v1  }
0x1f: {  	vm5 =	vmmov $0x1fff;
	[tilespmem:$0x1FCB0] =	vst v1;
	v1 =	vimm.s32 $0x0  }
0x20: {  	v1 =	vsel vm5, $0xFFFFFFFF, v1  }
0x21: {  	vm6 =	vmmov $0x3fff;
	[tilespmem:$0x1FCC0] =	vst v1;
	v1 =	vimm.s32 $0x0  }
0x22: {  	v1 =	vsel vm6, $0xFFFFFFFF, v1  }
0x23: {  	vm7 =	vmmov $0x7fff;
	[tilespmem:$0x1FCD0] =	vst v1;
	v1 =	vimm.s32 $0x0  }
0x24: {  	v1 =	vsel vm7, $0xFFFFFFFF, v1  }
0x25: {  	[tilespmem:$0x1FCE0] =	vst v1;
	v1 =	vor.u32 $0x800, v2  }
0x26: {  	[tilespmem:$0x1FCF0] =	vst v1;
	v1 =	vor.u32 $0x1, v2  }
0x27: {  	[tilespmem:$0x1FD00] =	vst v1;
	v1 =	vor.u32 $0x801, v2  }
0x28: {  	[tilespmem:$0x1FD10] =	vst v1;
	v1 =	vor.u32 $0x2, v2  }
0x29: {  	[tilespmem:$0x1FD20] =	vst v1;
	v1 =	vor.u32 $0x802, v2  }
0x2a: {  	[tilespmem:$0x1FD30] =	vst v1;
	v1 =	vor.u32 $0x3, v2  }
0x2b: {  	[tilespmem:$0x1FD40] =	vst v1;
	v1 =	vor.u32 $0x803, v2  }
0x2c: {  	[tilespmem:$0x1FD50] =	vst v1;
	v1 =	vor.u32 $0x4, v2  }
0x2d: {  	[tilespmem:$0x1FD60] =	vst v1;
	v1 =	vor.u32 $0x804, v2  }
0x2e: {  	[tilespmem:$0x1FD70] =	vst v1;
	v1 =	vor.u32 $0x5, v2  }
0x2f: {  	[tilespmem:$0x1FD80] =	vst v1;
	v1 =	vor.u32 $0x805, v2  }
0x30: {  	[tilespmem:$0x1FD90] =	vst v1;
	v1 =	vor.u32 $0x6, v2  }
0x31: {  	[tilespmem:$0x1FDA0] =	vst v1;
	v1 =	vor.u32 $0x806, v2  }
0x32: {  	[tilespmem:$0x1FDB0] =	vst v1;
	v1 =	vor.u32 $0x7, v2  }
0x33: {  	[tilespmem:$0x1FDC0] =	vst v1;
	v1 =	vor.u32 $0x807, v2  }
0x34: {  	[tilespmem:$0x1FDD0] =	vst v1;
	v1 =	vor.u32 $0x8, v2  }
0x35: {  	[tilespmem:$0x1FDE0] =	vst v1;
	v1 =	vor.u32 $0x808, v2  }
0x36: {  	[tilespmem:$0x1FDF0] =	vst v1;
	v1 =	vor.u32 $0x9, v2  }
0x37: {  	[tilespmem:$0x1FE00] =	vst v1;
	v1 =	vor.u32 $0x809, v2  }
0x38: {  	[tilespmem:$0x1FE10] =	vst v1;
	v1 =	vor.u32 $0xA, v2  }
0x39: {  	[tilespmem:$0x1FE20] =	vst v1;
	v1 =	vor.u32 $0x80A, v2  }
0x3a: {  	[tilespmem:$0x1FE30] =	vst v1;
	v1 =	vor.u32 $0xB, v2  }
0x3b: {  	[tilespmem:$0x1FE40] =	vst v1;
	v1 =	vor.u32 $0x80B, v2  }
0x3c: {  	[tilespmem:$0x1FE50] =	vst v1;
	v1 =	vor.u32 $0xC, v2  }
0x3d: {  	[tilespmem:$0x1FE60] =	vst v1;
	v1 =	vor.u32 $0x80C, v2  }
0x3e: {  	[tilespmem:$0x1FE70] =	vst v1;
	v1 =	vor.u32 $0xD, v2  }
0x3f: {  	[tilespmem:$0x1FE80] =	vst v1;
	v1 =	vor.u32 $0x80D, v2  }
0x40: {  	[tilespmem:$0x1FE90] =	vst v1;
	v1 =	vor.u32 $0xE, v2  }
0x41: {  	[tilespmem:$0x1FEA0] =	vst v1;
	v1 =	vor.u32 $0x80E, v2  }
0x42: {  	[tilespmem:$0x1FEB0] =	vst v1;
	v1 =	vor.u32 $0xF, v2  }
0x43: {  	[tilespmem:$0x1FEC0] =	vst v1;
	v1 =	vor.u32 $0x80F, v2  }
0x44: {  	[tilespmem:$0x1FED0] =	vst v1;
	v1 =	vor.u32 $0x10, v2  }
0x45: {  	[tilespmem:$0x1FEE0] =	vst v1;
	v1 =	vor.u32 $0x810, v2  }
0x46: {  	[tilespmem:$0x1FEF0] =	vst v1;
	v1 =	vor.u32 $0x11, v2  }
0x47: {  	[tilespmem:$0x1FF00] =	vst v1;
	v1 =	vor.u32 $0x811, v2  }
0x48: {  	[tilespmem:$0x1FF10] =	vst v1;
	v1 =	vor.u32 $0x12, v2  }
0x49: {  	[tilespmem:$0x1FF20] =	vst v1;
	v1 =	vor.u32 $0x812, v2  }
0x4a: {  	[tilespmem:$0x1FF30] =	vst v1;
	v1 =	vor.u32 $0x13, v2  }
0x4b: {  	[tilespmem:$0x1FF40] =	vst v1;
	v1 =	vor.u32 $0x813, v2  }
0x4c: {  	[tilespmem:$0x1FF50] =	vst v1;
	v1 =	vor.u32 $0x14, v2  }
0x4d: {  	[tilespmem:$0x1FF60] =	vst v1;
	v1 =	vor.u32 $0x814, v2  }
0x4e: {  	[tilespmem:$0x1FF70] =	vst v1;
	v1 =	vor.u32 $0x15, v2  }
0x4f: {  	[tilespmem:$0x1FF80] =	vst v1;
	v1 =	vor.u32 $0x815, v2  }
0x50: {  	[tilespmem:$0x1FF90] =	vst v1;
	v1 =	vor.u32 $0x16, v2  }
0x51: {  	v0 =	vimm.s32 $0x0;
	[tilespmem:$0x1FFA0] =	vst v1;
	v1 =	vor.u32 $0x816, v2  }
0x52: {  	v3 =	vimm.s32 $0x32107654;
	v4 =	vimm.s32 $0xFEDCBA98;
	[tilespmem:$0x1FFB0] =	vst v1;
	v1 =	vor.u32 $0x17, v2  }
0x53: {  	v5 =	vimm.s32 $0x76543210;
	v6 =	vimm.s32 $0xDCFE98BA;
	[tilespmem:$0x1FFC0] =	vst v1;
	v1 =	vor.u32 $0x817, v2  }
0x54: {  	v7 =	vimm.s32 $0xEFCDAB89;
	v8 =	vimm.s32 $0x67452301;
	[tilespmem:$0x1FFD0] =	vst v1;
	v1 =	vor.u32 $0x18, v2  }
0x55: {  	v4 =	vunpack.c.l.s4.s8 v4;
	v5 =	vunpack.c.l.s4.s8 v5;
	[tilespmem:$0x1FFE0] =	vst v1;
	v1 =	vor.u32 $0x818, v2  }
0x56: {  	v7 =	vunpack.c.l.s4.s8 v7;
	v8 =	vunpack.c.l.s4.s8 v8;
	[tilespmem:$0x1FFF0] =	vst v1;
	v1 =	vimm.s32 $0xBA98FEDC  }
0x57: {  	v3 =	vunpack.c.l.s4.s8 v3;
	v4 =	vunpack.c.0.s8.s32 v4;
	v1 =	vunpack.c.l.s4.s8 v1  }
0x58: {  	v5 =	vunpack.c.0.s8.s32 v5;
	v7 =	vunpack.c.0.s8.s32 v7;
	v8 =	vunpack.c.0.s8.s32 v8  }
0x59: {  	v3 =	vunpack.c.0.s8.s32 v3;
	v4 =	vand.u32 $0xF, v4;
	v1 =	vunpack.c.0.s8.s32 v1  }
0x5a: {  	vm15 =	vcmask $0xB18;
	v58 =	vcombine.low v4, v5;
	v4 =	vcombine.low v8, v7  }
0x5b: {  	v1 =	vcombine.low v3, v1;
	v3 =	vunpack.c.l.s4.s8 v6;
	v6 =	vimm.s32 $0x54761032  }
0x5c: {  	vm9 =	vcmask $0xF18;
	vm10 =	vcmask $0x1318;
	v6 =	vunpack.c.l.s4.s8 v6  }
0x5d: {  	s7 =	ssub.s32 $0x2, s4;
	s4 =	sadd.s32 $0x3D0E00, s6;
	v63 =	vand.u32 $0xF, v4;
	v52 =	vor.u32 $0x19, v2;
	v53 =	vor.u32 $0x819, v2  }
0x5e: {  	s3 =	sadd.s32 $0x400, s6;
	s5 =	sadd.s32 $0x7A1800, s6;
	s6 =	sadd.s32 $0x600, s6;
	v54 =	vor.u32 $0x1A, v2;
	v3 =	vunpack.c.0.s8.s32 v3;
	v6 =	vunpack.c.0.s8.s32 v6  }
0x5f: {  	s9 =	simm.s32 $0x3;
	s10 =	simm.s32 $0x10;
	s11 =	simm.s32 $0x40;
	v55 =	vor.u32 $0x81A, v2;
	v56 =	vor.u32 $0x1B, v2;
	v57 =	vor.u32 $0x81B, v2  }
0x60: {  	s12 =	simm.s32 $0x1050;
	s13 =	simm.s32 $0x20;
	s14 =	simm.s32 $0x50;
	v59 =	vor.u32 $0x1C, v2;
	v60 =	vor.u32 $0x81C, v2;
	v3 =	vcombine.low v6, v3  }
0x61: {  	s15 =	simm.s32 $0x2;
	s16 =	simm.s32 $0x1;
	s8 =	sshrl.u32 s7, $0x1;
	v4 =	vor.u32 $0x1E, v2;
	v5 =	vor.u32 $0x81E, v2;
	v61 =	vand.u32 $0xF, v1  }
0x62: {  	s17 =	simm.s32 $0x1850;
	s7 =	ssub.s32 s7, s8;
	s8 =	simm.s32 $0x0;
	v1 =	vor.u32 $0x1D, v2;
	v62 =	vand.u32 $0xF, v3;
	v3 =	vor.u32 $0x81D, v2  }
.LBB2_2:
0x63: {  	[tilespmem:s8], [sflag:$0x3] =	stream.linear.gather [hbm4b:s2+s8], $0x10, $0x38;
	[tilespmem:$0x1860] =	vst v63  }
0x64: {  	_ =	swait.ge [sflag:s9], $0x10  }
0x65: {  	[sflag:s9] =	ssyncset.done $0x0  }
0x66: {  	[sflag:s9] =	ssyncadd.s32 $0xFFFFFFF0  }
0x67: {  	[tilespmem:s10], [sflag:$0x3] =	stream.linear.gather [hbm4b:s3+s8], $0x10, $0x38;
	[tilespmem:$0x1860] =	vst v63  }
0x68: {  	_ =	swait.ge [sflag:s9], $0x10  }
0x69: {  	[sflag:s9] =	ssyncset.done $0x0  }
0x6a: {  	[sflag:s9] =	ssyncadd.s32 $0xFFFFFFF0  }
0x6b: {  	v6 =	vld [tilespmem:$0x0];
	_ =	sdelay $0x4  }
0x6c: {  	v6 =	vshll.u32 v6, $0x1  }
0x6d: {  	v6 =	vadd.s32 $0x1E847E, v6  }
0x6e: {  	v7 =	vand.u32 $0x2, v6;
	vm7 =	vne.s32 v6, $0x0  }
0x6f: {  	vm0 =	veq.s32 v7, $0x0;
	v7 =	vshra.s32 v6, $0x1;
	v6 =	vimm.s32 $0x0  }
0x70: {  	v8 =	vsel vm0, $0xFFFFFFFF, v0;
	v6 =	vsel vm7, $0xFFFFFFFF, v6  }
0x71: {  	[tilespmem:$0x1FB50] =	vst v6;
	v6 =	vadd.s32 v8, v7  }
0x72: {  	v31 =	vnsel vm7, $0x0, v6  }
0x73: {  	v6 =	vand.u32 $0x3, v31  }
0x74: {  	vm4 =	veq.s32 v6, $0x0  }
0x75: {  	v6 =	vshra.s32 v31, $0x1;
	v7 =	vsel vm4, $0xFFFFFFFF, v0  }
0x76: {  	vm5 =	vne.s32 v31, $0x0;
	v7 =	vadd.s32 v7, v6  }
0x77: {  	v32 =	vnsel vm5, $0x0, v7  }
0x78: {  	v7 =	vand.u32 $0x3, v32  }
0x79: {  	v42 =	vimm.s32 $0x0;
	vm6 =	veq.s32 v7, $0x0  }
0x7a: {  	v8 =	vsel vm5, $0xFFFFFFFF, v42;
	v7 =	vshra.s32 v32, $0x1;
	v43 =	vsel vm6, $0xFFFFFFFF, v0  }
0x7b: {  	[tilespmem:$0x1FB60] =	vst v8;
	vm7 =	vne.s32 v32, $0x0;
	v8 =	vadd.s32 v43, v7  }
0x7c: {  	v34 =	vnsel vm7, $0x0, v8  }
0x7d: {  	v8 =	vand.u32 $0x3, v34  }
0x7e: {  	v9 =	vimm.s32 $0x0;
	vm4 =	veq.s32 v8, $0x0  }
0x7f: {  	v9 =	vsel vm7, $0xFFFFFFFF, v9;
	v8 =	vshra.s32 v34, $0x1;
	v44 =	vsel vm4, $0xFFFFFFFF, v0  }
0x80: {  	[tilespmem:$0x1FB70] =	vst v9;
	vm5 =	vne.s32 v34, $0x0;
	v9 =	vadd.s32 v44, v8  }
0x81: {  	v35 =	vnsel vm5, $0x0, v9  }
0x82: {  	v9 =	vand.u32 $0x3, v35  }
0x83: {  	v10 =	vimm.s32 $0x0;
	vm6 =	veq.s32 v9, $0x0  }
0x84: {  	v10 =	vsel vm5, $0xFFFFFFFF, v10;
	v9 =	vshra.s32 v35, $0x1;
	v45 =	vsel vm6, $0xFFFFFFFF, v0  }
0x85: {  	[tilespmem:$0x1FB80] =	vst v10;
	vm7 =	vne.s32 v35, $0x0;
	v10 =	vadd.s32 v45, v9  }
0x86: {  	v36 =	vnsel vm7, $0x0, v10  }
0x87: {  	v10 =	vand.u32 $0x3, v36  }
0x88: {  	v11 =	vimm.s32 $0x0;
	vm4 =	veq.s32 v10, $0x0  }
0x89: {  	v11 =	vsel vm7, $0xFFFFFFFF, v11;
	v10 =	vshra.s32 v36, $0x1;
	v46 =	vsel vm4, $0xFFFFFFFF, v0  }
0x8a: {  	[tilespmem:$0x1FB90] =	vst v11;
	vm5 =	vne.s32 v36, $0x0;
	v11 =	vadd.s32 v46, v10  }
0x8b: {  	v37 =	vnsel vm5, $0x0, v11  }
0x8c: {  	v11 =	vand.u32 $0x3, v37  }
0x8d: {  	v12 =	vimm.s32 $0x0;
	vm6 =	veq.s32 v11, $0x0  }
0x8e: {  	v12 =	vsel vm5, $0xFFFFFFFF, v12;
	v11 =	vshra.s32 v37, $0x1;
	v47 =	vsel vm6, $0xFFFFFFFF, v0  }
0x8f: {  	[tilespmem:$0x1FBA0] =	vst v12;
	vm7 =	vne.s32 v37, $0x0;
	v12 =	vadd.s32 v47, v11  }
0x90: {  	v38 =	vnsel vm7, $0x0, v12  }
0x91: {  	v13 =	vimm.s32 $0x0;
	v12 =	vand.u32 $0x3, v38  }
0x92: {  	v13 =	vsel vm7, $0xFFFFFFFF, v13;
	vm4 =	veq.s32 v12, $0x0  }
0x93: {  	[tilespmem:$0x1FBB0] =	vst v13;
	v13 =	vshra.s32 v38, $0x1;
	v12 =	vsel vm4, $0xFFFFFFFF, v0  }
0x94: {  	vm5 =	vne.s32 v38, $0x0;
	v12 =	vadd.s32 v12, v13  }
0x95: {  	v39 =	vnsel vm5, $0x0, v12  }
0x96: {  	v14 =	vimm.s32 $0x0;
	v12 =	vand.u32 $0x3, v39  }
0x97: {  	v14 =	vsel vm5, $0xFFFFFFFF, v14;
	vm6 =	veq.s32 v12, $0x0  }
0x98: {  	[tilespmem:$0x1FBC0] =	vst v14;
	v14 =	vshra.s32 v39, $0x1;
	v12 =	vsel vm6, $0xFFFFFFFF, v0  }
0x99: {  	vm7 =	vne.s32 v39, $0x0;
	v12 =	vadd.s32 v12, v14  }
0x9a: {  	v40 =	vnsel vm7, $0x0, v12  }
0x9b: {  	v12 =	vand.u32 $0x3, v40  }
0x9c: {  	vm4 =	veq.s32 v12, $0x0  }
0x9d: {  	v17 =	vshra.s32 v40, $0x1;
	v12 =	vsel vm4, $0xFFFFFFFF, v0  }
0x9e: {  	vm5 =	vne.s32 v40, $0x0;
	v12 =	vadd.s32 v12, v17  }
0x9f: {  	v15 =	vimm.s32 $0x0;
	v41 =	vnsel vm5, $0x0, v12  }
0xa0: {  	v48 =	vimm.s32 $0x0;
	v15 =	vsel vm7, $0xFFFFFFFF, v15;
	v12 =	vand.u32 $0x3, v41  }
0xa1: {  	[tilespmem:$0x1FBD0] =	vst v15;
	v15 =	vsel vm5, $0xFFFFFFFF, v48;
	vm6 =	veq.s32 v12, $0x0  }
0xa2: {  	[tilespmem:$0x1FBE0] =	vst v15;
	v15 =	vshra.s32 v41, $0x1;
	v12 =	vsel vm6, $0xFFFFFFFF, v0  }
0xa3: {  	vm7 =	vne.s32 v41, $0x0;
	v12 =	vadd.s32 v12, v15  }
0xa4: {  	v18 =	vnsel vm7, $0x0, v12  }
0xa5: {  	v12 =	vand.u32 $0x3, v18  }
0xa6: {  	vm4 =	veq.s32 v12, $0x0  }
0xa7: {  	v16 =	vimm.s32 $0x0;
	v21 =	vshra.s32 v18, $0x1;
	v12 =	vsel vm4, $0xFFFFFFFF, v0  }
0xa8: {  	v16 =	vsel vm7, $0xFFFFFFFF, v16;
	vm11 =	vne.s32 v18, $0x0;
	v12 =	vadd.s32 v12, v21  }
0xa9: {  	[tilespmem:$0x1FBF0] =	vst v16;
	v16 =	vnsel vm11, $0x0, v12  }
0xaa: {  	v12 =	vand.u32 $0x3, v16  }
0xab: {  	vm5 =	veq.s32 v12, $0x0  }
0xac: {  	v19 =	vshra.s32 v16, $0x1;
	v12 =	vsel vm5, $0xFFFFFFFF, v0  }
0xad: {  	vm12 =	vne.s32 v16, $0x0;
	v12 =	vadd.s32 v12, v19  }
0xae: {  	v22 =	vnsel vm12, $0x0, v12  }
0xaf: {  	v12 =	vand.u32 $0x3, v22  }
0xb0: {  	vm6 =	veq.s32 v12, $0x0  }
0xb1: {  	v25 =	vshra.s32 v22, $0x1;
	v12 =	vsel vm6, $0xFFFFFFFF, v0  }
0xb2: {  	vm13 =	vne.s32 v22, $0x0;
	v12 =	vadd.s32 v12, v25  }
0xb3: {  	v20 =	vnsel vm13, $0x0, v12  }
0xb4: {  	v12 =	vand.u32 $0x3, v20  }
0xb5: {  	vm7 =	veq.s32 v12, $0x0  }
0xb6: {  	v23 =	vshra.s32 v20, $0x1;
	v12 =	vsel vm7, $0xFFFFFFFF, v0  }
0xb7: {  	vm14 =	vne.s32 v20, $0x0;
	v12 =	vadd.s32 v12, v23  }
0xb8: {  	v26 =	vnsel vm14, $0x0, v12  }
0xb9: {  	v12 =	vand.u32 $0x3, v26  }
0xba: {  	vm4 =	veq.s32 v12, $0x0  }
0xbb: {  	v27 =	vshra.s32 v26, $0x1;
	v12 =	vsel vm4, $0xFFFFFFFF, v0  }
0xbc: {  	vm8 =	vne.s32 v26, $0x0;
	v12 =	vadd.s32 v12, v27  }
0xbd: {  	v24 =	vnsel vm8, $0x0, v12  }
0xbe: {  	v12 =	vand.u32 $0x3, v24  }
0xbf: {  	vm5 =	veq.s32 v12, $0x0  }
0xc0: {  	v42 =	vld [tilespmem:$0x10];
	v28 =	vshra.s32 v24, $0x1;
	v12 =	vsel vm5, $0xFFFFFFFF, v0  }
0xc1: {  	vm7 =	vne.s32 v24, $0x0;
	v12 =	vadd.s32 v12, v28  }
0xc2: {  	v29 =	vnsel vm7, $0x0, v12  }
0xc3: {  	v12 =	vand.u32 $0x3, v29  }
0xc4: {  	v49 =	vshra.s32 v31, $0x3;
	v6 =	vshll.u32 v6, $0x5;
	vm6 =	veq.s32 v12, $0x0  }
0xc5: {  	v33 =	vshra.s32 v42, $0x2;
	v30 =	vshra.s32 v29, $0x1;
	v12 =	vsel vm6, $0xFFFFFFFF, v0  }
0xc6: {  	v32 =	vshra.s32 v32, $0x3;
	vm6 =	vne.s32 v29, $0x0;
	v43 =	vadd.s32 v12, v30  }
0xc7: {  	vm0 =	vlt.s32 v33, $0x3D08F;
	v34 =	vshra.s32 v34, $0x3;
	v31 =	vnsel vm6, $0x0, v43  }
0xc8: {  	v35 =	vshra.s32 v35, $0x3;
	v47 =	vshra.s32 v36, $0x3;
	v43 =	vand.u32 $0x3, v31  }
0xc9: {  	vm4 =	vlt.s32 v49, $0x3D08F;
	vm5 =	vlt.s32 v32, $0x3D08F;
	vm1 =	veq.s32 v43, $0x0  }
0xca: {  	v12 =	vnsel vm0, $0x3D08F, v33;
	v33 =	vshra.s32 v31, $0x1;
	v50 =	vsel vm1, $0xFFFFFFFF, v0  }
0xcb: {  	v43 =	vnsel vm5, $0x3D08F, v32;
	vm5 =	vne.s32 v31, $0x0;
	v32 =	vadd.s32 v50, v33  }
0xcc: {  	v44 =	vnsel vm4, $0x3D08F, v49;
	vm4 =	vlt.s32 v34, $0x3D08F;
	v32 =	vnsel vm5, $0x0, v32  }
0xcd: {  	v45 =	vnsel vm4, $0x3D08F, v34;
	vm4 =	vlt.s32 v35, $0x3D08F;
	v51 =	vand.u32 $0x3, v32  }
0xce: {  	v39 =	vshra.s32 v39, $0x3;
	v46 =	vnsel vm4, $0x3D08F, v35;
	vm4 =	veq.s32 v51, $0x0  }
0xcf: {  	v34 =	vshra.s32 v32, $0x1;
	v48 =	vsel vm4, $0xFFFFFFFF, v0;
	vm4 =	vlt.s32 v47, $0x3D08F  }
0xd0: {  	v47 =	vnsel vm4, $0x3D08F, v47;
	v49 =	vadd.s32 v48, v34;
	vm4 =	vne.s32 v32, $0x0  }
0xd1: {  	[tilespmem:$0x1FB40] =	vst v1;
	v50 =	vshra.s32 v37, $0x3;
	v51 =	vshra.s32 v38, $0x3;
	v38 =	vnsel vm4, $0x0, v49  }
0xd2: {  	v40 =	vshra.s32 v40, $0x3;
	v1 =	vld [tilespmem:$0x1FC00];
	vm0 =	vlt.s32 v50, $0x3D08F;
	v35 =	vand.u32 $0x3, v38  }
0xd3: {  	v41 =	vshra.s32 v41, $0x3;
	v36 =	vnsel vm0, $0x3D08F, v50;
	vm0 =	veq.s32 v35, $0x0  }
0xd4: {  	vm1 =	vlt.s32 v51, $0x3D08F;
	v48 =	vsel vm0, $0xFFFFFFFF, v0;
	vm0 =	vlt.s32 v39, $0x3D08F  }
0xd5: {  	v37 =	vnsel vm1, $0x3D08F, v51;
	v39 =	vnsel vm0, $0x3D08F, v39;
	vm0 =	vlt.s32 v40, $0x3D08F  }
0xd6: {  	v51 =	vshll.u32 v44, $0x7;
	v40 =	vnsel vm0, $0x3D08F, v40;
	vm0 =	vlt.s32 v41, $0x3D08F  }
0xd7: {  	v6 =	vsub.s32 v6, v51;
	v41 =	vnsel vm0, $0x3D08F, v41;
	vm0 =	vnez.u8 v1;
	v1 =	vld [tilespmem:$0x1FB40]  }
0xd8: {  	v51 =	vshll.u32 v43, $0x7;
	v35 =	vshra.s32 v38, $0x1;
	v43 =	vsel vm0, v44, v43;
	v44 =	vld [tilespmem:$0x1FC10]  }
0xd9: {  	vm3 =	vne.s32 v38, $0x0;
	v48 =	vadd.s32 v48, v35  }
0xda: {  	v48 =	vnsel vm3, $0x0, v48  }
0xdb: {  	v7 =	vshll.u32 v7, $0x5;
	v49 =	vand.u32 $0x3, v48  }
0xdc: {  	v8 =	vshll.u32 v8, $0x5;
	v7 =	vsub.s32 v7, v51;
	vm1 =	veq.s32 v49, $0x0  }
0xdd: {  	v51 =	vshll.u32 v45, $0x7;
	v49 =	vsel vm1, $0xFFFFFFFF, v0;
	vm1 =	vnez.u8 v44  }
0xde: {  	v6 =	vsel vm0, v6, v7;
	v7 =	vsub.s32 v8, v51;
	v8 =	vsel vm1, v43, v45;
	v45 =	vld [tilespmem:$0x1FC20];
	_ =	sdelay $0x4  }
0xdf: {  	v6 =	vsel vm1, v6, v7;
	vm1 =	vnez.u8 v45;
	v45 =	vld [tilespmem:$0x1FC30];
	_ =	sdelay $0x1  }
0xe0: {  	v42 =	vshll.u32 v42, $0x5  }
0xe1: {  	v9 =	vshll.u32 v9, $0x5;
	v50 =	vshll.u32 v12, $0x7;
	v51 =	vshll.u32 v46, $0x7  }
0xe2: {  	vm2 =	vne.s32 v48, $0x0;
	v7 =	vsub.s32 v9, v51;
	v8 =	vsel vm1, v8, v46;
	v46 =	vld [tilespmem:$0x1FC40]  }
0xe3: {  	v51 =	vshll.u32 v47, $0x7;
	v6 =	vsel vm1, v6, v7;
	vm1 =	vnez.u8 v45  }
0xe4: {  	v7 =	vshll.u32 v10, $0x5;
	v8 =	vsel vm1, v8, v47;
	v47 =	vshll.u32 v13, $0x5;
	v13 =	vld [tilespmem:$0x1FC50]  }
0xe5: {  	v44 =	vshll.u32 v36, $0x7;
	v43 =	vshll.u32 v11, $0x5;
	v7 =	vsub.s32 v7, v51  }
0xe6: {  	v51 =	vshll.u32 v37, $0x7;
	v6 =	vsel vm1, v6, v7;
	v7 =	vsub.s32 v43, v44;
	v43 =	vld [tilespmem:$0x1FC60]  }
0xe7: {  	v45 =	vshll.u32 v15, $0x5;
	vm1 =	vnez.u8 v46;
	v46 =	vshll.u32 v41, $0x7  }
0xe8: {  	v8 =	vsel vm1, v8, v36;
	v6 =	vsel vm1, v6, v7;
	v7 =	vsub.s32 v47, v51  }
0xe9: {  	v44 =	vld [tilespmem:$0x1FC70];
	v36 =	vshll.u32 v17, $0x5;
	v47 =	vshra.s32 v18, $0x3;
	vm1 =	vnez.u8 v13  }
0xea: {  	v51 =	vshll.u32 v47, $0x7;
	v8 =	vsel vm1, v8, v37;
	v6 =	vsel vm1, v6, v7  }
0xeb: {  	v17 =	vld [tilespmem:$0x1FC80];
	v7 =	vshll.u32 v14, $0x5;
	v14 =	vshll.u32 v39, $0x7;
	vm1 =	vnez.u8 v43  }
0xec: {  	v37 =	vshll.u32 v40, $0x7;
	v7 =	vsub.s32 v7, v14;
	v8 =	vsel vm1, v8, v39  }
0xed: {  	v9 =	vsub.s32 v36, v37;
	v36 =	vshra.s32 v16, $0x3;
	v37 =	vshll.u32 v19, $0x5  }
0xee: {  	v7 =	vsel vm1, v6, v7;
	v6 =	vsub.s32 v42, v50;
	vm1 =	vnez.u8 v44  }
0xef: {  	v50 =	vshll.u32 v21, $0x5;
	v39 =	vshll.u32 v36, $0x7;
	v8 =	vsel vm1, v8, v40  }
0xf0: {  	v7 =	vsel vm1, v7, v9;
	v9 =	vsub.s32 v45, v46;
	vm1 =	vnez.u8 v17  }
0xf1: {  	v21 =	vld [tilespmem:$0x1FC90];
	v18 =	vsub.s32 v50, v51;
	v40 =	vshra.s32 v22, $0x3;
	v10 =	vsub.s32 v37, v39  }
0xf2: {  	v46 =	vshra.s32 v20, $0x3;
	v51 =	vshra.s32 v26, $0x3;
	v26 =	vshra.s32 v29, $0x3  }
0xf3: {  	v43 =	vld [tilespmem:$0x1FCA0];
	v29 =	vshra.s32 v31, $0x3;
	v39 =	vshra.s32 v32, $0x3;
	v8 =	vsel vm1, v8, v41  }
0xf4: {  	v7 =	vsel vm1, v7, v9;
	v41 =	vshll.u32 v25, $0x5;
	v42 =	vshll.u32 v40, $0x7  }
0xf5: {  	v50 =	vshll.u32 v46, $0x7;
	v19 =	vshll.u32 v51, $0x7;
	v31 =	vshll.u32 v29, $0x7  }
0xf6: {  	v45 =	vld [tilespmem:$0x1FCB0];
	v13 =	vnsel vm0, $0x0, v26;
	v44 =	vsub.s32 v41, v42;
	vm1 =	vnez.u8 v21  }
0xf7: {  	v41 =	vshra.s32 v48, $0x1;
	v8 =	vsel vm1, v8, v47;
	v7 =	vsel vm1, v7, v18  }
0xf8: {  	vm1 =	vnez.u8 v43;
	v47 =	vshll.u32 v23, $0x5;
	v18 =	vshll.u32 v27, $0x5  }
0xf9: {  	v20 =	vld [tilespmem:$0x1FCC0];
	v23 =	vshra.s32 v24, $0x3;
	v24 =	vshll.u32 v28, $0x5;
	v27 =	vshll.u32 v30, $0x5  }
0xfa: {  	v28 =	vshll.u32 v26, $0x7;
	v30 =	vshll.u32 v33, $0x5;
	v43 =	vadd.s32 v49, v41  }
0xfb: {  	v22 =	vld [tilespmem:$0x1FCD0];
	v8 =	vsel vm1, v8, v36;
	v7 =	vsel vm1, v7, v10;
	vm1 =	vnez.u8 v45  }
0xfc: {  	v10 =	vsub.s32 v47, v50;
	v21 =	vsub.s32 v18, v19;
	v14 =	vsub.s32 v27, v28  }
0xfd: {  	v15 =	vsub.s32 v30, v31;
	v45 =	vshra.s32 v48, $0x3;
	v8 =	vsel vm1, v8, v40  }
0xfe: {  	v33 =	vld [tilespmem:$0x1FCE0];
	v7 =	vsel vm1, v7, v44;
	vm1 =	vnez.u8 v20;
	v14 =	vnsel vm0, $0x0, v14  }
0xff: {  	vm0 =	vcmask $0x318;
	v44 =	vshra.s32 v38, $0x3;
	v8 =	vsel vm1, v8, v46  }
0x100: {  	v7 =	vsel vm1, v7, v10;
	vm1 =	vnez.u8 v22;
	v36 =	vsel vm0, v13, v29  }
0x101: {  	v37 =	vsel vm0, v14, v15;
	vm0 =	vcmask $0x718;
	v14 =	vshra.s32 v43, $0x1  }
0x102: {  	v8 =	vsel vm1, v8, v51;
	v7 =	vsel vm1, v7, v21;
	v9 =	vsel vm0, v36, v39  }
0x103: {  	[tilespmem:$0x40] =	vst v12;
	v14 =	vnsel vm2, $0x0, v14;
	vm1 =	vnez.u8 v33;
	v9 =	vsel vm15, v9, v44  }
0x104: {  	[tilespmem:s12], [sflag:$0x2] =	stream.indirect.gather [hbm4b:s4+s10], $0x80, s11, s10, $0xb8;
	v46 =	vshra.s32 v14, $0x2;
	v8 =	vsel vm1, v8, v23;
	v9 =	vsel vm9, v9, v45;
	[tilespmem:$0x1860] =	vst v63  }
0x105: {  	v9 =	vsel vm10, v9, v46;
	[tilespmem:$0x20] =	vst v8  }
0x106: {  	[tilespmem:$0x30] =	vst v9  }
0x107: {  	[tilespmem:s14], [sflag:$0x1] =	stream.indirect.gather [hbm4b:s5+s13], $0x80, s13, s13, $0xb8;
	[tilespmem:$0x1860] =	vst v63  }
0x108: {  	_ =	swait.ge [sflag:s15], $0x800  }
0x109: {  	[sflag:s15] =	ssyncset.done $0x0  }
0x10a: {  	[sflag:s15] =	ssyncadd.s32 $0xFFFFF800  }
0x10b: {  	_ =	swait.ge [sflag:s16], $0x1000  }
0x10c: {  	v25 =	vshll.u32 v23, $0x7;
	v23 =	vld [tilespmem:$0x1FCF0]  }
0x10d: {  	v48 =	vsub.s32 v24, v25;
	v25 =	vld [tilespmem:$0x1FD00]  }
0x10e: {  	v26 =	vld [tilespmem:$0x1FD10]  }
0x10f: {  	v28 =	vld [tilespmem:$0x1FD20]  }
0x110: {  	v29 =	vld [tilespmem:$0x1FD30]  }
0x111: {  	v31 =	vld [tilespmem:$0x1FD40]  }
0x112: {  	v32 =	vld [tilespmem:$0x1FD50]  }
0x113: {  	v42 =	vshll.u32 v39, $0x7;
	v40 =	vshll.u32 v34, $0x5;
	v34 =	vld [tilespmem:$0x1FD60]  }
0x114: {  	v47 =	vshll.u32 v35, $0x5;
	v15 =	vsub.s32 v40, v42;
	v35 =	vld [tilespmem:$0x1FD70]  }
0x115: {  	v49 =	vsel vm0, v37, v15;
	v37 =	vld [tilespmem:$0x1FD80]  }
0x116: {  	v38 =	vld [tilespmem:$0x1FD90]  }
0x117: {  	v40 =	vld [tilespmem:$0x1FDA0]  }
0x118: {  	v16 =	vshll.u32 v41, $0x5;
	v41 =	vld [tilespmem:$0x1FDB0]  }
0x119: {  	v43 =	vld [tilespmem:$0x1FDC0]  }
0x11a: {  	v18 =	vshll.u32 v44, $0x7;
	v8 =	vsel vm1, v7, v48;
	v44 =	vld [tilespmem:$0x1FDD0]  }
0x11b: {  	v20 =	vshll.u32 v46, $0x7;
	v22 =	vadd.s32 v2, v8;
	v46 =	vld [tilespmem:$0x1FDE0]  }
0x11c: {  	v24 =	vor.u32 $0x1, v6;
	v50 =	vsub.s32 v47, v18;
	v47 =	vld [tilespmem:$0x1FDF0]  }
0x11d: {  	v27 =	vor.u32 $0x2, v6;
	v51 =	vsel vm15, v49, v50;
	[sflag:s16] =	ssyncset.done $0x0;
	v49 =	vld [tilespmem:$0x1FE00]  }
0x11e: {  	v30 =	vor.u32 $0x3, v6;
	v50 =	vld [tilespmem:$0x1FE10];
	[sflag:s16] =	ssyncadd.s32 $0xFFFFF000  }
0x11f: {  	v33 =	vor.u32 $0x4, v6;
	v13 =	vld.idx.msk [tilespmem:v6+s12+$0x0], $0xffff  }
0x120: {  	v36 =	vor.u32 $0x5, v6;
	v9 =	vld.idx.msk [tilespmem:v22+s14+$0x0], $0xffff  }
0x121: {  	v18 =	vshll.u32 v45, $0x7;
	v39 =	vor.u32 $0x6, v6;
	v11 =	vld.idx.msk [tilespmem:v24+s12+$0x0], $0xffff  }
0x122: {  	v42 =	vor.u32 $0x7, v6;
	v10 =	vsub.s32 v16, v18;
	v19 =	vshll.u32 v14, $0x5;
	v15 =	vld.idx.msk [tilespmem:v27+s12+$0x0], $0xffff  }
0x123: {  	v45 =	vor.u32 $0x8, v6;
	v7 =	vsel vm9, v51, v10;
	v21 =	vsub.s32 v19, v20;
	v18 =	vld.idx.msk [tilespmem:v30+s12+$0x0], $0xffff  }
0x124: {  	v7 =	vsel vm10, v7, v21;
	v21 =	vld.idx.msk [tilespmem:v33+s12+$0x0], $0xffff  }
0x125: {  	v48 =	vor.u32 $0x9, v6;
	v24 =	vld.idx.msk [tilespmem:v36+s12+$0x0], $0xffff  }
0x126: {  	v51 =	vor.u32 $0xA, v6;
	v27 =	vld.idx.msk [tilespmem:v39+s12+$0x0], $0xffff  }
0x127: {  	v30 =	vld.idx.msk [tilespmem:v42+s12+$0x0], $0xffff  }
0x128: {  	v33 =	vld.idx.msk [tilespmem:v45+s12+$0x0], $0xffff  }
0x129: {  	v45 =	vld [tilespmem:$0x1FE20]  }
0x12a: {  	v36 =	vld.idx.msk [tilespmem:v48+s12+$0x0], $0xffff  }
0x12b: {  	v39 =	vld.idx.msk [tilespmem:v51+s12+$0x0], $0xffff  }
0x12c: {  	v48 =	vld [tilespmem:$0x1FE50]  }
0x12d: {  	v42 =	vor.u32 $0xB, v6;
	v51 =	vld [tilespmem:$0x1FE80]  }
0x12e: {  	v10 =	vadd.s32 v23, v7;
	v22 =	vadd.s32 v34, v8;
	v34 =	vadd.s32 v46, v8;
	v46 =	vld [tilespmem:$0x1FE30]  }
0x12f: {  	v12 =	vadd.s32 v25, v8;
	v23 =	vadd.s32 v35, v7;
	v35 =	vadd.s32 v47, v7;
	v47 =	vld [tilespmem:$0x1FE40]  }
0x130: {  	v14 =	vadd.s32 v26, v7;
	v25 =	vadd.s32 v37, v8;
	v37 =	vadd.s32 v49, v8;
	v49 =	vld [tilespmem:$0x1FE60]  }
0x131: {  	v16 =	vadd.s32 v28, v8;
	v26 =	vadd.s32 v38, v7;
	v38 =	vadd.s32 v50, v7;
	v50 =	vld [tilespmem:$0x1FE70]  }
0x132: {  	v17 =	vadd.s32 v29, v7;
	v42 =	vld.idx.msk [tilespmem:v42+s12+$0x0], $0xffff  }
0x133: {  	v19 =	vadd.s32 v31, v8;
	v10 =	vld.idx.msk [tilespmem:v10+s14+$0x0], $0xffff  }
0x134: {  	v20 =	vadd.s32 v32, v7;
	v12 =	vld.idx.msk [tilespmem:v12+s14+$0x0], $0xffff  }
0x135: {  	v14 =	vld.idx.msk [tilespmem:v14+s14+$0x0], $0xffff  }
0x136: {  	v16 =	vld.idx.msk [tilespmem:v16+s14+$0x0], $0xffff  }
0x137: {  	v17 =	vld.idx.msk [tilespmem:v17+s14+$0x0], $0xffff  }
0x138: {  	v19 =	vld.idx.msk [tilespmem:v19+s14+$0x0], $0xffff  }
0x139: {  	v28 =	vadd.s32 v40, v8;
	v20 =	vld.idx.msk [tilespmem:v20+s14+$0x0], $0xffff  }
0x13a: {  	v29 =	vadd.s32 v41, v7;
	v22 =	vld.idx.msk [tilespmem:v22+s14+$0x0], $0xffff  }
0x13b: {  	v31 =	vadd.s32 v43, v8;
	v23 =	vld.idx.msk [tilespmem:v23+s14+$0x0], $0xffff  }
0x13c: {  	v32 =	vadd.s32 v44, v7;
	v25 =	vld.idx.msk [tilespmem:v25+s14+$0x0], $0xffff  }
0x13d: {  	v26 =	vld.idx.msk [tilespmem:v26+s14+$0x0], $0xffff  }
0x13e: {  	v28 =	vld.idx.msk [tilespmem:v28+s14+$0x0], $0xffff  }
0x13f: {  	v29 =	vld.idx.msk [tilespmem:v29+s14+$0x0], $0xffff  }
0x140: {  	v31 =	vld.idx.msk [tilespmem:v31+s14+$0x0], $0xffff  }
0x141: {  	v32 =	vld.idx.msk [tilespmem:v32+s14+$0x0], $0xffff  }
0x142: {  	v34 =	vld.idx.msk [tilespmem:v34+s14+$0x0], $0xffff  }
0x143: {  	v40 =	vadd.s32 v45, v8;
	v35 =	vld.idx.msk [tilespmem:v35+s14+$0x0], $0xffff  }
0x144: {  	v45 =	vor.u32 $0xC, v6;
	v37 =	vld.idx.msk [tilespmem:v37+s14+$0x0], $0xffff  }
0x145: {  	v41 =	vadd.s32 v46, v7;
	v38 =	vld.idx.msk [tilespmem:v38+s14+$0x0], $0xffff  }
0x146: {  	v9 =	vmul.f32 v9, v13;
	v43 =	vadd.s32 v47, v8;
	v46 =	vadd.s32 v49, v8;
	v49 =	vld [tilespmem:$0x1FE90]  }
0x147: {  	v44 =	vadd.s32 v48, v7;
	v47 =	vadd.s32 v50, v7;
	v50 =	vld [tilespmem:$0x1FEA0]  }
0x148: {  	v9 =	vadd.f32 $0.0e+00, v9;
	v40 =	vld.idx.msk [tilespmem:v40+s14+$0x0], $0xffff;
	v12 =	vmul.f32 v12, v11  }
0x149: {  	v48 =	vor.u32 $0xD, v6;
	v45 =	vld.idx.msk [tilespmem:v45+s12+$0x0], $0xffff  }
0x14a: {  	v41 =	vld.idx.msk [tilespmem:v41+s14+$0x0], $0xffff;
	v9 =	vadd.f32 v12, v9;
	v12 =	vmul.f32 v16, v15  }
0x14b: {  	v43 =	vld.idx.msk [tilespmem:v43+s14+$0x0], $0xffff;
	v49 =	vadd.s32 v49, v7  }
0x14c: {  	v16 =	vld.idx.msk [tilespmem:v44+s14+$0x0], $0xffff;
	v9 =	vadd.f32 v12, v9;
	v12 =	vmul.f32 v19, v18  }
0x14d: {  	v50 =	vadd.s32 v50, v8;
	v19 =	vld.idx.msk [tilespmem:v46+s14+$0x0], $0xffff  }
0x14e: {  	v46 =	vor.u32 $0xE, v6;
	v9 =	vadd.f32 v12, v9;
	v12 =	vmul.f32 v22, v21;
	v22 =	vld.idx.msk [tilespmem:v48+s12+$0x0], $0xffff  }
0x14f: {  	v10 =	vmul.f32 v10, v13;
	v44 =	vadd.s32 v51, v8;
	v48 =	vld [tilespmem:$0x1FEB0]  }
0x150: {  	v51 =	vor.u32 $0xF, v6;
	v9 =	vadd.f32 v12, v9;
	v12 =	vmul.f32 v25, v24;
	v25 =	vld.idx.msk [tilespmem:v49+s14+$0x0], $0xffff  }
0x151: {  	v11 =	vmul.f32 v14, v11;
	v10 =	vadd.f32 $0.0e+00, v10;
	v49 =	vld [tilespmem:$0x1FEC0]  }
0x152: {  	v9 =	vadd.f32 v12, v9;
	v12 =	vmul.f32 v28, v27;
	v28 =	vld.idx.msk [tilespmem:v50+s14+$0x0], $0xffff;
	v50 =	vor.u32 $0x10, v6  }
0x153: {  	v13 =	vld.idx.msk [tilespmem:v46+s12+$0x0], $0xffff  }
0x154: {  	v10 =	vadd.f32 v11, v10;
	v46 =	vld [tilespmem:$0x1FED0];
	v48 =	vadd.s32 v48, v7  }
0x155: {  	v11 =	vmul.f32 v17, v15;
	v9 =	vadd.f32 v12, v9;
	v12 =	vmul.f32 v31, v30;
	v31 =	vld.idx.msk [tilespmem:v51+s12+$0x0], $0xffff  }
0x156: {  	v51 =	vld [tilespmem:$0x1FEF0];
	v49 =	vadd.s32 v49, v8  }
0x157: {  	v10 =	vadd.f32 v11, v10;
	v11 =	vmul.f32 v20, v18;
	v18 =	vld.idx.msk [tilespmem:v50+s12+$0x0], $0xffff  }
0x158: {  	v50 =	vld [tilespmem:$0x1FF20]  }
0x159: {  	v14 =	vld.idx.msk [tilespmem:v48+s14+$0x0], $0xffff  }
0x15a: {  	v46 =	vadd.s32 v46, v7;
	v48 =	vld [tilespmem:$0x1FEE0]  }
0x15b: {  	v51 =	vadd.s32 v51, v7;
	v15 =	vld.idx.msk [tilespmem:v49+s14+$0x0], $0xffff  }
0x15c: {  	v9 =	vadd.f32 v12, v9;
	v12 =	vmul.f32 v34, v33;
	v49 =	vld [tilespmem:$0x1FF00]  }
0x15d: {  	v47 =	vld.idx.msk [tilespmem:v47+s14+$0x0], $0xffff;
	v17 =	vor.u32 $0x11, v6;
	v10 =	vadd.f32 v11, v10  }
0x15e: {  	v44 =	vld.idx.msk [tilespmem:v44+s14+$0x0], $0xffff;
	v11 =	vmul.f32 v23, v21;
	v9 =	vadd.f32 v12, v9;
	v12 =	vmul.f32 v37, v36  }
0x15f: {  	v34 =	vld.idx.msk [tilespmem:v46+s14+$0x0], $0xffff;
	v48 =	vadd.s32 v48, v8  }
0x160: {  	v10 =	vadd.f32 v11, v10;
	v9 =	vadd.f32 v12, v9;
	v23 =	vadd.s32 v50, v8;
	v21 =	vld.idx.msk [tilespmem:v51+s14+$0x0], $0xffff  }
0x161: {  	v50 =	vmul.f32 v26, v24;
	v51 =	vmul.f32 v40, v39;
	v46 =	vadd.s32 v49, v8;
	v49 =	vld [tilespmem:$0x1FF10]  }
0x162: {  	v17 =	vld.idx.msk [tilespmem:v17+s12+$0x0], $0xffff  }
0x163: {  	v10 =	vadd.f32 v50, v10;
	v50 =	vld [tilespmem:$0x1FF50];
	v9 =	vadd.f32 v51, v9;
	v51 =	vmul.f32 v43, v42  }
0x164: {  	v26 =	vor.u32 $0x13, v6;
	v37 =	vld.idx.msk [tilespmem:v48+s14+$0x0], $0xffff  }
0x165: {  	v9 =	vadd.f32 v51, v9;
	v51 =	vmul.f32 v19, v45;
	v19 =	vld.idx.msk [tilespmem:v23+s14+$0x0], $0xffff;
	v23 =	vor.u32 $0x14, v6  }
0x166: {  	v20 =	vadd.s32 v49, v7;
	v49 =	vld [tilespmem:$0x1FF30]  }
0x167: {  	v48 =	vor.u32 $0x12, v6;
	v24 =	vld.idx.msk [tilespmem:v46+s14+$0x0], $0xffff  }
0x168: {  	v46 =	vld [tilespmem:$0x1FF40]  }
0x169: {  	v26 =	vld.idx.msk [tilespmem:v26+s12+$0x0], $0xffff  }
0x16a: {  	v9 =	vadd.f32 v51, v9;
	v51 =	vmul.f32 v35, v33;
	v35 =	vor.u32 $0x15, v6;
	v23 =	vld.idx.msk [tilespmem:v23+s12+$0x0], $0xffff  }
0x16b: {  	v20 =	vld.idx.msk [tilespmem:v20+s14+$0x0], $0xffff  }
0x16c: {  	v40 =	vadd.s32 v49, v7;
	v49 =	vmul.f32 v29, v27;
	v27 =	vld.idx.msk [tilespmem:v48+s12+$0x0], $0xffff  }
0x16d: {  	v43 =	vadd.s32 v46, v8;
	v48 =	vld [tilespmem:$0x1FF60]  }
0x16e: {  	v29 =	vadd.s32 v50, v7;
	v50 =	vld [tilespmem:$0x1FF70]  }
0x16f: {  	v35 =	vld.idx.msk [tilespmem:v35+s12+$0x0], $0xffff  }
0x170: {  	v46 =	vmul.f32 v32, v30;
	v10 =	vadd.f32 v49, v10;
	v49 =	vmul.f32 v44, v22;
	v44 =	vld [tilespmem:$0x1FF80]  }
0x171: {  	v30 =	vld.idx.msk [tilespmem:v40+s14+$0x0], $0xffff  }
0x172: {  	v10 =	vadd.f32 v46, v10;
	v33 =	vld.idx.msk [tilespmem:v43+s14+$0x0], $0xffff  }
0x173: {  	v9 =	vadd.f32 v49, v9;
	v32 =	vadd.s32 v48, v8;
	v43 =	vmul.f32 v28, v13;
	v28 =	vld.idx.msk [tilespmem:v29+s14+$0x0], $0xffff  }
0x174: {  	v40 =	vadd.s32 v50, v7;
	v48 =	vld [tilespmem:$0x1FF90]  }
0x175: {  	v49 =	vmul.f32 v15, v31;
	v10 =	vadd.f32 v51, v10;
	v51 =	vld [tilespmem:$0x1FFA0];
	v9 =	vadd.f32 v43, v9  }
0x176: {  	v46 =	vmul.f32 v38, v36;
	v29 =	vadd.s32 v44, v8;
	v44 =	vld [tilespmem:$0x1FFB0]  }
0x177: {  	v9 =	vadd.f32 v49, v9;
	v49 =	vld [tilespmem:$0x1FFC0]  }
0x178: {  	v50 =	vmul.f32 v41, v39;
	v10 =	vadd.f32 v46, v10;
	v15 =	vld.idx.msk [tilespmem:v32+s14+$0x0], $0xffff  }
0x179: {  	v43 =	vmul.f32 v37, v18;
	v46 =	vmul.f32 v16, v42;
	v36 =	vadd.s32 v48, v7;
	v38 =	vld.idx.msk [tilespmem:v40+s14+$0x0], $0xffff  }
0x17a: {  	v32 =	vor.u32 $0x16, v6;
	v10 =	vadd.f32 v50, v10;
	v39 =	vadd.s32 v51, v8;
	v51 =	vld [tilespmem:$0x1FFD0]  }
0x17b: {  	v48 =	vmul.f32 v24, v17;
	v9 =	vadd.f32 v43, v9;
	v16 =	vld.idx.msk [tilespmem:v29+s14+$0x0], $0xffff  }
0x17c: {  	v37 =	vadd.s32 v44, v7;
	v10 =	vadd.f32 v46, v10;
	v46 =	vld [tilespmem:$0x1FFE0]  }
0x17d: {  	v50 =	vmul.f32 v47, v45;
	v29 =	vor.u32 $0x17, v6;
	v9 =	vadd.f32 v48, v9;
	v48 =	vld [tilespmem:$0x1FFF0]  }
0x17e: {  	v44 =	vor.u32 $0x18, v6;
	v24 =	vld.idx.msk [tilespmem:v36+s14+$0x0], $0xffff  }
0x17f: {  	v10 =	vadd.f32 v50, v10;
	v50 =	vor.u32 $0x19, v6;
	v32 =	vld.idx.msk [tilespmem:v32+s12+$0x0], $0xffff  }
0x180: {  	v43 =	vmul.f32 v19, v27;
	v36 =	vadd.s32 v49, v8;
	v19 =	vld.idx.msk [tilespmem:v39+s14+$0x0], $0xffff  }
0x181: {  	v41 =	vadd.s32 v52, v8;
	v45 =	vmul.f32 v25, v22;
	v22 =	vld.idx.msk [tilespmem:v37+s14+$0x0], $0xffff  }
0x182: {  	v47 =	vmul.f32 v33, v26;
	v9 =	vadd.f32 v43, v9;
	v25 =	vadd.s32 v46, v8;
	v29 =	vld.idx.msk [tilespmem:v29+s12+$0x0], $0xffff  }
0x183: {  	v42 =	vmul.f32 v34, v31;
	v49 =	vmul.f32 v14, v13;
	v40 =	vadd.s32 v51, v7;
	v31 =	vld.idx.msk [tilespmem:v44+s12+$0x0], $0xffff  }
0x184: {  	v51 =	vmul.f32 v15, v23;
	v9 =	vadd.f32 v47, v9;
	v46 =	vadd.s32 v54, v8;
	v14 =	vld.idx.msk [tilespmem:v50+s12+$0x0], $0xffff  }
0x185: {  	v10 =	vadd.f32 v45, v10;
	v37 =	vor.u32 $0x1C, v6;
	v13 =	vld.idx.msk [tilespmem:v36+s14+$0x0], $0xffff  }
0x186: {  	v43 =	vor.u32 $0x1A, v6;
	v44 =	vmul.f32 v16, v35;
	v9 =	vadd.f32 v51, v9;
	v36 =	vld.idx.msk [tilespmem:v41+s14+$0x0], $0xffff  }
0x187: {  	v33 =	vadd.s32 v48, v7;
	v10 =	vadd.f32 v49, v10;
	v48 =	vor.u32 $0x1B, v6;
	v45 =	vld.idx.msk [tilespmem:v25+s14+$0x0], $0xffff  }
0x188: {  	v50 =	vadd.s32 v56, v8;
	v15 =	vld.idx.msk [tilespmem:v40+s14+$0x0], $0xffff;
	v9 =	vadd.f32 v44, v9;
	v49 =	vmul.f32 v19, v32  }
0x189: {  	v47 =	vmul.f32 v21, v18;
	v51 =	vmul.f32 v20, v17;
	v10 =	vadd.f32 v42, v10;
	v25 =	vld.idx.msk [tilespmem:v46+s14+$0x0], $0xffff  }
0x18a: {  	v40 =	vadd.s32 v59, v8;
	v17 =	vld.idx.msk [tilespmem:v37+s12+$0x0], $0xffff;
	v9 =	vadd.f32 v49, v9;
	v39 =	vmul.f32 v13, v29  }
0x18b: {  	v26 =	vmul.f32 v28, v26;
	v42 =	vor.u32 $0x1D, v6;
	v10 =	vadd.f32 v47, v10;
	v13 =	vld.idx.msk [tilespmem:v43+s12+$0x0], $0xffff  }
0x18c: {  	v44 =	vadd.s32 v1, v8;
	v16 =	vld.idx.msk [tilespmem:v48+s12+$0x0], $0xffff;
	v9 =	vadd.f32 v39, v9;
	v43 =	vmul.f32 v45, v31  }
0x18d: {  	v41 =	vmul.f32 v30, v27;
	v46 =	vor.u32 $0x1E, v6;
	v10 =	vadd.f32 v51, v10;
	v45 =	vld.idx.msk [tilespmem:v50+s14+$0x0], $0xffff  }
0x18e: {  	v18 =	vld.idx.msk [tilespmem:v33+s14+$0x0], $0xffff;
	v48 =	vadd.s32 v4, v8;
	v47 =	vmul.f32 v36, v14;
	v9 =	vadd.f32 v43, v9  }
0x18f: {  	v6 =	vor.u32 $0x1F, v6;
	v10 =	vadd.f32 v41, v10;
	v49 =	vld.idx.msk [tilespmem:v40+s14+$0x0], $0xffff;
	v50 =	vor.u32 $0x1F, v2  }
0x190: {  	v30 =	vld.idx.msk [tilespmem:v42+s12+$0x0], $0xffff;
	v8 =	vadd.s32 v50, v8;
	v51 =	vmul.f32 v25, v13;
	v9 =	vadd.f32 v47, v9  }
0x191: {  	v23 =	vmul.f32 v38, v23;
	v33 =	vadd.s32 v53, v7;
	v21 =	vld.idx.msk [tilespmem:v44+s14+$0x0], $0xffff;
	v10 =	vadd.f32 v26, v10  }
0x192: {  	v34 =	vld.idx.msk [tilespmem:v46+s12+$0x0], $0xffff;
	v11 =	vmul.f32 v45, v16;
	v9 =	vadd.f32 v51, v9  }
0x193: {  	v35 =	vmul.f32 v24, v35;
	v36 =	vadd.s32 v55, v7;
	v20 =	vld.idx.msk [tilespmem:v48+s14+$0x0], $0xffff;
	v10 =	vadd.f32 v23, v10  }
0x194: {  	v6 =	vld.idx.msk [tilespmem:v6+s12+$0x0], $0xffff;
	v37 =	vmul.f32 v49, v17;
	v9 =	vadd.f32 v11, v9  }
0x195: {  	v38 =	vmul.f32 v22, v32;
	v39 =	vadd.s32 v57, v7;
	v10 =	vadd.f32 v35, v10;
	v8 =	vld.idx.msk [tilespmem:v8+s14+$0x0], $0xffff  }
0x196: {  	v40 =	vld.idx.msk [tilespmem:v33+s14+$0x0], $0xffff;
	v21 =	vmul.f32 v21, v30;
	v9 =	vadd.f32 v37, v9  }
0x197: {  	v15 =	vmul.f32 v15, v29;
	v41 =	vadd.s32 v60, v7;
	v10 =	vadd.f32 v38, v10  }
0x198: {  	v42 =	vld.idx.msk [tilespmem:v36+s14+$0x0], $0xffff;
	v20 =	vmul.f32 v20, v34;
	v9 =	vadd.f32 v21, v9  }
0x199: {  	v44 =	vadd.s32 v3, v7;
	v43 =	vmul.f32 v18, v31;
	v10 =	vadd.f32 v15, v10  }
0x19a: {  	v45 =	vld.idx.msk [tilespmem:v39+s14+$0x0], $0xffff;
	v8 =	vmul.f32 v8, v6;
	v9 =	vadd.f32 v20, v9  }
0x19b: {  	v46 =	vadd.s32 v5, v7;
	v11 =	vmul.f32 v40, v14;
	v10 =	vadd.f32 v43, v10  }
0x19c: {  	v48 =	vor.u32 $0x81F, v2;
	v47 =	vld.idx.msk [tilespmem:v41+s14+$0x0], $0xffff;
	v8 =	vadd.f32 v8, v9  }
0x19d: {  	v7 =	vadd.s32 v48, v7;
	v49 =	vmul.f32 v42, v13;
	v10 =	vadd.f32 v11, v10  }
0x19e: {  	v50 =	vld.idx.msk [tilespmem:v44+s14+$0x0], $0xffff;
	v51 =	vand.u32 $0x7FFFFFFF, v8  }
0x19f: {  	v16 =	vmul.f32 v45, v16;
	v10 =	vadd.f32 v49, v10;
	v13 =	vsub.f32 $0.0e+00, v51  }
0x1a0: {  	v14 =	vld.idx.msk [tilespmem:v46+s14+$0x0], $0xffff  }
0x1a1: {  	v17 =	vmul.f32 v47, v17;
	v10 =	vadd.f32 v16, v10;
	v13 =	vmul.f32 $1.442695020e+00, v13  }
0x1a2: {  	v7 =	vld.idx.msk [tilespmem:v7+s14+$0x0], $0xffff  }
0x1a3: {  	v9 =	vmul.f32 v50, v30;
	v10 =	vadd.f32 v17, v10;
	(erf) = vpow2.f32 v13;
	_ =	sdelay $0x1  }
0x1a4: {  	v18 =	vmul.f32 v14, v34;
	v9 =	vadd.f32 v9, v10;
	_ =	sdelay $0x1  }
0x1a5: {  	v6 =	vmul.f32 v7, v6;
	v9 =	vadd.f32 v18, v9;
	_ =	sdelay $0x1  }
0x1a6: {  	v6 =	vadd.f32 v6, v9;
	_ =	sdelay $0x1  }
0x1a7: {  	v7 =	vand.u32 $0x7FFFFFFF, v6  }
0x1a8: {  	v7 =	vsub.f32 $0.0e+00, v7;
	v19 =	vpop (erf)  }
0x1a9: {  	v20 =	vadd.f32 $2.000000000e+00, v19  }
0x1aa: {  	v7 =	vmul.f32 $1.442695020e+00, v7  }
0x1ab: {  	(erf) = vrcp.f32 v20  }
0x1ac: {  	(erf) = vpow2.f32 v7;
	_ =	sdelay $0x7  }
0x1ad: {  	v7 =	vpop (erf)  }
0x1ae: {  	v21 =	vpop (erf)  }
0x1af: {  	v22 =	vadd.f32 $2.000000000e+00, v21;
	_ =	sdelay $0x1  }
0x1b0: {  	v25 =	vld [tilespmem:$0x1FB50];
	(erf) = vrcp.f32 v22  }
0x1b1: {  	v26 =	vld [tilespmem:$0x1FB60]  }
0x1b2: {  	v28 =	vld [tilespmem:$0x1FB70]  }
0x1b3: {  	v30 =	vld [tilespmem:$0x1FB80];
	_ =	sdelay $0x1  }
0x1b4: {  	v32 =	vld [tilespmem:$0x1FB90];
	vm0 =	vnez.u8 v25  }
0x1b5: {  	v11 =	vsel vm0, $0x1, v0;
	vm0 =	vnez.u8 v26  }
0x1b6: {  	v33 =	vld [tilespmem:$0x1FBA0];
	v12 =	vsel vm0, $0x1, v0;
	vm0 =	vnez.u8 v28  }
0x1b7: {  	v14 =	vsel vm0, $0x1, v0;
	vm0 =	vnez.u8 v30  }
0x1b8: {  	v34 =	vld [tilespmem:$0x1FBB0];
	v11 =	vadd.s32 v11, v12;
	v15 =	vsel vm0, $0x1, v0;
	v23 =	vpop (erf)  }
0x1b9: {  	vm0 =	vnez.u8 v32;
	v7 =	vmul.f32 v7, v19;
	v9 =	vmul.f32 v23, v21  }
0x1ba: {  	v35 =	vld [tilespmem:$0x1FBC0];
	v11 =	vadd.s32 v14, v11;
	v16 =	vsel vm0, $0x1, v0  }
0x1bb: {  	vm0 =	vnez.u8 v33;
	v24 =	vmul.f32 v7, v7;
	v27 =	vmul.f32 v9, v9  }
0x1bc: {  	v36 =	vld [tilespmem:$0x1FBD0];
	v11 =	vadd.s32 v15, v11;
	v15 =	vsel vm0, $0x1, v0  }
0x1bd: {  	vm0 =	vnez.u8 v34;
	v29 =	vmul.f32 $9.090909360e-02, v24;
	v31 =	vmul.f32 $9.090909360e-02, v27  }
0x1be: {  	v48 =	vsel vm3, $0x1, v0;
	v37 =	vld [tilespmem:$0x1FBE0];
	v11 =	vadd.s32 v16, v11;
	v16 =	vsel vm0, $0x1, v0  }
0x1bf: {  	vm0 =	vnez.u8 v35;
	v12 =	vadd.f32 $1.111111120e-01, v29;
	v14 =	vadd.f32 $1.111111120e-01, v31  }
0x1c0: {  	v41 =	vsel vm13, $0x1, v0;
	v38 =	vld [tilespmem:$0x1FBF0];
	v11 =	vadd.s32 v15, v11;
	v15 =	vsel vm0, $0x1, v0  }
0x1c1: {  	vm0 =	vnez.u8 v36;
	v12 =	vmul.f32 v12, v24;
	v14 =	vmul.f32 v14, v27  }
0x1c2: {  	v44 =	vsel vm7, $0x1, v0;
	v11 =	vadd.s32 v16, v11;
	v16 =	vsel vm0, $0x1, v0  }
0x1c3: {  	vm0 =	vnez.u8 v37;
	v12 =	vadd.f32 $1.428571490e-01, v12;
	v14 =	vadd.f32 $1.428571490e-01, v14  }
0x1c4: {  	v39 =	vsel vm11, $0x1, v0;
	v11 =	vadd.s32 v15, v11;
	v15 =	vsel vm0, $0x1, v0  }
0x1c5: {  	vm0 =	vnez.u8 v38;
	v12 =	vmul.f32 v12, v24;
	v14 =	vmul.f32 v14, v27  }
0x1c6: {  	v40 =	vsel vm12, $0x1, v0;
	v11 =	vadd.s32 v16, v11;
	v16 =	vsel vm0, $0x1, v0  }
0x1c7: {  	v11 =	vadd.s32 v15, v11;
	v12 =	vadd.f32 $2.000000030e-01, v12;
	v14 =	vadd.f32 $2.000000030e-01, v14  }
0x1c8: {  	v42 =	vsel vm14, $0x1, v0;
	v46 =	vsel vm5, $0x1, v0;
	v11 =	vadd.s32 v16, v11  }
0x1c9: {  	v11 =	vadd.s32 v39, v11;
	v12 =	vmul.f32 v12, v24;
	v14 =	vmul.f32 v14, v27  }
0x1ca: {  	v47 =	vsel vm4, $0x1, v0;
	v45 =	vsel vm6, $0x1, v0;
	v11 =	vadd.s32 v40, v11  }
0x1cb: {  	v11 =	vadd.s32 v41, v11;
	v12 =	vadd.f32 $3.333333430e-01, v12;
	v14 =	vadd.f32 $3.333333430e-01, v14  }
0x1cc: {  	v43 =	vsel vm8, $0x1, v0;
	v49 =	vsel vm2, $0x1, v0;
	v11 =	vadd.s32 v42, v11  }
0x1cd: {  	v11 =	vadd.s32 v43, v11;
	v10 =	vmul.f32 v12, v24;
	v13 =	vmul.f32 v14, v27  }
0x1ce: {  	v11 =	vadd.s32 v44, v11;
	v7 =	vadd.f32 v7, v7;
	v9 =	vadd.f32 v9, v9  }
0x1cf: {  	v11 =	vadd.s32 v45, v11;
	v10 =	vadd.f32 $1.000000000e+00, v10;
	v13 =	vadd.f32 $1.000000000e+00, v13  }
0x1d0: {  	v50 =	vlaneseq.u32;
	v8 =	vmin.f32 v8, $0.0e+00;
	v11 =	vadd.s32 v46, v11  }
0x1d1: {  	v11 =	vadd.s32 v47, v11;
	v7 =	vmul.f32 v10, v7;
	v9 =	vmul.f32 v13, v9  }
0x1d2: {  	v51 =	vor.u32 $0x10, v50;
	v6 =	vmin.f32 v6, $0.0e+00;
	v11 =	vadd.s32 v48, v11  }
0x1d3: {  	v10 =	vadd.s32 v49, v11;
	v7 =	vsub.f32 v8, v7;
	v6 =	vsub.f32 v6, v9  }
0x1d4: {  	vm6 =	vgt.u32 v10, v51;
	vm7 =	vgt.u32 v10, v50  }
0x1d5: {  	v7 =	vnsel vm7, $0x3F800000, v7;
	v6 =	vnsel vm6, $0x3F800000, v6  }
0x1d6: {  	v6 =	vmul.f32 v6, v7;
	_ =	sdelay $0x1  }
0x1d7: {  	[tilespmem:$0x1850] =	vst v6  }
0x1d8: {  	v7 =	vld.idx.msk [tilespmem:v58+s17+$0x0], $0xffff;
	_ =	sdelay $0x4  }
0x1d9: {  	v6 =	vmul.f32 v6, v7;
	_ =	sdelay $0x1  }
0x1da: {  	[tilespmem:$0x1850] =	vst v6  }
0x1db: {  	v7 =	vld.idx.msk [tilespmem:v61+s17+$0x0], $0xffff;
	_ =	sdelay $0x4  }
0x1dc: {  	v6 =	vmul.f32 v6, v7;
	_ =	sdelay $0x1  }
0x1dd: {  	[tilespmem:$0x1850] =	vst v6  }
0x1de: {  	v7 =	vld.idx.msk [tilespmem:v62+s17+$0x0], $0xffff;
	_ =	sdelay $0x4  }
0x1df: {  	v6 =	vmul.f32 v6, v7;
	_ =	sdelay $0x1  }
0x1e0: {  	[tilespmem:$0x1850] =	vst v6  }
0x1e1: {  	v7 =	vld.idx.msk [tilespmem:v63+s17+$0x0], $0xffff;
	_ =	sdelay $0x4  }
0x1e2: {  	v6 =	vmul.f32 v6, v7;
	_ =	sdelay $0x1  }
0x1e3: {  	v6 =	vsub.f32 $0.0e+00, v6  }
0x1e4: {  	p0 =	sne.s32 s7, $0x1  }
.Ltmp1:
0x1e5: {  	[tilespmem:$0x1850] =	vst v6;
	(pc) =	sbr.rel @p0 .LBB2_2-.Ltmp1, $4  }
0x1e6: {  	[hbm4b:s6+s8] =	stream.linear.scatter [tilespmem:s17], [sflag:$0x3], $0x10, $0x38;
	[tilespmem:$0x1860] =	vst v63  }
0x1e7: {  	_ =	swait.ge [sflag:s9], $0x10  }
0x1e8: {  	[sflag:s9] =	ssyncset.done $0x0  }
0x1e9: {  	s7 =	sadd.s32 $0xFFFFFFFF, s7;
	[sflag:s9] =	ssyncadd.s32 $0xFFFFFFF0  }
.LBB2_3:
0x1ea: {  	_ =	sfence.sel $0x180000  }
0x1eb: {  	[bflag:$0x0] =	sbarrier.arrive $0xFFFF  }
0x1ec: {  	p0 =	sne.s32 s0, $0x0;
	_ =	strace $0x90000047  }
0x1ed: {  	s0 =	sadd.s32 @!p0 $0x100000, s1;
	[bflag:$0x2] =	sbarrier.arrive $0xFFFF  }
0x1ee: {  	[sflag:s0] =	ssyncadd.tile.s32 @!p0 $0x1;
	_ =	shalt  }
.Lfunc_end2:
_tile_overlayer_lowered:
.L_overlay_start_2:
0x1ef: {  	(tag) =	ssettag $0x2  }
0x1f0: {  	s0 =	rddreg [dreg:$0x0];
	s2 =	stileid.u32  }
0x1f1: {  	s1 =	rddreg [dreg:$0x1];
	p0 =	sne.s32 s2, $0x0  }
0x1f2: {  	s3 =	rddreg [dreg:$0x2];
	[bflag:$0x3] =	sbarrier.arrive $0xFFFF;
	s2 =	simm.s32 @!p0 $0x1C03  }
0x1f3: {  	[timem:s3], [sflag:s2] =	dma.local @!p0 [hbm:s0], s1  }
0x1f4: {  	s0 =	simm.s32 @!p0 $0x3  }
0x1f5: {  	_ =	swait.ge @!p0 [sflag:s0], s1  }
0x1f6: {  	s1 =	ssub.s32 @!p0 $0x0, s1;
	[sflag:s0] =	ssyncset.done @!p0 $0x0  }
0x1f7: {  	[sflag:s0] =	ssyncadd.s32 @!p0 s1  }
0x1f8: {  	[bflag:$0x3] =	sbarrier.arrive $0xFFFF  }
0x1f9: {  	_ =	shalt  }

</sc_bundles>
